<compile_context>
chip_gen: v7x
topology: tpu7x:2x2x1
jax: 0.10.2.dev20260603
libtpu: 0.0.44.dev20260713+nightly
codegen_flags: <defaults>
</compile_context>

<pallas_src>
import functools

import jax
import jax.numpy as jnp
from jax import lax
from jax.experimental import pallas as pl
from jax.experimental.pallas import tpu as pltpu
from jax.experimental.pallas import tpu_sc as plsc

N = 10000
G = 128
E = 320000

NC = 2
NS = 16
NW = NC * NS
CHUNK = 128
CPW = 80
EPW = CPW * CHUNK
EP = NW * EPW
RPT = 632
NP = RPT * NS

_MESH = plsc.VectorSubcoreMesh(core_axis_name="c", subcore_axis_name="s")


@functools.partial(
    pl.kernel,
    out_type=jax.ShapeDtypeStruct((NW, NP), jnp.float32),
    mesh=_MESH,
    scratch_types=[
        pltpu.VMEM((EPW,), jnp.int32),
        pltpu.VMEM((NP,), jnp.float32),
    ],
    compiler_params=pltpu.CompilerParams(
        needs_layout_passes=False, use_tc_tiling_on_sc=False),
)
def _deg_kernel(dstf_hbm, zerosn_hbm, out_hbm, idx_v, acc_v):
    c = lax.axis_index("c")
    s = lax.axis_index("s")
    wid = s * NC + c
    pltpu.sync_copy(dstf_hbm.at[wid], idx_v)
    pltpu.sync_copy(zerosn_hbm, acc_v)
    ones = jnp.ones((16,), jnp.float32)

    def body(i, carry):
        idx = idx_v[pl.ds(i * 16, 16)]
        plsc.addupdate_scatter(acc_v, [idx], ones)
        return carry

    lax.fori_loop(0, EPW // 16, body, 0)
    pltpu.sync_copy(acc_v, out_hbm.at[wid])


NBUF = 4


def _make_prop(d):
    @functools.partial(
        pl.kernel,
        out_type=jax.ShapeDtypeStruct((NC, NP, d), jnp.float32),
        mesh=_MESH,
        scratch_types=[
            pltpu.VMEM((CPW, CHUNK), jnp.int32),
            pltpu.VMEM((CPW, CHUNK), jnp.int32),
            [pltpu.VMEM((CHUNK, d), jnp.float32)] * NBUF,
            pltpu.VMEM_SHARED((NP, d), jnp.float32),
            [pltpu.SemaphoreType.DMA] * NBUF,
            [pltpu.SemaphoreType.DMA] * NBUF,
        ],
        compiler_params=pltpu.CompilerParams(use_tc_tiling_on_sc=False),
    )
    def prop(h_hbm, srcp_hbm, dstp_hbm, zeros_hbm, out_hbm,
             src_v, dst_v, bufs, acc, gsem, ssem):
        c = lax.axis_index("c")
        s = lax.axis_index("s")
        wid = s * NC + c
        pltpu.sync_copy(zeros_hbm.at[pl.ds(s * RPT, RPT)],
                        acc.at[pl.ds(s * RPT, RPT)])
        pltpu.sync_copy(srcp_hbm.at[wid], src_v)
        pltpu.sync_copy(dstp_hbm.at[wid], dst_v)
        plsc.subcore_barrier()

        def gather(j, b):
            pltpu.async_copy(h_hbm.at[src_v.at[j]], bufs[b], gsem[b])

        def gather_wait(j, b):
            pltpu.make_async_copy(h_hbm.at[src_v.at[j]], bufs[b],
                                  gsem[b]).wait()

        def scat(j, b):
            pltpu.async_copy(bufs[b], acc.at[dst_v.at[j]], ssem[b], add=True)

        def scat_wait(j, b):
            pltpu.make_async_copy(bufs[b], acc.at[dst_v.at[j]],
                                  ssem[b]).wait()

        for b in range(NBUF):
            gather(b, b)

        def round_body(i, carry):
            t0 = i * NBUF
            for b in range(NBUF):
                gather_wait(t0 + b, b)
                scat(t0 + b, b)
            for b in range(NBUF):
                scat_wait(t0 + b, b)
                gather(t0 + NBUF + b, b)
            return carry

        lax.fori_loop(0, CPW // NBUF - 1, round_body, 0)
        t0 = CPW - NBUF
        for b in range(NBUF):
            gather_wait(t0 + b, b)
            scat(t0 + b, b)
        for b in range(NBUF):
            scat_wait(t0 + b, b)
        plsc.subcore_barrier()
        pltpu.sync_copy(acc.at[pl.ds(s * RPT, RPT)],
                        out_hbm.at[c, pl.ds(s * RPT, RPT)])

    return prop


_prop64 = _make_prop(64)
_prop32 = _make_prop(32)
_prop16 = _make_prop(16)


def _tc_first_body(x_ref, w_ref, degp_ref, h1p_ref, dis_ref):
    counts = jnp.sum(degp_ref[...], axis=0)
    dis = lax.rsqrt(counts[0:N] + 1.0)[:, None]
    dis_ref[...] = dis
    h = jnp.dot(x_ref[...], w_ref[...], preferred_element_type=jnp.float32)
    h1p_ref[...] = h * dis


def _tc_mid_body(sp_ref, hp_ref, dis_ref, b_ref, w_ref, out_ref):
    dis = dis_ref[...]
    a = dis * (sp_ref[0, 0:N, :] + sp_ref[1, 0:N, :] + hp_ref[...]) \
        + b_ref[...][None, :]
    a = jnp.maximum(a, 0.0)
    out_ref[...] = jnp.dot(a, w_ref[...],
                           preferred_element_type=jnp.float32) * dis


def _tc_final_body(sp_ref, hp_ref, dis_ref, b3_ref, batch_ref,
                   wl1_ref, bl1_ref, wl2_ref, bl2_ref, out_ref):
    feats = dis_ref[...] * (sp_ref[0, 0:N, :] + sp_ref[1, 0:N, :]
                            + hp_ref[...]) + b3_ref[...][None, :]
    gids = lax.broadcasted_iota(jnp.int32, (G, N), 0)
    mask = (batch_ref[...] == gids).astype(jnp.float32)
    pooled = jnp.dot(mask, feats, preferred_element_type=jnp.float32)
    cnt = jnp.sum(mask, axis=1, keepdims=True)
    mean = pooled / jnp.maximum(cnt, 1.0)
    h = jnp.dot(mean, wl1_ref[...], preferred_element_type=jnp.float32) \
        + bl1_ref[...][None, :]
    h = jnp.maximum(h, 0.0)
    o = jnp.dot(h, wl2_ref[...], preferred_element_type=jnp.float32) \
        + bl2_ref[...][None, :]
    out_ref[...] = jax.nn.sigmoid(o)


def _tc_first(x, w1, degp):
    return pl.pallas_call(
        _tc_first_body,
        out_shape=(jax.ShapeDtypeStruct((N, 64), jnp.float32),
                   jax.ShapeDtypeStruct((N, 1), jnp.float32)),
    )(x, w1, degp)


def _tc_mid(sp, hp, dis, b, w, d_out):
    return pl.pallas_call(
        _tc_mid_body,
        out_shape=jax.ShapeDtypeStruct((N, d_out), jnp.float32),
    )(sp, hp, dis, b, w)


def _tc_final(sp, hp, dis, b3, batch2d, wl1, bl1, wl2, bl2):
    return pl.pallas_call(
        _tc_final_body,
        out_shape=jax.ShapeDtypeStruct((G, 1), jnp.float32),
    )(sp, hp, dis, b3, batch2d, wl1, bl1, wl2, bl2)


def kernel(x, edge_index, batch, W1, b1, W2, b2, W3, b3, Wl1, bl1, Wl2, bl2):
    src = edge_index[0].astype(jnp.int32)
    dst = edge_index[1].astype(jnp.int32)
    pad = EP - E
    srcp = jnp.concatenate([src, jnp.zeros((pad,), jnp.int32)])
    srcp = srcp.reshape(NW, CPW, CHUNK)
    dstp = jnp.concatenate([dst, jnp.full((pad,), N, jnp.int32)])
    dstp = dstp.reshape(NW, CPW, CHUNK)
    dstf = dstp.reshape(NW, EPW)

    zerosn = jnp.zeros((NP,), jnp.float32)
    zeros64 = jnp.zeros((NP, 64), jnp.float32)
    zeros32 = jnp.zeros((NP, 32), jnp.float32)
    zeros16 = jnp.zeros((NP, 16), jnp.float32)
    batch2d = batch.astype(jnp.int32).reshape(1, N)

    degp = _deg_kernel(dstf, zerosn)
    h1p, dis = _tc_first(x, W1, degp)
    s1 = _prop64(h1p, srcp, dstp, zeros64)
    h2p = _tc_mid(s1, h1p, dis, b1, W2, 32)
    s2 = _prop32(h2p, srcp, dstp, zeros32)
    h3p = _tc_mid(s2, h2p, dis, b2, W3, 16)
    s3 = _prop16(h3p, srcp, dstp, zeros16)
    return _tc_final(s3, h3p, dis, b3, batch2d, Wl1, bl1, Wl2, bl2)

# --- scband reference (transcript-rebuilt; emitter-appended) ---
"""Pipeline reference for scband-gcn-53910429499424 (READ-ONLY COPY).

The authoritative reference and input builder live on the scoring server;
editing this copy changes nothing except your own understanding.
"""

import jax, jax.numpy as jnp
import numpy as np

N = 10000
E = 320000
G = 128
D_IN = 128


def gcn_conv(x, edge_index, W, b):
    num_nodes = x.shape[0]
    loop = jnp.arange(num_nodes, dtype=edge_index.dtype)
    src = jnp.concatenate([edge_index[0], loop])
    dst = jnp.concatenate([edge_index[1], loop])
    deg = jnp.zeros((num_nodes,), x.dtype).at[dst].add(1.0)
    deg_inv_sqrt = jnp.where(deg > 0, deg ** -0.5, 0.0)
    norm = deg_inv_sqrt[src] * deg_inv_sqrt[dst]
    h = x @ W
    msg = h[src] * norm[:, None]
    out = jnp.zeros((num_nodes, W.shape[1]), x.dtype).at[dst].add(msg)
    return out + b


def global_mean_pool(x, batch, num_graphs):
    s = jax.ops.segment_sum(x, batch, num_segments=num_graphs)
    cnt = jax.ops.segment_sum(jnp.ones((x.shape[0], 1), x.dtype), batch, num_segments=num_graphs)
    return s / jnp.maximum(cnt, 1.0)


def setup_inputs(seed: int = 0):
    key = jax.random.key(seed)
    ks = jax.random.split(key, 12)
    x = jax.random.normal(ks[0], (N, D_IN), jnp.float32)
    edge_index = jax.random.randint(ks[1], (2, E), 0, N, jnp.int32)
    batch = jnp.sort(jax.random.randint(ks[2], (N,), 0, G, jnp.int32))
    W1 = jax.random.normal(ks[3], (D_IN, 64), jnp.float32) * (1.0 / np.sqrt(D_IN))
    b1 = jnp.zeros((64,), jnp.float32)
    W2 = jax.random.normal(ks[4], (64, 32), jnp.float32) * (1.0 / np.sqrt(64))
    b2 = jnp.zeros((32,), jnp.float32)
    W3 = jax.random.normal(ks[5], (32, 16), jnp.float32) * (1.0 / np.sqrt(32))
    b3 = jnp.zeros((16,), jnp.float32)
    Wl1 = jax.random.normal(ks[6], (16, 8), jnp.float32) * (1.0 / np.sqrt(16))
    bl1 = jnp.zeros((8,), jnp.float32)
    Wl2 = jax.random.normal(ks[7], (8, 1), jnp.float32) * (1.0 / np.sqrt(8))
    bl2 = jnp.zeros((1,), jnp.float32)
    return {"x": x, "edge_index": edge_index, "batch": batch,
            "W1": W1, "b1": b1, "W2": W2, "b2": b2, "W3": W3, "b3": b3,
            "Wl1": Wl1, "bl1": bl1, "Wl2": Wl2, "bl2": bl2}


def reference(x, edge_index, batch, W1, b1, W2, b2, W3, b3, Wl1, bl1, Wl2, bl2):
    # num_layers == 3 branch
    h = gcn_conv(x, edge_index, W1, b1)
    h = jax.nn.relu(h)
    h = gcn_conv(h, edge_index, W2, b2)
    h = jax.nn.relu(h)
    h = gcn_conv(h, edge_index, W3, b3)
    h = global_mean_pool(h, batch, G)
    # dropout is identity in eval mode (training=False)
    h = h @ Wl1 + bl1
    h = jax.nn.relu(h)
    h = h @ Wl2 + bl2
    return jax.nn.sigmoid(h)

if __name__ == "__main__":
    import jax
    _d = setup_inputs()
    print(jax.jit(kernel)(*tuple(_d.values())))

</pallas_src>

<mosaic_0001>
#map = affine_map<(d0, d1) -> (0, 0)>
#map1 = affine_map<(d0, d1) -> (0)>
module attributes {stable_mosaic.version = 14 : i64} {
  func.func @_deg_kernel(%arg0: i32, %arg1: i32, %arg2: memref<32x10240xi32, #tpu.memory_space<hbm>>, %arg3: memref<10112xf32, #tpu.memory_space<hbm>>, %arg4: memref<32x10112xf32, #tpu.memory_space<hbm>>, %arg5: memref<10240xi32, #tpu.memory_space<vmem>>, %arg6: memref<10112xf32, #tpu.memory_space<vmem>>) attributes {dimension_semantics = [#tpu.dimension_semantics<core_parallel>, #tpu.dimension_semantics<subcore_parallel>], iteration_bounds = array<i64: 2, 16>, scalar_prefetch = 0 : i64, scratch_operands = 2 : i64, tpu.core_type = #tpu.core_type<sc_vector_subcore>, window_params = [{transform_indices = #map}, {transform_indices = #map1}, {transform_indices = #map}]} {
    %mul3A = arith.constant 2 : i32
    %mul3A_0 = arith.muli %arg1, %mul3A : i32
    %add3A = arith.addi %mul3A_0, %arg0 : i32
    "tpu.region"() ({
      %run_scoped3A = tpu.sem_alloc : memref<!tpu.dma_semaphore, #tpu.memory_space<semaphore_mem>>
      %dma_start3A = arith.constant 0 : i32
      %dma_start3A_7 = tpu.memref_slice %arg2[%add3A, %dma_start3A] : memref<32x10240xi32, #tpu.memory_space<hbm>> -> memref<1x10240xi32, #tpu.memory_space<hbm>>
      %dma_start3A_8 = tpu.memref_squeeze %dma_start3A_7 : memref<1x10240xi32, #tpu.memory_space<hbm>> -> memref<10240xi32, #tpu.memory_space<hbm>>
      %dma_start3A_9 = arith.constant 0 : i32
      %dma_start3A_10 = tpu.memref_slice %arg2[%add3A, %dma_start3A_9] : memref<32x10240xi32, #tpu.memory_space<hbm>> -> memref<1x10240xi32, #tpu.memory_space<hbm>>
      %dma_start3A_11 = tpu.memref_squeeze %dma_start3A_10 : memref<1x10240xi32, #tpu.memory_space<hbm>> -> memref<10240xi32, #tpu.memory_space<hbm>>
      tpu.enqueue_dma source(%dma_start3A_11 : memref<10240xi32, #tpu.memory_space<hbm>>) target(%arg5 : memref<10240xi32, #tpu.memory_space<vmem>>) target_semaphore(%run_scoped3A : memref<!tpu.dma_semaphore, #tpu.memory_space<semaphore_mem>>)
      %dma_wait3A = arith.constant 0 : i32
      %dma_wait3A_12 = tpu.memref_slice %arg2[%add3A, %dma_wait3A] : memref<32x10240xi32, #tpu.memory_space<hbm>> -> memref<1x10240xi32, #tpu.memory_space<hbm>>
      %dma_wait3A_13 = tpu.memref_squeeze %dma_wait3A_12 : memref<1x10240xi32, #tpu.memory_space<hbm>> -> memref<10240xi32, #tpu.memory_space<hbm>>
      %dma_wait3A_14 = arith.constant 0 : i32
      %dma_wait3A_15 = tpu.memref_slice %arg2[%add3A, %dma_wait3A_14] : memref<32x10240xi32, #tpu.memory_space<hbm>> -> memref<1x10240xi32, #tpu.memory_space<hbm>>
      %dma_wait3A_16 = tpu.memref_squeeze %dma_wait3A_15 : memref<1x10240xi32, #tpu.memory_space<hbm>> -> memref<10240xi32, #tpu.memory_space<hbm>>
      tpu.wait_dma2 semaphore(%run_scoped3A : memref<!tpu.dma_semaphore, #tpu.memory_space<semaphore_mem>>) src(%dma_wait3A_16 : memref<10240xi32, #tpu.memory_space<hbm>>) dst(%arg5 : memref<10240xi32, #tpu.memory_space<vmem>>)
      tpu.yield
    }) : () -> ()
    "tpu.region"() ({
      %run_scoped3A = tpu.sem_alloc : memref<!tpu.dma_semaphore, #tpu.memory_space<semaphore_mem>>
      tpu.enqueue_dma source(%arg3 : memref<10112xf32, #tpu.memory_space<hbm>>) target(%arg6 : memref<10112xf32, #tpu.memory_space<vmem>>) target_semaphore(%run_scoped3A : memref<!tpu.dma_semaphore, #tpu.memory_space<semaphore_mem>>)
      tpu.wait_dma2 semaphore(%run_scoped3A : memref<!tpu.dma_semaphore, #tpu.memory_space<semaphore_mem>>) src(%arg3 : memref<10112xf32, #tpu.memory_space<hbm>>) dst(%arg6 : memref<10112xf32, #tpu.memory_space<vmem>>)
      tpu.yield
    }) : () -> ()
    %broadcast_in_dim3A = arith.constant 1.000000e+00 : f32
    %broadcast_in_dim3A_1 = vector.broadcast %broadcast_in_dim3A : f32 to vector<16xf32>
    %scan3A = arith.constant 0 : i32
    %scan3A_2 = arith.constant 0 : i32
    %scan3A_3 = arith.constant 640 : i32
    %scan3A_4 = arith.addi %scan3A_2, %scan3A_3 : i32
    %scan3A_5 = arith.constant 1 : i32
    scf.for %scan3A_7 = %scan3A_2 to %scan3A_4 step %scan3A_5  : i32 {
      %mul3A_8 = arith.constant 16 : i32
      %mul3A_9 = arith.muli %scan3A_7, %mul3A_8 : i32
      %get3A = arith.index_cast %mul3A_9 : i32 to index
      %get3A_10 = tpu.vector_load %arg5[%get3A] {strides = array<i32>} : memref<10240xi32, #tpu.memory_space<vmem>>, vector<16xi32>,
      tpu.vector_store_idx %arg6[%get3A_10], %broadcast_in_dim3A_1 {add = true} : memref<10112xf32, #tpu.memory_space<vmem>>[vector<16xi32>], vector<16xf32>,
    }
    %scan3A_6 = arith.constant 640 : i32
    "tpu.region"() ({
      %run_scoped3A = tpu.sem_alloc : memref<!tpu.dma_semaphore, #tpu.memory_space<semaphore_mem>>
      %dma_start3A = arith.constant 0 : i32
      %dma_start3A_7 = tpu.memref_slice %arg4[%add3A, %dma_start3A] : memref<32x10112xf32, #tpu.memory_space<hbm>> -> memref<1x10112xf32, #tpu.memory_space<hbm>>
      %dma_start3A_8 = tpu.memref_squeeze %dma_start3A_7 : memref<1x10112xf32, #tpu.memory_space<hbm>> -> memref<10112xf32, #tpu.memory_space<hbm>>
      %dma_start3A_9 = arith.constant 0 : i32
      %dma_start3A_10 = tpu.memref_slice %arg4[%add3A, %dma_start3A_9] : memref<32x10112xf32, #tpu.memory_space<hbm>> -> memref<1x10112xf32, #tpu.memory_space<hbm>>
      %dma_start3A_11 = tpu.memref_squeeze %dma_start3A_10 : memref<1x10112xf32, #tpu.memory_space<hbm>> -> memref<10112xf32, #tpu.memory_space<hbm>>
      tpu.enqueue_dma source(%arg6 : memref<10112xf32, #tpu.memory_space<vmem>>) target(%dma_start3A_11 : memref<10112xf32, #tpu.memory_space<hbm>>) target_semaphore(%run_scoped3A : memref<!tpu.dma_semaphore, #tpu.memory_space<semaphore_mem>>)
      %dma_wait3A = arith.constant 0 : i32
      %dma_wait3A_12 = tpu.memref_slice %arg4[%add3A, %dma_wait3A] : memref<32x10112xf32, #tpu.memory_space<hbm>> -> memref<1x10112xf32, #tpu.memory_space<hbm>>
      %dma_wait3A_13 = tpu.memref_squeeze %dma_wait3A_12 : memref<1x10112xf32, #tpu.memory_space<hbm>> -> memref<10112xf32, #tpu.memory_space<hbm>>
      %dma_wait3A_14 = arith.constant 0 : i32
      %dma_wait3A_15 = tpu.memref_slice %arg4[%add3A, %dma_wait3A_14] : memref<32x10112xf32, #tpu.memory_space<hbm>> -> memref<1x10112xf32, #tpu.memory_space<hbm>>
      %dma_wait3A_16 = tpu.memref_squeeze %dma_wait3A_15 : memref<1x10112xf32, #tpu.memory_space<hbm>> -> memref<10112xf32, #tpu.memory_space<hbm>>
      tpu.wait_dma2 semaphore(%run_scoped3A : memref<!tpu.dma_semaphore, #tpu.memory_space<semaphore_mem>>) src(%arg6 : memref<10112xf32, #tpu.memory_space<vmem>>) dst(%dma_wait3A_16 : memref<10112xf32, #tpu.memory_space<hbm>>)
      tpu.yield
    }) : () -> ()
    return
  }
}

#map = affine_map<(d0, d1) -> (0, 0)>
#map1 = affine_map<(d0, d1) -> (0, 0, 0)>
module attributes {stable_mosaic.version = 14 : i64} {
  func.func @prop(%arg0: i32, %arg1: i32, %arg2: memref<10000x16xf32, #tpu.memory_space<hbm>>, %arg3: memref<32x80x128xi32, #tpu.memory_space<hbm>>, %arg4: memref<32x80x128xi32, #tpu.memory_space<hbm>>, %arg5: memref<10112x16xf32, #tpu.memory_space<hbm>>, %arg6: memref<2x10112x16xf32, #tpu.memory_space<hbm>>, %arg7: memref<80x128xi32, #tpu.memory_space<vmem>>, %arg8: memref<80x128xi32, #tpu.memory_space<vmem>>, %arg9: memref<128x16xf32, #tpu.memory_space<vmem>>, %arg10: memref<128x16xf32, #tpu.memory_space<vmem>>, %arg11: memref<128x16xf32, #tpu.memory_space<vmem>>, %arg12: memref<128x16xf32, #tpu.memory_space<vmem>>, %arg13: memref<10112x16xf32, #tpu.memory_space<vmem_shared>>, %arg14: memref<!tpu.dma_semaphore, #tpu.memory_space<semaphore_mem>>, %arg15: memref<!tpu.dma_semaphore, #tpu.memory_space<semaphore_mem>>, %arg16: memref<!tpu.dma_semaphore, #tpu.memory_space<semaphore_mem>>, %arg17: memref<!tpu.dma_semaphore, #tpu.memory_space<semaphore_mem>>, %arg18: memref<!tpu.dma_semaphore, #tpu.memory_space<semaphore_mem>>, %arg19: memref<!tpu.dma_semaphore, #tpu.memory_space<semaphore_mem>>, %arg20: memref<!tpu.dma_semaphore, #tpu.memory_space<semaphore_mem>>, %arg21: memref<!tpu.dma_semaphore, #tpu.memory_space<semaphore_mem>>) attributes {dimension_semantics = [#tpu.dimension_semantics<core_parallel>, #tpu.dimension_semantics<subcore_parallel>], iteration_bounds = array<i64: 2, 16>, scalar_prefetch = 0 : i64, scratch_operands = 15 : i64, tpu.core_type = #tpu.core_type<sc_vector_subcore>, window_params = [{transform_indices = #map}, {transform_indices = #map1}, {transform_indices = #map1}, {transform_indices = #map}, {transform_indices = #map1}]} {
    %mul3A = arith.constant 2 : i32
    %mul3A_0 = arith.muli %arg1, %mul3A : i32
    %add3A = arith.addi %mul3A_0, %arg0 : i32
    %mul3A_1 = arith.constant 632 : i32
    %mul3A_2 = arith.muli %arg1, %mul3A_1 : i32
    %mul3A_3 = arith.constant 632 : i32
    %mul3A_4 = arith.muli %arg1, %mul3A_3 : i32
    "tpu.region"() ({
      %run_scoped3A = tpu.sem_alloc : memref<!tpu.dma_semaphore, #tpu.memory_space<semaphore_mem>>
      %dma_start3A_125 = arith.constant 0 : i32
      %dma_start3A_126 = tpu.memref_slice %arg13[%mul3A_4, %dma_start3A_125] : memref<10112x16xf32, #tpu.memory_space<vmem_shared>> -> memref<632x16xf32, #tpu.memory_space<vmem_shared>>
      %dma_start3A_127 = arith.constant 0 : i32
      %dma_start3A_128 = tpu.memref_slice %arg5[%mul3A_2, %dma_start3A_127] : memref<10112x16xf32, #tpu.memory_space<hbm>> -> memref<632x16xf32, #tpu.memory_space<hbm>>
      tpu.enqueue_dma source(%dma_start3A_128 : memref<632x16xf32, #tpu.memory_space<hbm>>) target(%dma_start3A_126 : memref<632x16xf32, #tpu.memory_space<vmem_shared>>) target_semaphore(%run_scoped3A : memref<!tpu.dma_semaphore, #tpu.memory_space<semaphore_mem>>)
      %dma_wait3A_129 = arith.constant 0 : i32
      %dma_wait3A_130 = tpu.memref_slice %arg13[%mul3A_4, %dma_wait3A_129] : memref<10112x16xf32, #tpu.memory_space<vmem_shared>> -> memref<632x16xf32, #tpu.memory_space<vmem_shared>>
      %dma_wait3A_131 = arith.constant 0 : i32
      %dma_wait3A_132 = tpu.memref_slice %arg5[%mul3A_2, %dma_wait3A_131] : memref<10112x16xf32, #tpu.memory_space<hbm>> -> memref<632x16xf32, #tpu.memory_space<hbm>>
      tpu.wait_dma2 semaphore(%run_scoped3A : memref<!tpu.dma_semaphore, #tpu.memory_space<semaphore_mem>>) src(%dma_wait3A_132 : memref<632x16xf32, #tpu.memory_space<hbm>>) dst(%dma_wait3A_130 : memref<632x16xf32, #tpu.memory_space<vmem_shared>>)
      tpu.yield
    }) : () -> ()
    "tpu.region"() ({
      %run_scoped3A = tpu.sem_alloc : memref<!tpu.dma_semaphore, #tpu.memory_space<semaphore_mem>>
      %dma_start3A_125 = arith.constant 0 : i32
      %dma_start3A_126 = arith.constant 0 : i32
      %dma_start3A_127 = tpu.memref_slice %arg3[%add3A, %dma_start3A_125, %dma_start3A_126] : memref<32x80x128xi32, #tpu.memory_space<hbm>> -> memref<1x80x128xi32, #tpu.memory_space<hbm>>
      %dma_start3A_128 = tpu.memref_squeeze %dma_start3A_127 : memref<1x80x128xi32, #tpu.memory_space<hbm>> -> memref<80x128xi32, #tpu.memory_space<hbm>>
      %dma_start3A_129 = arith.constant 0 : i32
      %dma_start3A_130 = arith.constant 0 : i32
      %dma_start3A_131 = tpu.memref_slice %arg3[%add3A, %dma_start3A_129, %dma_start3A_130] : memref<32x80x128xi32, #tpu.memory_space<hbm>> -> memref<1x80x128xi32, #tpu.memory_space<hbm>>
      %dma_start3A_132 = tpu.memref_squeeze %dma_start3A_131 : memref<1x80x128xi32, #tpu.memory_space<hbm>> -> memref<80x128xi32, #tpu.memory_space<hbm>>
      tpu.enqueue_dma source(%dma_start3A_132 : memref<80x128xi32, #tpu.memory_space<hbm>>) target(%arg7 : memref<80x128xi32, #tpu.memory_space<vmem>>) target_semaphore(%run_scoped3A : memref<!tpu.dma_semaphore, #tpu.memory_space<semaphore_mem>>)
      %dma_wait3A_133 = arith.constant 0 : i32
      %dma_wait3A_134 = arith.constant 0 : i32
      %dma_wait3A_135 = tpu.memref_slice %arg3[%add3A, %dma_wait3A_133, %dma_wait3A_134] : memref<32x80x128xi32, #tpu.memory_space<hbm>> -> memref<1x80x128xi32, #tpu.memory_space<hbm>>
      %dma_wait3A_136 = tpu.memref_squeeze %dma_wait3A_135 : memref<1x80x128xi32, #tpu.memory_space<hbm>> -> memref<80x128xi32, #tpu.memory_space<hbm>>
      %dma_wait3A_137 = arith.constant 0 : i32
      %dma_wait3A_138 = arith.constant 0 : i32
      %dma_wait3A_139 = tpu.memref_slice %arg3[%add3A, %dma_wait3A_137, %dma_wait3A_138] : memref<32x80x128xi32, #tpu.memory_space<hbm>> -> memref<1x80x128xi32, #tpu.memory_space<hbm>>
      %dma_wait3A_140 = tpu.memref_squeeze %dma_wait3A_139 : memref<1x80x128xi32, #tpu.memory_space<hbm>> -> memref<80x128xi32, #tpu.memory_space<hbm>>
      tpu.wait_dma2 semaphore(%run_scoped3A : memref<!tpu.dma_semaphore, #tpu.memory_space<semaphore_mem>>) src(%dma_wait3A_140 : memref<80x128xi32, #tpu.memory_space<hbm>>) dst(%arg7 : memref<80x128xi32, #tpu.memory_space<vmem>>)
      tpu.yield
    }) : () -> ()
    "tpu.region"() ({
      %run_scoped3A = tpu.sem_alloc : memref<!tpu.dma_semaphore, #tpu.memory_space<semaphore_mem>>
      %dma_start3A_125 = arith.constant 0 : i32
      %dma_start3A_126 = arith.constant 0 : i32
      %dma_start3A_127 = tpu.memref_slice %arg4[%add3A, %dma_start3A_125, %dma_start3A_126] : memref<32x80x128xi32, #tpu.memory_space<hbm>> -> memref<1x80x128xi32, #tpu.memory_space<hbm>>
      %dma_start3A_128 = tpu.memref_squeeze %dma_start3A_127 : memref<1x80x128xi32, #tpu.memory_space<hbm>> -> memref<80x128xi32, #tpu.memory_space<hbm>>
      %dma_start3A_129 = arith.constant 0 : i32
      %dma_start3A_130 = arith.constant 0 : i32
      %dma_start3A_131 = tpu.memref_slice %arg4[%add3A, %dma_start3A_129, %dma_start3A_130] : memref<32x80x128xi32, #tpu.memory_space<hbm>> -> memref<1x80x128xi32, #tpu.memory_space<hbm>>
      %dma_start3A_132 = tpu.memref_squeeze %dma_start3A_131 : memref<1x80x128xi32, #tpu.memory_space<hbm>> -> memref<80x128xi32, #tpu.memory_space<hbm>>
      tpu.enqueue_dma source(%dma_start3A_132 : memref<80x128xi32, #tpu.memory_space<hbm>>) target(%arg8 : memref<80x128xi32, #tpu.memory_space<vmem>>) target_semaphore(%run_scoped3A : memref<!tpu.dma_semaphore, #tpu.memory_space<semaphore_mem>>)
      %dma_wait3A_133 = arith.constant 0 : i32
      %dma_wait3A_134 = arith.constant 0 : i32
      %dma_wait3A_135 = tpu.memref_slice %arg4[%add3A, %dma_wait3A_133, %dma_wait3A_134] : memref<32x80x128xi32, #tpu.memory_space<hbm>> -> memref<1x80x128xi32, #tpu.memory_space<hbm>>
      %dma_wait3A_136 = tpu.memref_squeeze %dma_wait3A_135 : memref<1x80x128xi32, #tpu.memory_space<hbm>> -> memref<80x128xi32, #tpu.memory_space<hbm>>
      %dma_wait3A_137 = arith.constant 0 : i32
      %dma_wait3A_138 = arith.constant 0 : i32
      %dma_wait3A_139 = tpu.memref_slice %arg4[%add3A, %dma_wait3A_137, %dma_wait3A_138] : memref<32x80x128xi32, #tpu.memory_space<hbm>> -> memref<1x80x128xi32, #tpu.memory_space<hbm>>
      %dma_wait3A_140 = tpu.memref_squeeze %dma_wait3A_139 : memref<1x80x128xi32, #tpu.memory_space<hbm>> -> memref<80x128xi32, #tpu.memory_space<hbm>>
      tpu.wait_dma2 semaphore(%run_scoped3A : memref<!tpu.dma_semaphore, #tpu.memory_space<semaphore_mem>>) src(%dma_wait3A_140 : memref<80x128xi32, #tpu.memory_space<hbm>>) dst(%arg8 : memref<80x128xi32, #tpu.memory_space<vmem>>)
      tpu.yield
    }) : () -> ()
    %barrier3A = arith.constant 0 : index
    tpu.barrier barrier_id(%barrier3A)
    %dma_start3A = arith.constant 0 : i32
    %dma_start3A_5 = arith.constant 0 : i32
    %dma_start3A_6 = tpu.memref_slice %arg7[%dma_start3A, %dma_start3A_5] : memref<80x128xi32, #tpu.memory_space<vmem>> -> memref<1x128xi32, #tpu.memory_space<vmem>>
    %dma_start3A_7 = tpu.memref_squeeze %dma_start3A_6 : memref<1x128xi32, #tpu.memory_space<vmem>> -> memref<128xi32, #tpu.memory_space<vmem>>
    %dma_start3A_8 = arith.constant 0 : i32
    %dma_start3A_9 = arith.constant 0 : i32
    %dma_start3A_10 = tpu.memref_slice %arg2[%dma_start3A_8, %dma_start3A_9] : memref<10000x16xf32, #tpu.memory_space<hbm>> -> memref<10000x16xf32, #tpu.memory_space<hbm>>
    tpu.enqueue_indirect_dma source(%dma_start3A_10 : memref<10000x16xf32, #tpu.memory_space<hbm>>) target(%arg9 : memref<128x16xf32, #tpu.memory_space<vmem>>) offsets(%dma_start3A_7 : memref<128xi32, #tpu.memory_space<vmem>>) semaphore(%arg14 : memref<!tpu.dma_semaphore, #tpu.memory_space<semaphore_mem>>)
    %dma_start3A_11 = arith.constant 1 : i32
    %dma_start3A_12 = arith.constant 0 : i32
    %dma_start3A_13 = tpu.memref_slice %arg7[%dma_start3A_11, %dma_start3A_12] : memref<80x128xi32, #tpu.memory_space<vmem>> -> memref<1x128xi32, #tpu.memory_space<vmem>>
    %dma_start3A_14 = tpu.memref_squeeze %dma_start3A_13 : memref<1x128xi32, #tpu.memory_space<vmem>> -> memref<128xi32, #tpu.memory_space<vmem>>
    %dma_start3A_15 = arith.constant 0 : i32
    %dma_start3A_16 = arith.constant 0 : i32
    %dma_start3A_17 = tpu.memref_slice %arg2[%dma_start3A_15, %dma_start3A_16] : memref<10000x16xf32, #tpu.memory_space<hbm>> -> memref<10000x16xf32, #tpu.memory_space<hbm>>
    tpu.enqueue_indirect_dma source(%dma_start3A_17 : memref<10000x16xf32, #tpu.memory_space<hbm>>) target(%arg10 : memref<128x16xf32, #tpu.memory_space<vmem>>) offsets(%dma_start3A_14 : memref<128xi32, #tpu.memory_space<vmem>>) semaphore(%arg15 : memref<!tpu.dma_semaphore, #tpu.memory_space<semaphore_mem>>)
    %dma_start3A_18 = arith.constant 2 : i32
    %dma_start3A_19 = arith.constant 0 : i32
    %dma_start3A_20 = tpu.memref_slice %arg7[%dma_start3A_18, %dma_start3A_19] : memref<80x128xi32, #tpu.memory_space<vmem>> -> memref<1x128xi32, #tpu.memory_space<vmem>>
    %dma_start3A_21 = tpu.memref_squeeze %dma_start3A_20 : memref<1x128xi32, #tpu.memory_space<vmem>> -> memref<128xi32, #tpu.memory_space<vmem>>
    %dma_start3A_22 = arith.constant 0 : i32
    %dma_start3A_23 = arith.constant 0 : i32
    %dma_start3A_24 = tpu.memref_slice %arg2[%dma_start3A_22, %dma_start3A_23] : memref<10000x16xf32, #tpu.memory_space<hbm>> -> memref<10000x16xf32, #tpu.memory_space<hbm>>
    tpu.enqueue_indirect_dma source(%dma_start3A_24 : memref<10000x16xf32, #tpu.memory_space<hbm>>) target(%arg11 : memref<128x16xf32, #tpu.memory_space<vmem>>) offsets(%dma_start3A_21 : memref<128xi32, #tpu.memory_space<vmem>>) semaphore(%arg16 : memref<!tpu.dma_semaphore, #tpu.memory_space<semaphore_mem>>)
    %dma_start3A_25 = arith.constant 3 : i32
    %dma_start3A_26 = arith.constant 0 : i32
    %dma_start3A_27 = tpu.memref_slice %arg7[%dma_start3A_25, %dma_start3A_26] : memref<80x128xi32, #tpu.memory_space<vmem>> -> memref<1x128xi32, #tpu.memory_space<vmem>>
    %dma_start3A_28 = tpu.memref_squeeze %dma_start3A_27 : memref<1x128xi32, #tpu.memory_space<vmem>> -> memref<128xi32, #tpu.memory_space<vmem>>
    %dma_start3A_29 = arith.constant 0 : i32
    %dma_start3A_30 = arith.constant 0 : i32
    %dma_start3A_31 = tpu.memref_slice %arg2[%dma_start3A_29, %dma_start3A_30] : memref<10000x16xf32, #tpu.memory_space<hbm>> -> memref<10000x16xf32, #tpu.memory_space<hbm>>
    tpu.enqueue_indirect_dma source(%dma_start3A_31 : memref<10000x16xf32, #tpu.memory_space<hbm>>) target(%arg12 : memref<128x16xf32, #tpu.memory_space<vmem>>) offsets(%dma_start3A_28 : memref<128xi32, #tpu.memory_space<vmem>>) semaphore(%arg17 : memref<!tpu.dma_semaphore, #tpu.memory_space<semaphore_mem>>)
    %scan3A = arith.constant 0 : i32
    %scan3A_32 = arith.constant 0 : i32
    %scan3A_33 = arith.constant 19 : i32
    %scan3A_34 = arith.addi %scan3A_32, %scan3A_33 : i32
    %scan3A_35 = arith.constant 1 : i32
    scf.for %scan3A_125 = %scan3A_32 to %scan3A_34 step %scan3A_35  : i32 {
      %mul3A_126 = arith.constant 4 : i32
      %mul3A_127 = arith.muli %scan3A_125, %mul3A_126 : i32
      %add3A_128 = arith.constant 0 : i32
      %add3A_129 = arith.addi %mul3A_127, %add3A_128 : i32
      %dma_wait3A_130 = arith.constant 0 : i32
      %dma_wait3A_131 = tpu.memref_slice %arg7[%add3A_129, %dma_wait3A_130] : memref<80x128xi32, #tpu.memory_space<vmem>> -> memref<1x128xi32, #tpu.memory_space<vmem>>
      %dma_wait3A_132 = tpu.memref_squeeze %dma_wait3A_131 : memref<1x128xi32, #tpu.memory_space<vmem>> -> memref<128xi32, #tpu.memory_space<vmem>>
      %dma_wait3A_133 = arith.constant 0 : i32
      %dma_wait3A_134 = arith.constant 0 : i32
      %dma_wait3A_135 = tpu.memref_slice %arg2[%dma_wait3A_133, %dma_wait3A_134] : memref<10000x16xf32, #tpu.memory_space<hbm>> -> memref<10000x16xf32, #tpu.memory_space<hbm>>
      tpu.wait_indirect_dma semaphore(%arg14 : memref<!tpu.dma_semaphore, #tpu.memory_space<semaphore_mem>>) src(%dma_wait3A_135 : memref<10000x16xf32, #tpu.memory_space<hbm>>) dst(%arg9 : memref<128x16xf32, #tpu.memory_space<vmem>>)
      %add3A_136 = arith.constant 0 : i32
      %add3A_137 = arith.addi %mul3A_127, %add3A_136 : i32
      %dma_start3A_138 = arith.constant 0 : i32
      %dma_start3A_139 = tpu.memref_slice %arg8[%add3A_137, %dma_start3A_138] : memref<80x128xi32, #tpu.memory_space<vmem>> -> memref<1x128xi32, #tpu.memory_space<vmem>>
      %dma_start3A_140 = tpu.memref_squeeze %dma_start3A_139 : memref<1x128xi32, #tpu.memory_space<vmem>> -> memref<128xi32, #tpu.memory_space<vmem>>
      %dma_start3A_141 = arith.constant 0 : i32
      %dma_start3A_142 = arith.constant 0 : i32
      %dma_start3A_143 = tpu.memref_slice %arg13[%dma_start3A_141, %dma_start3A_142] : memref<10112x16xf32, #tpu.memory_space<vmem_shared>> -> memref<10112x16xf32, #tpu.memory_space<vmem_shared>>
      tpu.enqueue_indirect_dma source(%arg9 : memref<128x16xf32, #tpu.memory_space<vmem>>) target(%dma_start3A_143 : memref<10112x16xf32, #tpu.memory_space<vmem_shared>>) offsets(%dma_start3A_140 : memref<128xi32, #tpu.memory_space<vmem>>) semaphore(%arg18 : memref<!tpu.dma_semaphore, #tpu.memory_space<semaphore_mem>>) {add = true}
      %add3A_144 = arith.constant 1 : i32
      %add3A_145 = arith.addi %mul3A_127, %add3A_144 : i32
      %dma_wait3A_146 = arith.constant 0 : i32
      %dma_wait3A_147 = tpu.memref_slice %arg7[%add3A_145, %dma_wait3A_146] : memref<80x128xi32, #tpu.memory_space<vmem>> -> memref<1x128xi32, #tpu.memory_space<vmem>>
      %dma_wait3A_148 = tpu.memref_squeeze %dma_wait3A_147 : memref<1x128xi32, #tpu.memory_space<vmem>> -> memref<128xi32, #tpu.memory_space<vmem>>
      %dma_wait3A_149 = arith.constant 0 : i32
      %dma_wait3A_150 = arith.constant 0 : i32
      %dma_wait3A_151 = tpu.memref_slice %arg2[%dma_wait3A_149, %dma_wait3A_150] : memref<10000x16xf32, #tpu.memory_space<hbm>> -> memref<10000x16xf32, #tpu.memory_space<hbm>>
      tpu.wait_indirect_dma semaphore(%arg15 : memref<!tpu.dma_semaphore, #tpu.memory_space<semaphore_mem>>) src(%dma_wait3A_151 : memref<10000x16xf32, #tpu.memory_space<hbm>>) dst(%arg10 : memref<128x16xf32, #tpu.memory_space<vmem>>)
      %add3A_152 = arith.constant 1 : i32
      %add3A_153 = arith.addi %mul3A_127, %add3A_152 : i32
      %dma_start3A_154 = arith.constant 0 : i32
      %dma_start3A_155 = tpu.memref_slice %arg8[%add3A_153, %dma_start3A_154] : memref<80x128xi32, #tpu.memory_space<vmem>> -> memref<1x128xi32, #tpu.memory_space<vmem>>
      %dma_start3A_156 = tpu.memref_squeeze %dma_start3A_155 : memref<1x128xi32, #tpu.memory_space<vmem>> -> memref<128xi32, #tpu.memory_space<vmem>>
      %dma_start3A_157 = arith.constant 0 : i32
      %dma_start3A_158 = arith.constant 0 : i32
      %dma_start3A_159 = tpu.memref_slice %arg13[%dma_start3A_157, %dma_start3A_158] : memref<10112x16xf32, #tpu.memory_space<vmem_shared>> -> memref<10112x16xf32, #tpu.memory_space<vmem_shared>>
      tpu.enqueue_indirect_dma source(%arg10 : memref<128x16xf32, #tpu.memory_space<vmem>>) target(%dma_start3A_159 : memref<10112x16xf32, #tpu.memory_space<vmem_shared>>) offsets(%dma_start3A_156 : memref<128xi32, #tpu.memory_space<vmem>>) semaphore(%arg19 : memref<!tpu.dma_semaphore, #tpu.memory_space<semaphore_mem>>) {add = true}
      %add3A_160 = arith.constant 2 : i32
      %add3A_161 = arith.addi %mul3A_127, %add3A_160 : i32
      %dma_wait3A_162 = arith.constant 0 : i32
      %dma_wait3A_163 = tpu.memref_slice %arg7[%add3A_161, %dma_wait3A_162] : memref<80x128xi32, #tpu.memory_space<vmem>> -> memref<1x128xi32, #tpu.memory_space<vmem>>
      %dma_wait3A_164 = tpu.memref_squeeze %dma_wait3A_163 : memref<1x128xi32, #tpu.memory_space<vmem>> -> memref<128xi32, #tpu.memory_space<vmem>>
      %dma_wait3A_165 = arith.constant 0 : i32
      %dma_wait3A_166 = arith.constant 0 : i32
      %dma_wait3A_167 = tpu.memref_slice %arg2[%dma_wait3A_165, %dma_wait3A_166] : memref<10000x16xf32, #tpu.memory_space<hbm>> -> memref<10000x16xf32, #tpu.memory_space<hbm>>
      tpu.wait_indirect_dma semaphore(%arg16 : memref<!tpu.dma_semaphore, #tpu.memory_space<semaphore_mem>>) src(%dma_wait3A_167 : memref<10000x16xf32, #tpu.memory_space<hbm>>) dst(%arg11 : memref<128x16xf32, #tpu.memory_space<vmem>>)
      %add3A_168 = arith.constant 2 : i32
      %add3A_169 = arith.addi %mul3A_127, %add3A_168 : i32
      %dma_start3A_170 = arith.constant 0 : i32
      %dma_start3A_171 = tpu.memref_slice %arg8[%add3A_169, %dma_start3A_170] : memref<80x128xi32, #tpu.memory_space<vmem>> -> memref<1x128xi32, #tpu.memory_space<vmem>>
      %dma_start3A_172 = tpu.memref_squeeze %dma_start3A_171 : memref<1x128xi32, #tpu.memory_space<vmem>> -> memref<128xi32, #tpu.memory_space<vmem>>
      %dma_start3A_173 = arith.constant 0 : i32
      %dma_start3A_174 = arith.constant 0 : i32
      %dma_start3A_175 = tpu.memref_slice %arg13[%dma_start3A_173, %dma_start3A_174] : memref<10112x16xf32, #tpu.memory_space<vmem_shared>> -> memref<10112x16xf32, #tpu.memory_space<vmem_shared>>
      tpu.enqueue_indirect_dma source(%arg11 : memref<128x16xf32, #tpu.memory_space<vmem>>) target(%dma_start3A_175 : memref<10112x16xf32, #tpu.memory_space<vmem_shared>>) offsets(%dma_start3A_172 : memref<128xi32, #tpu.memory_space<vmem>>) semaphore(%arg20 : memref<!tpu.dma_semaphore, #tpu.memory_space<semaphore_mem>>) {add = true}
      %add3A_176 = arith.constant 3 : i32
      %add3A_177 = arith.addi %mul3A_127, %add3A_176 : i32
      %dma_wait3A_178 = arith.constant 0 : i32
      %dma_wait3A_179 = tpu.memref_slice %arg7[%add3A_177, %dma_wait3A_178] : memref<80x128xi32, #tpu.memory_space<vmem>> -> memref<1x128xi32, #tpu.memory_space<vmem>>
      %dma_wait3A_180 = tpu.memref_squeeze %dma_wait3A_179 : memref<1x128xi32, #tpu.memory_space<vmem>> -> memref<128xi32, #tpu.memory_space<vmem>>
      %dma_wait3A_181 = arith.constant 0 : i32
      %dma_wait3A_182 = arith.constant 0 : i32
      %dma_wait3A_183 = tpu.memref_slice %arg2[%dma_wait3A_181, %dma_wait3A_182] : memref<10000x16xf32, #tpu.memory_space<hbm>> -> memref<10000x16xf32, #tpu.memory_space<hbm>>
      tpu.wait_indirect_dma semaphore(%arg17 : memref<!tpu.dma_semaphore, #tpu.memory_space<semaphore_mem>>) src(%dma_wait3A_183 : memref<10000x16xf32, #tpu.memory_space<hbm>>) dst(%arg12 : memref<128x16xf32, #tpu.memory_space<vmem>>)
      %add3A_184 = arith.constant 3 : i32
      %add3A_185 = arith.addi %mul3A_127, %add3A_184 : i32
      %dma_start3A_186 = arith.constant 0 : i32
      %dma_start3A_187 = tpu.memref_slice %arg8[%add3A_185, %dma_start3A_186] : memref<80x128xi32, #tpu.memory_space<vmem>> -> memref<1x128xi32, #tpu.memory_space<vmem>>
      %dma_start3A_188 = tpu.memref_squeeze %dma_start3A_187 : memref<1x128xi32, #tpu.memory_space<vmem>> -> memref<128xi32, #tpu.memory_space<vmem>>
      %dma_start3A_189 = arith.constant 0 : i32
      %dma_start3A_190 = arith.constant 0 : i32
      %dma_start3A_191 = tpu.memref_slice %arg13[%dma_start3A_189, %dma_start3A_190] : memref<10112x16xf32, #tpu.memory_space<vmem_shared>> -> memref<10112x16xf32, #tpu.memory_space<vmem_shared>>
      tpu.enqueue_indirect_dma source(%arg12 : memref<128x16xf32, #tpu.memory_space<vmem>>) target(%dma_start3A_191 : memref<10112x16xf32, #tpu.memory_space<vmem_shared>>) offsets(%dma_start3A_188 : memref<128xi32, #tpu.memory_space<vmem>>) semaphore(%arg21 : memref<!tpu.dma_semaphore, #tpu.memory_space<semaphore_mem>>) {add = true}
      %add3A_192 = arith.constant 0 : i32
      %add3A_193 = arith.addi %mul3A_127, %add3A_192 : i32
      %dma_wait3A_194 = arith.constant 0 : i32
      %dma_wait3A_195 = tpu.memref_slice %arg8[%add3A_193, %dma_wait3A_194] : memref<80x128xi32, #tpu.memory_space<vmem>> -> memref<1x128xi32, #tpu.memory_space<vmem>>
      %dma_wait3A_196 = tpu.memref_squeeze %dma_wait3A_195 : memref<1x128xi32, #tpu.memory_space<vmem>> -> memref<128xi32, #tpu.memory_space<vmem>>
      %dma_wait3A_197 = arith.constant 0 : i32
      %dma_wait3A_198 = arith.constant 0 : i32
      %dma_wait3A_199 = tpu.memref_slice %arg13[%dma_wait3A_197, %dma_wait3A_198] : memref<10112x16xf32, #tpu.memory_space<vmem_shared>> -> memref<10112x16xf32, #tpu.memory_space<vmem_shared>>
      tpu.wait_indirect_dma semaphore(%arg18 : memref<!tpu.dma_semaphore, #tpu.memory_space<semaphore_mem>>) src(%arg9 : memref<128x16xf32, #tpu.memory_space<vmem>>) dst(%dma_wait3A_199 : memref<10112x16xf32, #tpu.memory_space<vmem_shared>>)
      %add3A_200 = arith.constant 4 : i32
      %add3A_201 = arith.addi %mul3A_127, %add3A_200 : i32
      %add3A_202 = arith.constant 0 : i32
      %add3A_203 = arith.addi %add3A_201, %add3A_202 : i32
      %dma_start3A_204 = arith.constant 0 : i32
      %dma_start3A_205 = tpu.memref_slice %arg7[%add3A_203, %dma_start3A_204] : memref<80x128xi32, #tpu.memory_space<vmem>> -> memref<1x128xi32, #tpu.memory_space<vmem>>
      %dma_start3A_206 = tpu.memref_squeeze %dma_start3A_205 : memref<1x128xi32, #tpu.memory_space<vmem>> -> memref<128xi32, #tpu.memory_space<vmem>>
      %dma_start3A_207 = arith.constant 0 : i32
      %dma_start3A_208 = arith.constant 0 : i32
      %dma_start3A_209 = tpu.memref_slice %arg2[%dma_start3A_207, %dma_start3A_208] : memref<10000x16xf32, #tpu.memory_space<hbm>> -> memref<10000x16xf32, #tpu.memory_space<hbm>>
      tpu.enqueue_indirect_dma source(%dma_start3A_209 : memref<10000x16xf32, #tpu.memory_space<hbm>>) target(%arg9 : memref<128x16xf32, #tpu.memory_space<vmem>>) offsets(%dma_start3A_206 : memref<128xi32, #tpu.memory_space<vmem>>) semaphore(%arg14 : memref<!tpu.dma_semaphore, #tpu.memory_space<semaphore_mem>>)
      %add3A_210 = arith.constant 1 : i32
      %add3A_211 = arith.addi %mul3A_127, %add3A_210 : i32
      %dma_wait3A_212 = arith.constant 0 : i32
      %dma_wait3A_213 = tpu.memref_slice %arg8[%add3A_211, %dma_wait3A_212] : memref<80x128xi32, #tpu.memory_space<vmem>> -> memref<1x128xi32, #tpu.memory_space<vmem>>
      %dma_wait3A_214 = tpu.memref_squeeze %dma_wait3A_213 : memref<1x128xi32, #tpu.memory_space<vmem>> -> memref<128xi32, #tpu.memory_space<vmem>>
      %dma_wait3A_215 = arith.constant 0 : i32
      %dma_wait3A_216 = arith.constant 0 : i32
      %dma_wait3A_217 = tpu.memref_slice %arg13[%dma_wait3A_215, %dma_wait3A_216] : memref<10112x16xf32, #tpu.memory_space<vmem_shared>> -> memref<10112x16xf32, #tpu.memory_space<vmem_shared>>
      tpu.wait_indirect_dma semaphore(%arg19 : memref<!tpu.dma_semaphore, #tpu.memory_space<semaphore_mem>>) src(%arg10 : memref<128x16xf32, #tpu.memory_space<vmem>>) dst(%dma_wait3A_217 : memref<10112x16xf32, #tpu.memory_space<vmem_shared>>)
      %add3A_218 = arith.constant 4 : i32
      %add3A_219 = arith.addi %mul3A_127, %add3A_218 : i32
      %add3A_220 = arith.constant 1 : i32
      %add3A_221 = arith.addi %add3A_219, %add3A_220 : i32
      %dma_start3A_222 = arith.constant 0 : i32
      %dma_start3A_223 = tpu.memref_slice %arg7[%add3A_221, %dma_start3A_222] : memref<80x128xi32, #tpu.memory_space<vmem>> -> memref<1x128xi32, #tpu.memory_space<vmem>>
      %dma_start3A_224 = tpu.memref_squeeze %dma_start3A_223 : memref<1x128xi32, #tpu.memory_space<vmem>> -> memref<128xi32, #tpu.memory_space<vmem>>
      %dma_start3A_225 = arith.constant 0 : i32
      %dma_start3A_226 = arith.constant 0 : i32
      %dma_start3A_227 = tpu.memref_slice %arg2[%dma_start3A_225, %dma_start3A_226] : memref<10000x16xf32, #tpu.memory_space<hbm>> -> memref<10000x16xf32, #tpu.memory_space<hbm>>
      tpu.enqueue_indirect_dma source(%dma_start3A_227 : memref<10000x16xf32, #tpu.memory_space<hbm>>) target(%arg10 : memref<128x16xf32, #tpu.memory_space<vmem>>) offsets(%dma_start3A_224 : memref<128xi32, #tpu.memory_space<vmem>>) semaphore(%arg15 : memref<!tpu.dma_semaphore, #tpu.memory_space<semaphore_mem>>)
      %add3A_228 = arith.constant 2 : i32
      %add3A_229 = arith.addi %mul3A_127, %add3A_228 : i32
      %dma_wait3A_230 = arith.constant 0 : i32
      %dma_wait3A_231 = tpu.memref_slice %arg8[%add3A_229, %dma_wait3A_230] : memref<80x128xi32, #tpu.memory_space<vmem>> -> memref<1x128xi32, #tpu.memory_space<vmem>>
      %dma_wait3A_232 = tpu.memref_squeeze %dma_wait3A_231 : memref<1x128xi32, #tpu.memory_space<vmem>> -> memref<128xi32, #tpu.memory_space<vmem>>
      %dma_wait3A_233 = arith.constant 0 : i32
      %dma_wait3A_234 = arith.constant 0 : i32
      %dma_wait3A_235 = tpu.memref_slice %arg13[%dma_wait3A_233, %dma_wait3A_234] : memref<10112x16xf32, #tpu.memory_space<vmem_shared>> -> memref<10112x16xf32, #tpu.memory_space<vmem_shared>>
      tpu.wait_indirect_dma semaphore(%arg20 : memref<!tpu.dma_semaphore, #tpu.memory_space<semaphore_mem>>) src(%arg11 : memref<128x16xf32, #tpu.memory_space<vmem>>) dst(%dma_wait3A_235 : memref<10112x16xf32, #tpu.memory_space<vmem_shared>>)
      %add3A_236 = arith.constant 4 : i32
      %add3A_237 = arith.addi %mul3A_127, %add3A_236 : i32
      %add3A_238 = arith.constant 2 : i32
      %add3A_239 = arith.addi %add3A_237, %add3A_238 : i32
      %dma_start3A_240 = arith.constant 0 : i32
      %dma_start3A_241 = tpu.memref_slice %arg7[%add3A_239, %dma_start3A_240] : memref<80x128xi32, #tpu.memory_space<vmem>> -> memref<1x128xi32, #tpu.memory_space<vmem>>
      %dma_start3A_242 = tpu.memref_squeeze %dma_start3A_241 : memref<1x128xi32, #tpu.memory_space<vmem>> -> memref<128xi32, #tpu.memory_space<vmem>>
      %dma_start3A_243 = arith.constant 0 : i32
      %dma_start3A_244 = arith.constant 0 : i32
      %dma_start3A_245 = tpu.memref_slice %arg2[%dma_start3A_243, %dma_start3A_244] : memref<10000x16xf32, #tpu.memory_space<hbm>> -> memref<10000x16xf32, #tpu.memory_space<hbm>>
      tpu.enqueue_indirect_dma source(%dma_start3A_245 : memref<10000x16xf32, #tpu.memory_space<hbm>>) target(%arg11 : memref<128x16xf32, #tpu.memory_space<vmem>>) offsets(%dma_start3A_242 : memref<128xi32, #tpu.memory_space<vmem>>) semaphore(%arg16 : memref<!tpu.dma_semaphore, #tpu.memory_space<semaphore_mem>>)
      %add3A_246 = arith.constant 3 : i32
      %add3A_247 = arith.addi %mul3A_127, %add3A_246 : i32
      %dma_wait3A_248 = arith.constant 0 : i32
      %dma_wait3A_249 = tpu.memref_slice %arg8[%add3A_247, %dma_wait3A_248] : memref<80x128xi32, #tpu.memory_space<vmem>> -> memref<1x128xi32, #tpu.memory_space<vmem>>
      %dma_wait3A_250 = tpu.memref_squeeze %dma_wait3A_249 : memref<1x128xi32, #tpu.memory_space<vmem>> -> memref<128xi32, #tpu.memory_space<vmem>>
      %dma_wait3A_251 = arith.constant 0 : i32
      %dma_wait3A_252 = arith.constant 0 : i32
      %dma_wait3A_253 = tpu.memref_slice %arg13[%dma_wait3A_251, %dma_wait3A_252] : memref<10112x16xf32, #tpu.memory_space<vmem_shared>> -> memref<10112x16xf32, #tpu.memory_space<vmem_shared>>
      tpu.wait_indirect_dma semaphore(%arg21 : memref<!tpu.dma_semaphore, #tpu.memory_space<semaphore_mem>>) src(%arg12 : memref<128x16xf32, #tpu.memory_space<vmem>>) dst(%dma_wait3A_253 : memref<10112x16xf32, #tpu.memory_space<vmem_shared>>)
      %add3A_254 = arith.constant 4 : i32
      %add3A_255 = arith.addi %mul3A_127, %add3A_254 : i32
      %add3A_256 = arith.constant 3 : i32
      %add3A_257 = arith.addi %add3A_255, %add3A_256 : i32
      %dma_start3A_258 = arith.constant 0 : i32
      %dma_start3A_259 = tpu.memref_slice %arg7[%add3A_257, %dma_start3A_258] : memref<80x128xi32, #tpu.memory_space<vmem>> -> memref<1x128xi32, #tpu.memory_space<vmem>>
      %dma_start3A_260 = tpu.memref_squeeze %dma_start3A_259 : memref<1x128xi32, #tpu.memory_space<vmem>> -> memref<128xi32, #tpu.memory_space<vmem>>
      %dma_start3A_261 = arith.constant 0 : i32
      %dma_start3A_262 = arith.constant 0 : i32
      %dma_start3A_263 = tpu.memref_slice %arg2[%dma_start3A_261, %dma_start3A_262] : memref<10000x16xf32, #tpu.memory_space<hbm>> -> memref<10000x16xf32, #tpu.memory_space<hbm>>
      tpu.enqueue_indirect_dma source(%dma_start3A_263 : memref<10000x16xf32, #tpu.memory_space<hbm>>) target(%arg12 : memref<128x16xf32, #tpu.memory_space<vmem>>) offsets(%dma_start3A_260 : memref<128xi32, #tpu.memory_space<vmem>>) semaphore(%arg17 : memref<!tpu.dma_semaphore, #tpu.memory_space<semaphore_mem>>)
    }
    %scan3A_36 = arith.constant 19 : i32
    %dma_wait3A = arith.constant 76 : i32
    %dma_wait3A_37 = arith.constant 0 : i32
    %dma_wait3A_38 = tpu.memref_slice %arg7[%dma_wait3A, %dma_wait3A_37] : memref<80x128xi32, #tpu.memory_space<vmem>> -> memref<1x128xi32, #tpu.memory_space<vmem>>
    %dma_wait3A_39 = tpu.memref_squeeze %dma_wait3A_38 : memref<1x128xi32, #tpu.memory_space<vmem>> -> memref<128xi32, #tpu.memory_space<vmem>>
    %dma_wait3A_40 = arith.constant 0 : i32
    %dma_wait3A_41 = arith.constant 0 : i32
    %dma_wait3A_42 = tpu.memref_slice %arg2[%dma_wait3A_40, %dma_wait3A_41] : memref<10000x16xf32, #tpu.memory_space<hbm>> -> memref<10000x16xf32, #tpu.memory_space<hbm>>
    tpu.wait_indirect_dma semaphore(%arg14 : memref<!tpu.dma_semaphore, #tpu.memory_space<semaphore_mem>>) src(%dma_wait3A_42 : memref<10000x16xf32, #tpu.memory_space<hbm>>) dst(%arg9 : memref<128x16xf32, #tpu.memory_space<vmem>>)
    %dma_start3A_43 = arith.constant 76 : i32
    %dma_start3A_44 = arith.constant 0 : i32
    %dma_start3A_45 = tpu.memref_slice %arg8[%dma_start3A_43, %dma_start3A_44] : memref<80x128xi32, #tpu.memory_space<vmem>> -> memref<1x128xi32, #tpu.memory_space<vmem>>
    %dma_start3A_46 = tpu.memref_squeeze %dma_start3A_45 : memref<1x128xi32, #tpu.memory_space<vmem>> -> memref<128xi32, #tpu.memory_space<vmem>>
    %dma_start3A_47 = arith.constant 0 : i32
    %dma_start3A_48 = arith.constant 0 : i32
    %dma_start3A_49 = tpu.memref_slice %arg13[%dma_start3A_47, %dma_start3A_48] : memref<10112x16xf32, #tpu.memory_space<vmem_shared>> -> memref<10112x16xf32, #tpu.memory_space<vmem_shared>>
    tpu.enqueue_indirect_dma source(%arg9 : memref<128x16xf32, #tpu.memory_space<vmem>>) target(%dma_start3A_49 : memref<10112x16xf32, #tpu.memory_space<vmem_shared>>) offsets(%dma_start3A_46 : memref<128xi32, #tpu.memory_space<vmem>>) semaphore(%arg18 : memref<!tpu.dma_semaphore, #tpu.memory_space<semaphore_mem>>) {add = true}
    %dma_wait3A_50 = arith.constant 77 : i32
    %dma_wait3A_51 = arith.constant 0 : i32
    %dma_wait3A_52 = tpu.memref_slice %arg7[%dma_wait3A_50, %dma_wait3A_51] : memref<80x128xi32, #tpu.memory_space<vmem>> -> memref<1x128xi32, #tpu.memory_space<vmem>>
    %dma_wait3A_53 = tpu.memref_squeeze %dma_wait3A_52 : memref<1x128xi32, #tpu.memory_space<vmem>> -> memref<128xi32, #tpu.memory_space<vmem>>
    %dma_wait3A_54 = arith.constant 0 : i32
    %dma_wait3A_55 = arith.constant 0 : i32
    %dma_wait3A_56 = tpu.memref_slice %arg2[%dma_wait3A_54, %dma_wait3A_55] : memref<10000x16xf32, #tpu.memory_space<hbm>> -> memref<10000x16xf32, #tpu.memory_space<hbm>>
    tpu.wait_indirect_dma semaphore(%arg15 : memref<!tpu.dma_semaphore, #tpu.memory_space<semaphore_mem>>) src(%dma_wait3A_56 : memref<10000x16xf32, #tpu.memory_space<hbm>>) dst(%arg10 : memref<128x16xf32, #tpu.memory_space<vmem>>)
    %dma_start3A_57 = arith.constant 77 : i32
    %dma_start3A_58 = arith.constant 0 : i32
    %dma_start3A_59 = tpu.memref_slice %arg8[%dma_start3A_57, %dma_start3A_58] : memref<80x128xi32, #tpu.memory_space<vmem>> -> memref<1x128xi32, #tpu.memory_space<vmem>>
    %dma_start3A_60 = tpu.memref_squeeze %dma_start3A_59 : memref<1x128xi32, #tpu.memory_space<vmem>> -> memref<128xi32, #tpu.memory_space<vmem>>
    %dma_start3A_61 = arith.constant 0 : i32
    %dma_start3A_62 = arith.constant 0 : i32
    %dma_start3A_63 = tpu.memref_slice %arg13[%dma_start3A_61, %dma_start3A_62] : memref<10112x16xf32, #tpu.memory_space<vmem_shared>> -> memref<10112x16xf32, #tpu.memory_space<vmem_shared>>
    tpu.enqueue_indirect_dma source(%arg10 : memref<128x16xf32, #tpu.memory_space<vmem>>) target(%dma_start3A_63 : memref<10112x16xf32, #tpu.memory_space<vmem_shared>>) offsets(%dma_start3A_60 : memref<128xi32, #tpu.memory_space<vmem>>) semaphore(%arg19 : memref<!tpu.dma_semaphore, #tpu.memory_space<semaphore_mem>>) {add = true}
    %dma_wait3A_64 = arith.constant 78 : i32
    %dma_wait3A_65 = arith.constant 0 : i32
    %dma_wait3A_66 = tpu.memref_slice %arg7[%dma_wait3A_64, %dma_wait3A_65] : memref<80x128xi32, #tpu.memory_space<vmem>> -> memref<1x128xi32, #tpu.memory_space<vmem>>
    %dma_wait3A_67 = tpu.memref_squeeze %dma_wait3A_66 : memref<1x128xi32, #tpu.memory_space<vmem>> -> memref<128xi32, #tpu.memory_space<vmem>>
    %dma_wait3A_68 = arith.constant 0 : i32
    %dma_wait3A_69 = arith.constant 0 : i32
    %dma_wait3A_70 = tpu.memref_slice %arg2[%dma_wait3A_68, %dma_wait3A_69] : memref<10000x16xf32, #tpu.memory_space<hbm>> -> memref<10000x16xf32, #tpu.memory_space<hbm>>
    tpu.wait_indirect_dma semaphore(%arg16 : memref<!tpu.dma_semaphore, #tpu.memory_space<semaphore_mem>>) src(%dma_wait3A_70 : memref<10000x16xf32, #tpu.memory_space<hbm>>) dst(%arg11 : memref<128x16xf32, #tpu.memory_space<vmem>>)
    %dma_start3A_71 = arith.constant 78 : i32
    %dma_start3A_72 = arith.constant 0 : i32
    %dma_start3A_73 = tpu.memref_slice %arg8[%dma_start3A_71, %dma_start3A_72] : memref<80x128xi32, #tpu.memory_space<vmem>> -> memref<1x128xi32, #tpu.memory_space<vmem>>
    %dma_start3A_74 = tpu.memref_squeeze %dma_start3A_73 : memref<1x128xi32, #tpu.memory_space<vmem>> -> memref<128xi32, #tpu.memory_space<vmem>>
    %dma_start3A_75 = arith.constant 0 : i32
    %dma_start3A_76 = arith.constant 0 : i32
    %dma_start3A_77 = tpu.memref_slice %arg13[%dma_start3A_75, %dma_start3A_76] : memref<10112x16xf32, #tpu.memory_space<vmem_shared>> -> memref<10112x16xf32, #tpu.memory_space<vmem_shared>>
    tpu.enqueue_indirect_dma source(%arg11 : memref<128x16xf32, #tpu.memory_space<vmem>>) target(%dma_start3A_77 : memref<10112x16xf32, #tpu.memory_space<vmem_shared>>) offsets(%dma_start3A_74 : memref<128xi32, #tpu.memory_space<vmem>>) semaphore(%arg20 : memref<!tpu.dma_semaphore, #tpu.memory_space<semaphore_mem>>) {add = true}
    %dma_wait3A_78 = arith.constant 79 : i32
    %dma_wait3A_79 = arith.constant 0 : i32
    %dma_wait3A_80 = tpu.memref_slice %arg7[%dma_wait3A_78, %dma_wait3A_79] : memref<80x128xi32, #tpu.memory_space<vmem>> -> memref<1x128xi32, #tpu.memory_space<vmem>>
    %dma_wait3A_81 = tpu.memref_squeeze %dma_wait3A_80 : memref<1x128xi32, #tpu.memory_space<vmem>> -> memref<128xi32, #tpu.memory_space<vmem>>
    %dma_wait3A_82 = arith.constant 0 : i32
    %dma_wait3A_83 = arith.constant 0 : i32
    %dma_wait3A_84 = tpu.memref_slice %arg2[%dma_wait3A_82, %dma_wait3A_83] : memref<10000x16xf32, #tpu.memory_space<hbm>> -> memref<10000x16xf32, #tpu.memory_space<hbm>>
    tpu.wait_indirect_dma semaphore(%arg17 : memref<!tpu.dma_semaphore, #tpu.memory_space<semaphore_mem>>) src(%dma_wait3A_84 : memref<10000x16xf32, #tpu.memory_space<hbm>>) dst(%arg12 : memref<128x16xf32, #tpu.memory_space<vmem>>)
    %dma_start3A_85 = arith.constant 79 : i32
    %dma_start3A_86 = arith.constant 0 : i32
    %dma_start3A_87 = tpu.memref_slice %arg8[%dma_start3A_85, %dma_start3A_86] : memref<80x128xi32, #tpu.memory_space<vmem>> -> memref<1x128xi32, #tpu.memory_space<vmem>>
    %dma_start3A_88 = tpu.memref_squeeze %dma_start3A_87 : memref<1x128xi32, #tpu.memory_space<vmem>> -> memref<128xi32, #tpu.memory_space<vmem>>
    %dma_start3A_89 = arith.constant 0 : i32
    %dma_start3A_90 = arith.constant 0 : i32
    %dma_start3A_91 = tpu.memref_slice %arg13[%dma_start3A_89, %dma_start3A_90] : memref<10112x16xf32, #tpu.memory_space<vmem_shared>> -> memref<10112x16xf32, #tpu.memory_space<vmem_shared>>
    tpu.enqueue_indirect_dma source(%arg12 : memref<128x16xf32, #tpu.memory_space<vmem>>) target(%dma_start3A_91 : memref<10112x16xf32, #tpu.memory_space<vmem_shared>>) offsets(%dma_start3A_88 : memref<128xi32, #tpu.memory_space<vmem>>) semaphore(%arg21 : memref<!tpu.dma_semaphore, #tpu.memory_space<semaphore_mem>>) {add = true}
    %dma_wait3A_92 = arith.constant 76 : i32
    %dma_wait3A_93 = arith.constant 0 : i32
    %dma_wait3A_94 = tpu.memref_slice %arg8[%dma_wait3A_92, %dma_wait3A_93] : memref<80x128xi32, #tpu.memory_space<vmem>> -> memref<1x128xi32, #tpu.memory_space<vmem>>
    %dma_wait3A_95 = tpu.memref_squeeze %dma_wait3A_94 : memref<1x128xi32, #tpu.memory_space<vmem>> -> memref<128xi32, #tpu.memory_space<vmem>>
    %dma_wait3A_96 = arith.constant 0 : i32
    %dma_wait3A_97 = arith.constant 0 : i32
    %dma_wait3A_98 = tpu.memref_slice %arg13[%dma_wait3A_96, %dma_wait3A_97] : memref<10112x16xf32, #tpu.memory_space<vmem_shared>> -> memref<10112x16xf32, #tpu.memory_space<vmem_shared>>
    tpu.wait_indirect_dma semaphore(%arg18 : memref<!tpu.dma_semaphore, #tpu.memory_space<semaphore_mem>>) src(%arg9 : memref<128x16xf32, #tpu.memory_space<vmem>>) dst(%dma_wait3A_98 : memref<10112x16xf32, #tpu.memory_space<vmem_shared>>)
    %dma_wait3A_99 = arith.constant 77 : i32
    %dma_wait3A_100 = arith.constant 0 : i32
    %dma_wait3A_101 = tpu.memref_slice %arg8[%dma_wait3A_99, %dma_wait3A_100] : memref<80x128xi32, #tpu.memory_space<vmem>> -> memref<1x128xi32, #tpu.memory_space<vmem>>
    %dma_wait3A_102 = tpu.memref_squeeze %dma_wait3A_101 : memref<1x128xi32, #tpu.memory_space<vmem>> -> memref<128xi32, #tpu.memory_space<vmem>>
    %dma_wait3A_103 = arith.constant 0 : i32
    %dma_wait3A_104 = arith.constant 0 : i32
    %dma_wait3A_105 = tpu.memref_slice %arg13[%dma_wait3A_103, %dma_wait3A_104] : memref<10112x16xf32, #tpu.memory_space<vmem_shared>> -> memref<10112x16xf32, #tpu.memory_space<vmem_shared>>
    tpu.wait_indirect_dma semaphore(%arg19 : memref<!tpu.dma_semaphore, #tpu.memory_space<semaphore_mem>>) src(%arg10 : memref<128x16xf32, #tpu.memory_space<vmem>>) dst(%dma_wait3A_105 : memref<10112x16xf32, #tpu.memory_space<vmem_shared>>)
    %dma_wait3A_106 = arith.constant 78 : i32
    %dma_wait3A_107 = arith.constant 0 : i32
    %dma_wait3A_108 = tpu.memref_slice %arg8[%dma_wait3A_106, %dma_wait3A_107] : memref<80x128xi32, #tpu.memory_space<vmem>> -> memref<1x128xi32, #tpu.memory_space<vmem>>
    %dma_wait3A_109 = tpu.memref_squeeze %dma_wait3A_108 : memref<1x128xi32, #tpu.memory_space<vmem>> -> memref<128xi32, #tpu.memory_space<vmem>>
    %dma_wait3A_110 = arith.constant 0 : i32
    %dma_wait3A_111 = arith.constant 0 : i32
    %dma_wait3A_112 = tpu.memref_slice %arg13[%dma_wait3A_110, %dma_wait3A_111] : memref<10112x16xf32, #tpu.memory_space<vmem_shared>> -> memref<10112x16xf32, #tpu.memory_space<vmem_shared>>
    tpu.wait_indirect_dma semaphore(%arg20 : memref<!tpu.dma_semaphore, #tpu.memory_space<semaphore_mem>>) src(%arg11 : memref<128x16xf32, #tpu.memory_space<vmem>>) dst(%dma_wait3A_112 : memref<10112x16xf32, #tpu.memory_space<vmem_shared>>)
    %dma_wait3A_113 = arith.constant 79 : i32
    %dma_wait3A_114 = arith.constant 0 : i32
    %dma_wait3A_115 = tpu.memref_slice %arg8[%dma_wait3A_113, %dma_wait3A_114] : memref<80x128xi32, #tpu.memory_space<vmem>> -> memref<1x128xi32, #tpu.memory_space<vmem>>
    %dma_wait3A_116 = tpu.memref_squeeze %dma_wait3A_115 : memref<1x128xi32, #tpu.memory_space<vmem>> -> memref<128xi32, #tpu.memory_space<vmem>>
    %dma_wait3A_117 = arith.constant 0 : i32
    %dma_wait3A_118 = arith.constant 0 : i32
    %dma_wait3A_119 = tpu.memref_slice %arg13[%dma_wait3A_117, %dma_wait3A_118] : memref<10112x16xf32, #tpu.memory_space<vmem_shared>> -> memref<10112x16xf32, #tpu.memory_space<vmem_shared>>
    tpu.wait_indirect_dma semaphore(%arg21 : memref<!tpu.dma_semaphore, #tpu.memory_space<semaphore_mem>>) src(%arg12 : memref<128x16xf32, #tpu.memory_space<vmem>>) dst(%dma_wait3A_119 : memref<10112x16xf32, #tpu.memory_space<vmem_shared>>)
    %barrier3A_120 = arith.constant 0 : index
    tpu.barrier barrier_id(%barrier3A_120)
    %mul3A_121 = arith.constant 632 : i32
    %mul3A_122 = arith.muli %arg1, %mul3A_121 : i32
    %mul3A_123 = arith.constant 632 : i32
    %mul3A_124 = arith.muli %arg1, %mul3A_123 : i32
    "tpu.region"() ({
      %run_scoped3A = tpu.sem_alloc : memref<!tpu.dma_semaphore, #tpu.memory_space<semaphore_mem>>
      %dma_start3A_125 = arith.constant 0 : i32
      %dma_start3A_126 = tpu.memref_slice %arg6[%arg0, %mul3A_124, %dma_start3A_125] : memref<2x10112x16xf32, #tpu.memory_space<hbm>> -> memref<1x632x16xf32, #tpu.memory_space<hbm>>
      %dma_start3A_127 = tpu.memref_squeeze %dma_start3A_126 : memref<1x632x16xf32, #tpu.memory_space<hbm>> -> memref<632x16xf32, #tpu.memory_space<hbm>>
      %dma_start3A_128 = arith.constant 0 : i32
      %dma_start3A_129 = tpu.memref_slice %arg13[%mul3A_122, %dma_start3A_128] : memref<10112x16xf32, #tpu.memory_space<vmem_shared>> -> memref<632x16xf32, #tpu.memory_space<vmem_shared>>
      tpu.enqueue_dma source(%dma_start3A_129 : memref<632x16xf32, #tpu.memory_space<vmem_shared>>) target(%dma_start3A_127 : memref<632x16xf32, #tpu.memory_space<hbm>>) target_semaphore(%run_scoped3A : memref<!tpu.dma_semaphore, #tpu.memory_space<semaphore_mem>>)
      %dma_wait3A_130 = arith.constant 0 : i32
      %dma_wait3A_131 = tpu.memref_slice %arg6[%arg0, %mul3A_124, %dma_wait3A_130] : memref<2x10112x16xf32, #tpu.memory_space<hbm>> -> memref<1x632x16xf32, #tpu.memory_space<hbm>>
      %dma_wait3A_132 = tpu.memref_squeeze %dma_wait3A_131 : memref<1x632x16xf32, #tpu.memory_space<hbm>> -> memref<632x16xf32, #tpu.memory_space<hbm>>
      %dma_wait3A_133 = arith.constant 0 : i32
      %dma_wait3A_134 = tpu.memref_slice %arg13[%mul3A_122, %dma_wait3A_133] : memref<10112x16xf32, #tpu.memory_space<vmem_shared>> -> memref<632x16xf32, #tpu.memory_space<vmem_shared>>
      tpu.wait_dma2 semaphore(%run_scoped3A : memref<!tpu.dma_semaphore, #tpu.memory_space<semaphore_mem>>) src(%dma_wait3A_134 : memref<632x16xf32, #tpu.memory_space<vmem_shared>>) dst(%dma_wait3A_132 : memref<632x16xf32, #tpu.memory_space<hbm>>)
      tpu.yield
    }) : () -> ()
    return
  }
}

#map = affine_map<(d0, d1) -> (0, 0)>
#map1 = affine_map<(d0, d1) -> (0, 0, 0)>
module attributes {stable_mosaic.version = 14 : i64} {
  func.func @prop(%arg0: i32, %arg1: i32, %arg2: memref<10000x64xf32, #tpu.memory_space<hbm>>, %arg3: memref<32x80x128xi32, #tpu.memory_space<hbm>>, %arg4: memref<32x80x128xi32, #tpu.memory_space<hbm>>, %arg5: memref<10112x64xf32, #tpu.memory_space<hbm>>, %arg6: memref<2x10112x64xf32, #tpu.memory_space<hbm>>, %arg7: memref<80x128xi32, #tpu.memory_space<vmem>>, %arg8: memref<80x128xi32, #tpu.memory_space<vmem>>, %arg9: memref<128x64xf32, #tpu.memory_space<vmem>>, %arg10: memref<128x64xf32, #tpu.memory_space<vmem>>, %arg11: memref<128x64xf32, #tpu.memory_space<vmem>>, %arg12: memref<128x64xf32, #tpu.memory_space<vmem>>, %arg13: memref<10112x64xf32, #tpu.memory_space<vmem_shared>>, %arg14: memref<!tpu.dma_semaphore, #tpu.memory_space<semaphore_mem>>, %arg15: memref<!tpu.dma_semaphore, #tpu.memory_space<semaphore_mem>>, %arg16: memref<!tpu.dma_semaphore, #tpu.memory_space<semaphore_mem>>, %arg17: memref<!tpu.dma_semaphore, #tpu.memory_space<semaphore_mem>>, %arg18: memref<!tpu.dma_semaphore, #tpu.memory_space<semaphore_mem>>, %arg19: memref<!tpu.dma_semaphore, #tpu.memory_space<semaphore_mem>>, %arg20: memref<!tpu.dma_semaphore, #tpu.memory_space<semaphore_mem>>, %arg21: memref<!tpu.dma_semaphore, #tpu.memory_space<semaphore_mem>>) attributes {dimension_semantics = [#tpu.dimension_semantics<core_parallel>, #tpu.dimension_semantics<subcore_parallel>], iteration_bounds = array<i64: 2, 16>, scalar_prefetch = 0 : i64, scratch_operands = 15 : i64, tpu.core_type = #tpu.core_type<sc_vector_subcore>, window_params = [{transform_indices = #map}, {transform_indices = #map1}, {transform_indices = #map1}, {transform_indices = #map}, {transform_indices = #map1}]} {
    %mul3A = arith.constant 2 : i32
    %mul3A_0 = arith.muli %arg1, %mul3A : i32
    %add3A = arith.addi %mul3A_0, %arg0 : i32
    %mul3A_1 = arith.constant 632 : i32
    %mul3A_2 = arith.muli %arg1, %mul3A_1 : i32
    %mul3A_3 = arith.constant 632 : i32
    %mul3A_4 = arith.muli %arg1, %mul3A_3 : i32
    "tpu.region"() ({
      %run_scoped3A = tpu.sem_alloc : memref<!tpu.dma_semaphore, #tpu.memory_space<semaphore_mem>>
      %dma_start3A_125 = arith.constant 0 : i32
      %dma_start3A_126 = tpu.memref_slice %arg13[%mul3A_4, %dma_start3A_125] : memref<10112x64xf32, #tpu.memory_space<vmem_shared>> -> memref<632x64xf32, #tpu.memory_space<vmem_shared>>
      %dma_start3A_127 = arith.constant 0 : i32
      %dma_start3A_128 = tpu.memref_slice %arg5[%mul3A_2, %dma_start3A_127] : memref<10112x64xf32, #tpu.memory_space<hbm>> -> memref<632x64xf32, #tpu.memory_space<hbm>>
      tpu.enqueue_dma source(%dma_start3A_128 : memref<632x64xf32, #tpu.memory_space<hbm>>) target(%dma_start3A_126 : memref<632x64xf32, #tpu.memory_space<vmem_shared>>) target_semaphore(%run_scoped3A : memref<!tpu.dma_semaphore, #tpu.memory_space<semaphore_mem>>)
      %dma_wait3A_129 = arith.constant 0 : i32
      %dma_wait3A_130 = tpu.memref_slice %arg13[%mul3A_4, %dma_wait3A_129] : memref<10112x64xf32, #tpu.memory_space<vmem_shared>> -> memref<632x64xf32, #tpu.memory_space<vmem_shared>>
      %dma_wait3A_131 = arith.constant 0 : i32
      %dma_wait3A_132 = tpu.memref_slice %arg5[%mul3A_2, %dma_wait3A_131] : memref<10112x64xf32, #tpu.memory_space<hbm>> -> memref<632x64xf32, #tpu.memory_space<hbm>>
      tpu.wait_dma2 semaphore(%run_scoped3A : memref<!tpu.dma_semaphore, #tpu.memory_space<semaphore_mem>>) src(%dma_wait3A_132 : memref<632x64xf32, #tpu.memory_space<hbm>>) dst(%dma_wait3A_130 : memref<632x64xf32, #tpu.memory_space<vmem_shared>>)
      tpu.yield
    }) : () -> ()
    "tpu.region"() ({
      %run_scoped3A = tpu.sem_alloc : memref<!tpu.dma_semaphore, #tpu.memory_space<semaphore_mem>>
      %dma_start3A_125 = arith.constant 0 : i32
      %dma_start3A_126 = arith.constant 0 : i32
      %dma_start3A_127 = tpu.memref_slice %arg3[%add3A, %dma_start3A_125, %dma_start3A_126] : memref<32x80x128xi32, #tpu.memory_space<hbm>> -> memref<1x80x128xi32, #tpu.memory_space<hbm>>
      %dma_start3A_128 = tpu.memref_squeeze %dma_start3A_127 : memref<1x80x128xi32, #tpu.memory_space<hbm>> -> memref<80x128xi32, #tpu.memory_space<hbm>>
      %dma_start3A_129 = arith.constant 0 : i32
      %dma_start3A_130 = arith.constant 0 : i32
      %dma_start3A_131 = tpu.memref_slice %arg3[%add3A, %dma_start3A_129, %dma_start3A_130] : memref<32x80x128xi32, #tpu.memory_space<hbm>> -> memref<1x80x128xi32, #tpu.memory_space<hbm>>
      %dma_start3A_132 = tpu.memref_squeeze %dma_start3A_131 : memref<1x80x128xi32, #tpu.memory_space<hbm>> -> memref<80x128xi32, #tpu.memory_space<hbm>>
      tpu.enqueue_dma source(%dma_start3A_132 : memref<80x128xi32, #tpu.memory_space<hbm>>) target(%arg7 : memref<80x128xi32, #tpu.memory_space<vmem>>) target_semaphore(%run_scoped3A : memref<!tpu.dma_semaphore, #tpu.memory_space<semaphore_mem>>)
      %dma_wait3A_133 = arith.constant 0 : i32
      %dma_wait3A_134 = arith.constant 0 : i32
      %dma_wait3A_135 = tpu.memref_slice %arg3[%add3A, %dma_wait3A_133, %dma_wait3A_134] : memref<32x80x128xi32, #tpu.memory_space<hbm>> -> memref<1x80x128xi32, #tpu.memory_space<hbm>>
      %dma_wait3A_136 = tpu.memref_squeeze %dma_wait3A_135 : memref<1x80x128xi32, #tpu.memory_space<hbm>> -> memref<80x128xi32, #tpu.memory_space<hbm>>
      %dma_wait3A_137 = arith.constant 0 : i32
      %dma_wait3A_138 = arith.constant 0 : i32
      %dma_wait3A_139 = tpu.memref_slice %arg3[%add3A, %dma_wait3A_137, %dma_wait3A_138] : memref<32x80x128xi32, #tpu.memory_space<hbm>> -> memref<1x80x128xi32, #tpu.memory_space<hbm>>
      %dma_wait3A_140 = tpu.memref_squeeze %dma_wait3A_139 : memref<1x80x128xi32, #tpu.memory_space<hbm>> -> memref<80x128xi32, #tpu.memory_space<hbm>>
      tpu.wait_dma2 semaphore(%run_scoped3A : memref<!tpu.dma_semaphore, #tpu.memory_space<semaphore_mem>>) src(%dma_wait3A_140 : memref<80x128xi32, #tpu.memory_space<hbm>>) dst(%arg7 : memref<80x128xi32, #tpu.memory_space<vmem>>)
      tpu.yield
    }) : () -> ()
    "tpu.region"() ({
      %run_scoped3A = tpu.sem_alloc : memref<!tpu.dma_semaphore, #tpu.memory_space<semaphore_mem>>
      %dma_start3A_125 = arith.constant 0 : i32
      %dma_start3A_126 = arith.constant 0 : i32
      %dma_start3A_127 = tpu.memref_slice %arg4[%add3A, %dma_start3A_125, %dma_start3A_126] : memref<32x80x128xi32, #tpu.memory_space<hbm>> -> memref<1x80x128xi32, #tpu.memory_space<hbm>>
      %dma_start3A_128 = tpu.memref_squeeze %dma_start3A_127 : memref<1x80x128xi32, #tpu.memory_space<hbm>> -> memref<80x128xi32, #tpu.memory_space<hbm>>
      %dma_start3A_129 = arith.constant 0 : i32
      %dma_start3A_130 = arith.constant 0 : i32
      %dma_start3A_131 = tpu.memref_slice %arg4[%add3A, %dma_start3A_129, %dma_start3A_130] : memref<32x80x128xi32, #tpu.memory_space<hbm>> -> memref<1x80x128xi32, #tpu.memory_space<hbm>>
      %dma_start3A_132 = tpu.memref_squeeze %dma_start3A_131 : memref<1x80x128xi32, #tpu.memory_space<hbm>> -> memref<80x128xi32, #tpu.memory_space<hbm>>
      tpu.enqueue_dma source(%dma_start3A_132 : memref<80x128xi32, #tpu.memory_space<hbm>>) target(%arg8 : memref<80x128xi32, #tpu.memory_space<vmem>>) target_semaphore(%run_scoped3A : memref<!tpu.dma_semaphore, #tpu.memory_space<semaphore_mem>>)
      %dma_wait3A_133 = arith.constant 0 : i32
      %dma_wait3A_134 = arith.constant 0 : i32
      %dma_wait3A_135 = tpu.memref_slice %arg4[%add3A, %dma_wait3A_133, %dma_wait3A_134] : memref<32x80x128xi32, #tpu.memory_space<hbm>> -> memref<1x80x128xi32, #tpu.memory_space<hbm>>
      %dma_wait3A_136 = tpu.memref_squeeze %dma_wait3A_135 : memref<1x80x128xi32, #tpu.memory_space<hbm>> -> memref<80x128xi32, #tpu.memory_space<hbm>>
      %dma_wait3A_137 = arith.constant 0 : i32
      %dma_wait3A_138 = arith.constant 0 : i32
      %dma_wait3A_139 = tpu.memref_slice %arg4[%add3A, %dma_wait3A_137, %dma_wait3A_138] : memref<32x80x128xi32, #tpu.memory_space<hbm>> -> memref<1x80x128xi32, #tpu.memory_space<hbm>>
      %dma_wait3A_140 = tpu.memref_squeeze %dma_wait3A_139 : memref<1x80x128xi32, #tpu.memory_space<hbm>> -> memref<80x128xi32, #tpu.memory_space<hbm>>
      tpu.wait_dma2 semaphore(%run_scoped3A : memref<!tpu.dma_semaphore, #tpu.memory_space<semaphore_mem>>) src(%dma_wait3A_140 : memref<80x128xi32, #tpu.memory_space<hbm>>) dst(%arg8 : memref<80x128xi32, #tpu.memory_space<vmem>>)
      tpu.yield
    }) : () -> ()
    %barrier3A = arith.constant 0 : index
    tpu.barrier barrier_id(%barrier3A)
    %dma_start3A = arith.constant 0 : i32
    %dma_start3A_5 = arith.constant 0 : i32
    %dma_start3A_6 = tpu.memref_slice %arg7[%dma_start3A, %dma_start3A_5] : memref<80x128xi32, #tpu.memory_space<vmem>> -> memref<1x128xi32, #tpu.memory_space<vmem>>
    %dma_start3A_7 = tpu.memref_squeeze %dma_start3A_6 : memref<1x128xi32, #tpu.memory_space<vmem>> -> memref<128xi32, #tpu.memory_space<vmem>>
    %dma_start3A_8 = arith.constant 0 : i32
    %dma_start3A_9 = arith.constant 0 : i32
    %dma_start3A_10 = tpu.memref_slice %arg2[%dma_start3A_8, %dma_start3A_9] : memref<10000x64xf32, #tpu.memory_space<hbm>> -> memref<10000x64xf32, #tpu.memory_space<hbm>>
    tpu.enqueue_indirect_dma source(%dma_start3A_10 : memref<10000x64xf32, #tpu.memory_space<hbm>>) target(%arg9 : memref<128x64xf32, #tpu.memory_space<vmem>>) offsets(%dma_start3A_7 : memref<128xi32, #tpu.memory_space<vmem>>) semaphore(%arg14 : memref<!tpu.dma_semaphore, #tpu.memory_space<semaphore_mem>>)
    %dma_start3A_11 = arith.constant 1 : i32
    %dma_start3A_12 = arith.constant 0 : i32
    %dma_start3A_13 = tpu.memref_slice %arg7[%dma_start3A_11, %dma_start3A_12] : memref<80x128xi32, #tpu.memory_space<vmem>> -> memref<1x128xi32, #tpu.memory_space<vmem>>
    %dma_start3A_14 = tpu.memref_squeeze %dma_start3A_13 : memref<1x128xi32, #tpu.memory_space<vmem>> -> memref<128xi32, #tpu.memory_space<vmem>>
    %dma_start3A_15 = arith.constant 0 : i32
    %dma_start3A_16 = arith.constant 0 : i32
    %dma_start3A_17 = tpu.memref_slice %arg2[%dma_start3A_15, %dma_start3A_16] : memref<10000x64xf32, #tpu.memory_space<hbm>> -> memref<10000x64xf32, #tpu.memory_space<hbm>>
    tpu.enqueue_indirect_dma source(%dma_start3A_17 : memref<10000x64xf32, #tpu.memory_space<hbm>>) target(%arg10 : memref<128x64xf32, #tpu.memory_space<vmem>>) offsets(%dma_start3A_14 : memref<128xi32, #tpu.memory_space<vmem>>) semaphore(%arg15 : memref<!tpu.dma_semaphore, #tpu.memory_space<semaphore_mem>>)
    %dma_start3A_18 = arith.constant 2 : i32
    %dma_start3A_19 = arith.constant 0 : i32
    %dma_start3A_20 = tpu.memref_slice %arg7[%dma_start3A_18, %dma_start3A_19] : memref<80x128xi32, #tpu.memory_space<vmem>> -> memref<1x128xi32, #tpu.memory_space<vmem>>
    %dma_start3A_21 = tpu.memref_squeeze %dma_start3A_20 : memref<1x128xi32, #tpu.memory_space<vmem>> -> memref<128xi32, #tpu.memory_space<vmem>>
    %dma_start3A_22 = arith.constant 0 : i32
    %dma_start3A_23 = arith.constant 0 : i32
    %dma_start3A_24 = tpu.memref_slice %arg2[%dma_start3A_22, %dma_start3A_23] : memref<10000x64xf32, #tpu.memory_space<hbm>> -> memref<10000x64xf32, #tpu.memory_space<hbm>>
    tpu.enqueue_indirect_dma source(%dma_start3A_24 : memref<10000x64xf32, #tpu.memory_space<hbm>>) target(%arg11 : memref<128x64xf32, #tpu.memory_space<vmem>>) offsets(%dma_start3A_21 : memref<128xi32, #tpu.memory_space<vmem>>) semaphore(%arg16 : memref<!tpu.dma_semaphore, #tpu.memory_space<semaphore_mem>>)
    %dma_start3A_25 = arith.constant 3 : i32
    %dma_start3A_26 = arith.constant 0 : i32
    %dma_start3A_27 = tpu.memref_slice %arg7[%dma_start3A_25, %dma_start3A_26] : memref<80x128xi32, #tpu.memory_space<vmem>> -> memref<1x128xi32, #tpu.memory_space<vmem>>
    %dma_start3A_28 = tpu.memref_squeeze %dma_start3A_27 : memref<1x128xi32, #tpu.memory_space<vmem>> -> memref<128xi32, #tpu.memory_space<vmem>>
    %dma_start3A_29 = arith.constant 0 : i32
    %dma_start3A_30 = arith.constant 0 : i32
    %dma_start3A_31 = tpu.memref_slice %arg2[%dma_start3A_29, %dma_start3A_30] : memref<10000x64xf32, #tpu.memory_space<hbm>> -> memref<10000x64xf32, #tpu.memory_space<hbm>>
    tpu.enqueue_indirect_dma source(%dma_start3A_31 : memref<10000x64xf32, #tpu.memory_space<hbm>>) target(%arg12 : memref<128x64xf32, #tpu.memory_space<vmem>>) offsets(%dma_start3A_28 : memref<128xi32, #tpu.memory_space<vmem>>) semaphore(%arg17 : memref<!tpu.dma_semaphore, #tpu.memory_space<semaphore_mem>>)
    %scan3A = arith.constant 0 : i32
    %scan3A_32 = arith.constant 0 : i32
    %scan3A_33 = arith.constant 19 : i32
    %scan3A_34 = arith.addi %scan3A_32, %scan3A_33 : i32
    %scan3A_35 = arith.constant 1 : i32
    scf.for %scan3A_125 = %scan3A_32 to %scan3A_34 step %scan3A_35  : i32 {
      %mul3A_126 = arith.constant 4 : i32
      %mul3A_127 = arith.muli %scan3A_125, %mul3A_126 : i32
      %add3A_128 = arith.constant 0 : i32
      %add3A_129 = arith.addi %mul3A_127, %add3A_128 : i32
      %dma_wait3A_130 = arith.constant 0 : i32
      %dma_wait3A_131 = tpu.memref_slice %arg7[%add3A_129, %dma_wait3A_130] : memref<80x128xi32, #tpu.memory_space<vmem>> -> memref<1x128xi32, #tpu.memory_space<vmem>>
      %dma_wait3A_132 = tpu.memref_squeeze %dma_wait3A_131 : memref<1x128xi32, #tpu.memory_space<vmem>> -> memref<128xi32, #tpu.memory_space<vmem>>
      %dma_wait3A_133 = arith.constant 0 : i32
      %dma_wait3A_134 = arith.constant 0 : i32
      %dma_wait3A_135 = tpu.memref_slice %arg2[%dma_wait3A_133, %dma_wait3A_134] : memref<10000x64xf32, #tpu.memory_space<hbm>> -> memref<10000x64xf32, #tpu.memory_space<hbm>>
      tpu.wait_indirect_dma semaphore(%arg14 : memref<!tpu.dma_semaphore, #tpu.memory_space<semaphore_mem>>) src(%dma_wait3A_135 : memref<10000x64xf32, #tpu.memory_space<hbm>>) dst(%arg9 : memref<128x64xf32, #tpu.memory_space<vmem>>)
      %add3A_136 = arith.constant 0 : i32
      %add3A_137 = arith.addi %mul3A_127, %add3A_136 : i32
      %dma_start3A_138 = arith.constant 0 : i32
      %dma_start3A_139 = tpu.memref_slice %arg8[%add3A_137, %dma_start3A_138] : memref<80x128xi32, #tpu.memory_space<vmem>> -> memref<1x128xi32, #tpu.memory_space<vmem>>
      %dma_start3A_140 = tpu.memref_squeeze %dma_start3A_139 : memref<1x128xi32, #tpu.memory_space<vmem>> -> memref<128xi32, #tpu.memory_space<vmem>>
      %dma_start3A_141 = arith.constant 0 : i32
      %dma_start3A_142 = arith.constant 0 : i32
      %dma_start3A_143 = tpu.memref_slice %arg13[%dma_start3A_141, %dma_start3A_142] : memref<10112x64xf32, #tpu.memory_space<vmem_shared>> -> memref<10112x64xf32, #tpu.memory_space<vmem_shared>>
      tpu.enqueue_indirect_dma source(%arg9 : memref<128x64xf32, #tpu.memory_space<vmem>>) target(%dma_start3A_143 : memref<10112x64xf32, #tpu.memory_space<vmem_shared>>) offsets(%dma_start3A_140 : memref<128xi32, #tpu.memory_space<vmem>>) semaphore(%arg18 : memref<!tpu.dma_semaphore, #tpu.memory_space<semaphore_mem>>) {add = true}
      %add3A_144 = arith.constant 1 : i32
      %add3A_145 = arith.addi %mul3A_127, %add3A_144 : i32
      %dma_wait3A_146 = arith.constant 0 : i32
      %dma_wait3A_147 = tpu.memref_slice %arg7[%add3A_145, %dma_wait3A_146] : memref<80x128xi32, #tpu.memory_space<vmem>> -> memref<1x128xi32, #tpu.memory_space<vmem>>
      %dma_wait3A_148 = tpu.memref_squeeze %dma_wait3A_147 : memref<1x128xi32, #tpu.memory_space<vmem>> -> memref<128xi32, #tpu.memory_space<vmem>>
      %dma_wait3A_149 = arith.constant 0 : i32
      %dma_wait3A_150 = arith.constant 0 : i32
      %dma_wait3A_151 = tpu.memref_slice %arg2[%dma_wait3A_149, %dma_wait3A_150] : memref<10000x64xf32, #tpu.memory_space<hbm>> -> memref<10000x64xf32, #tpu.memory_space<hbm>>
      tpu.wait_indirect_dma semaphore(%arg15 : memref<!tpu.dma_semaphore, #tpu.memory_space<semaphore_mem>>) src(%dma_wait3A_151 : memref<10000x64xf32, #tpu.memory_space<hbm>>) dst(%arg10 : memref<128x64xf32, #tpu.memory_space<vmem>>)
      %add3A_152 = arith.constant 1 : i32
      %add3A_153 = arith.addi %mul3A_127, %add3A_152 : i32
      %dma_start3A_154 = arith.constant 0 : i32
      %dma_start3A_155 = tpu.memref_slice %arg8[%add3A_153, %dma_start3A_154] : memref<80x128xi32, #tpu.memory_space<vmem>> -> memref<1x128xi32, #tpu.memory_space<vmem>>
      %dma_start3A_156 = tpu.memref_squeeze %dma_start3A_155 : memref<1x128xi32, #tpu.memory_space<vmem>> -> memref<128xi32, #tpu.memory_space<vmem>>
      %dma_start3A_157 = arith.constant 0 : i32
      %dma_start3A_158 = arith.constant 0 : i32
      %dma_start3A_159 = tpu.memref_slice %arg13[%dma_start3A_157, %dma_start3A_158] : memref<10112x64xf32, #tpu.memory_space<vmem_shared>> -> memref<10112x64xf32, #tpu.memory_space<vmem_shared>>
      tpu.enqueue_indirect_dma source(%arg10 : memref<128x64xf32, #tpu.memory_space<vmem>>) target(%dma_start3A_159 : memref<10112x64xf32, #tpu.memory_space<vmem_shared>>) offsets(%dma_start3A_156 : memref<128xi32, #tpu.memory_space<vmem>>) semaphore(%arg19 : memref<!tpu.dma_semaphore, #tpu.memory_space<semaphore_mem>>) {add = true}
      %add3A_160 = arith.constant 2 : i32
      %add3A_161 = arith.addi %mul3A_127, %add3A_160 : i32
      %dma_wait3A_162 = arith.constant 0 : i32
      %dma_wait3A_163 = tpu.memref_slice %arg7[%add3A_161, %dma_wait3A_162] : memref<80x128xi32, #tpu.memory_space<vmem>> -> memref<1x128xi32, #tpu.memory_space<vmem>>
      %dma_wait3A_164 = tpu.memref_squeeze %dma_wait3A_163 : memref<1x128xi32, #tpu.memory_space<vmem>> -> memref<128xi32, #tpu.memory_space<vmem>>
      %dma_wait3A_165 = arith.constant 0 : i32
      %dma_wait3A_166 = arith.constant 0 : i32
      %dma_wait3A_167 = tpu.memref_slice %arg2[%dma_wait3A_165, %dma_wait3A_166] : memref<10000x64xf32, #tpu.memory_space<hbm>> -> memref<10000x64xf32, #tpu.memory_space<hbm>>
      tpu.wait_indirect_dma semaphore(%arg16 : memref<!tpu.dma_semaphore, #tpu.memory_space<semaphore_mem>>) src(%dma_wait3A_167 : memref<10000x64xf32, #tpu.memory_space<hbm>>) dst(%arg11 : memref<128x64xf32, #tpu.memory_space<vmem>>)
      %add3A_168 = arith.constant 2 : i32
      %add3A_169 = arith.addi %mul3A_127, %add3A_168 : i32
      %dma_start3A_170 = arith.constant 0 : i32
      %dma_start3A_171 = tpu.memref_slice %arg8[%add3A_169, %dma_start3A_170] : memref<80x128xi32, #tpu.memory_space<vmem>> -> memref<1x128xi32, #tpu.memory_space<vmem>>
      %dma_start3A_172 = tpu.memref_squeeze %dma_start3A_171 : memref<1x128xi32, #tpu.memory_space<vmem>> -> memref<128xi32, #tpu.memory_space<vmem>>
      %dma_start3A_173 = arith.constant 0 : i32
      %dma_start3A_174 = arith.constant 0 : i32
      %dma_start3A_175 = tpu.memref_slice %arg13[%dma_start3A_173, %dma_start3A_174] : memref<10112x64xf32, #tpu.memory_space<vmem_shared>> -> memref<10112x64xf32, #tpu.memory_space<vmem_shared>>
      tpu.enqueue_indirect_dma source(%arg11 : memref<128x64xf32, #tpu.memory_space<vmem>>) target(%dma_start3A_175 : memref<10112x64xf32, #tpu.memory_space<vmem_shared>>) offsets(%dma_start3A_172 : memref<128xi32, #tpu.memory_space<vmem>>) semaphore(%arg20 : memref<!tpu.dma_semaphore, #tpu.memory_space<semaphore_mem>>) {add = true}
      %add3A_176 = arith.constant 3 : i32
      %add3A_177 = arith.addi %mul3A_127, %add3A_176 : i32
      %dma_wait3A_178 = arith.constant 0 : i32
      %dma_wait3A_179 = tpu.memref_slice %arg7[%add3A_177, %dma_wait3A_178] : memref<80x128xi32, #tpu.memory_space<vmem>> -> memref<1x128xi32, #tpu.memory_space<vmem>>
      %dma_wait3A_180 = tpu.memref_squeeze %dma_wait3A_179 : memref<1x128xi32, #tpu.memory_space<vmem>> -> memref<128xi32, #tpu.memory_space<vmem>>
      %dma_wait3A_181 = arith.constant 0 : i32
      %dma_wait3A_182 = arith.constant 0 : i32
      %dma_wait3A_183 = tpu.memref_slice %arg2[%dma_wait3A_181, %dma_wait3A_182] : memref<10000x64xf32, #tpu.memory_space<hbm>> -> memref<10000x64xf32, #tpu.memory_space<hbm>>
      tpu.wait_indirect_dma semaphore(%arg17 : memref<!tpu.dma_semaphore, #tpu.memory_space<semaphore_mem>>) src(%dma_wait3A_183 : memref<10000x64xf32, #tpu.memory_space<hbm>>) dst(%arg12 : memref<128x64xf32, #tpu.memory_space<vmem>>)
      %add3A_184 = arith.constant 3 : i32
      %add3A_185 = arith.addi %mul3A_127, %add3A_184 : i32
      %dma_start3A_186 = arith.constant 0 : i32
      %dma_start3A_187 = tpu.memref_slice %arg8[%add3A_185, %dma_start3A_186] : memref<80x128xi32, #tpu.memory_space<vmem>> -> memref<1x128xi32, #tpu.memory_space<vmem>>
      %dma_start3A_188 = tpu.memref_squeeze %dma_start3A_187 : memref<1x128xi32, #tpu.memory_space<vmem>> -> memref<128xi32, #tpu.memory_space<vmem>>
      %dma_start3A_189 = arith.constant 0 : i32
      %dma_start3A_190 = arith.constant 0 : i32
      %dma_start3A_191 = tpu.memref_slice %arg13[%dma_start3A_189, %dma_start3A_190] : memref<10112x64xf32, #tpu.memory_space<vmem_shared>> -> memref<10112x64xf32, #tpu.memory_space<vmem_shared>>
      tpu.enqueue_indirect_dma source(%arg12 : memref<128x64xf32, #tpu.memory_space<vmem>>) target(%dma_start3A_191 : memref<10112x64xf32, #tpu.memory_space<vmem_shared>>) offsets(%dma_start3A_188 : memref<128xi32, #tpu.memory_space<vmem>>) semaphore(%arg21 : memref<!tpu.dma_semaphore, #tpu.memory_space<semaphore_mem>>) {add = true}
      %add3A_192 = arith.constant 0 : i32
      %add3A_193 = arith.addi %mul3A_127, %add3A_192 : i32
      %dma_wait3A_194 = arith.constant 0 : i32
      %dma_wait3A_195 = tpu.memref_slice %arg8[%add3A_193, %dma_wait3A_194] : memref<80x128xi32, #tpu.memory_space<vmem>> -> memref<1x128xi32, #tpu.memory_space<vmem>>
      %dma_wait3A_196 = tpu.memref_squeeze %dma_wait3A_195 : memref<1x128xi32, #tpu.memory_space<vmem>> -> memref<128xi32, #tpu.memory_space<vmem>>
      %dma_wait3A_197 = arith.constant 0 : i32
      %dma_wait3A_198 = arith.constant 0 : i32
      %dma_wait3A_199 = tpu.memref_slice %arg13[%dma_wait3A_197, %dma_wait3A_198] : memref<10112x64xf32, #tpu.memory_space<vmem_shared>> -> memref<10112x64xf32, #tpu.memory_space<vmem_shared>>
      tpu.wait_indirect_dma semaphore(%arg18 : memref<!tpu.dma_semaphore, #tpu.memory_space<semaphore_mem>>) src(%arg9 : memref<128x64xf32, #tpu.memory_space<vmem>>) dst(%dma_wait3A_199 : memref<10112x64xf32, #tpu.memory_space<vmem_shared>>)
      %add3A_200 = arith.constant 4 : i32
      %add3A_201 = arith.addi %mul3A_127, %add3A_200 : i32
      %add3A_202 = arith.constant 0 : i32
      %add3A_203 = arith.addi %add3A_201, %add3A_202 : i32
      %dma_start3A_204 = arith.constant 0 : i32
      %dma_start3A_205 = tpu.memref_slice %arg7[%add3A_203, %dma_start3A_204] : memref<80x128xi32, #tpu.memory_space<vmem>> -> memref<1x128xi32, #tpu.memory_space<vmem>>
      %dma_start3A_206 = tpu.memref_squeeze %dma_start3A_205 : memref<1x128xi32, #tpu.memory_space<vmem>> -> memref<128xi32, #tpu.memory_space<vmem>>
      %dma_start3A_207 = arith.constant 0 : i32
      %dma_start3A_208 = arith.constant 0 : i32
      %dma_start3A_209 = tpu.memref_slice %arg2[%dma_start3A_207, %dma_start3A_208] : memref<10000x64xf32, #tpu.memory_space<hbm>> -> memref<10000x64xf32, #tpu.memory_space<hbm>>
      tpu.enqueue_indirect_dma source(%dma_start3A_209 : memref<10000x64xf32, #tpu.memory_space<hbm>>) target(%arg9 : memref<128x64xf32, #tpu.memory_space<vmem>>) offsets(%dma_start3A_206 : memref<128xi32, #tpu.memory_space<vmem>>) semaphore(%arg14 : memref<!tpu.dma_semaphore, #tpu.memory_space<semaphore_mem>>)
      %add3A_210 = arith.constant 1 : i32
      %add3A_211 = arith.addi %mul3A_127, %add3A_210 : i32
      %dma_wait3A_212 = arith.constant 0 : i32
      %dma_wait3A_213 = tpu.memref_slice %arg8[%add3A_211, %dma_wait3A_212] : memref<80x128xi32, #tpu.memory_space<vmem>> -> memref<1x128xi32, #tpu.memory_space<vmem>>
      %dma_wait3A_214 = tpu.memref_squeeze %dma_wait3A_213 : memref<1x128xi32, #tpu.memory_space<vmem>> -> memref<128xi32, #tpu.memory_space<vmem>>
      %dma_wait3A_215 = arith.constant 0 : i32
      %dma_wait3A_216 = arith.constant 0 : i32
      %dma_wait3A_217 = tpu.memref_slice %arg13[%dma_wait3A_215, %dma_wait3A_216] : memref<10112x64xf32, #tpu.memory_space<vmem_shared>> -> memref<10112x64xf32, #tpu.memory_space<vmem_shared>>
      tpu.wait_indirect_dma semaphore(%arg19 : memref<!tpu.dma_semaphore, #tpu.memory_space<semaphore_mem>>) src(%arg10 : memref<128x64xf32, #tpu.memory_space<vmem>>) dst(%dma_wait3A_217 : memref<10112x64xf32, #tpu.memory_space<vmem_shared>>)
      %add3A_218 = arith.constant 4 : i32
      %add3A_219 = arith.addi %mul3A_127, %add3A_218 : i32
      %add3A_220 = arith.constant 1 : i32
      %add3A_221 = arith.addi %add3A_219, %add3A_220 : i32
      %dma_start3A_222 = arith.constant 0 : i32
      %dma_start3A_223 = tpu.memref_slice %arg7[%add3A_221, %dma_start3A_222] : memref<80x128xi32, #tpu.memory_space<vmem>> -> memref<1x128xi32, #tpu.memory_space<vmem>>
      %dma_start3A_224 = tpu.memref_squeeze %dma_start3A_223 : memref<1x128xi32, #tpu.memory_space<vmem>> -> memref<128xi32, #tpu.memory_space<vmem>>
      %dma_start3A_225 = arith.constant 0 : i32
      %dma_start3A_226 = arith.constant 0 : i32
      %dma_start3A_227 = tpu.memref_slice %arg2[%dma_start3A_225, %dma_start3A_226] : memref<10000x64xf32, #tpu.memory_space<hbm>> -> memref<10000x64xf32, #tpu.memory_space<hbm>>
      tpu.enqueue_indirect_dma source(%dma_start3A_227 : memref<10000x64xf32, #tpu.memory_space<hbm>>) target(%arg10 : memref<128x64xf32, #tpu.memory_space<vmem>>) offsets(%dma_start3A_224 : memref<128xi32, #tpu.memory_space<vmem>>) semaphore(%arg15 : memref<!tpu.dma_semaphore, #tpu.memory_space<semaphore_mem>>)
      %add3A_228 = arith.constant 2 : i32
      %add3A_229 = arith.addi %mul3A_127, %add3A_228 : i32
      %dma_wait3A_230 = arith.constant 0 : i32
      %dma_wait3A_231 = tpu.memref_slice %arg8[%add3A_229, %dma_wait3A_230] : memref<80x128xi32, #tpu.memory_space<vmem>> -> memref<1x128xi32, #tpu.memory_space<vmem>>
      %dma_wait3A_232 = tpu.memref_squeeze %dma_wait3A_231 : memref<1x128xi32, #tpu.memory_space<vmem>> -> memref<128xi32, #tpu.memory_space<vmem>>
      %dma_wait3A_233 = arith.constant 0 : i32
      %dma_wait3A_234 = arith.constant 0 : i32
      %dma_wait3A_235 = tpu.memref_slice %arg13[%dma_wait3A_233, %dma_wait3A_234] : memref<10112x64xf32, #tpu.memory_space<vmem_shared>> -> memref<10112x64xf32, #tpu.memory_space<vmem_shared>>
      tpu.wait_indirect_dma semaphore(%arg20 : memref<!tpu.dma_semaphore, #tpu.memory_space<semaphore_mem>>) src(%arg11 : memref<128x64xf32, #tpu.memory_space<vmem>>) dst(%dma_wait3A_235 : memref<10112x64xf32, #tpu.memory_space<vmem_shared>>)
      %add3A_236 = arith.constant 4 : i32
      %add3A_237 = arith.addi %mul3A_127, %add3A_236 : i32
      %add3A_238 = arith.constant 2 : i32
      %add3A_239 = arith.addi %add3A_237, %add3A_238 : i32
      %dma_start3A_240 = arith.constant 0 : i32
      %dma_start3A_241 = tpu.memref_slice %arg7[%add3A_239, %dma_start3A_240] : memref<80x128xi32, #tpu.memory_space<vmem>> -> memref<1x128xi32, #tpu.memory_space<vmem>>
      %dma_start3A_242 = tpu.memref_squeeze %dma_start3A_241 : memref<1x128xi32, #tpu.memory_space<vmem>> -> memref<128xi32, #tpu.memory_space<vmem>>
      %dma_start3A_243 = arith.constant 0 : i32
      %dma_start3A_244 = arith.constant 0 : i32
      %dma_start3A_245 = tpu.memref_slice %arg2[%dma_start3A_243, %dma_start3A_244] : memref<10000x64xf32, #tpu.memory_space<hbm>> -> memref<10000x64xf32, #tpu.memory_space<hbm>>
      tpu.enqueue_indirect_dma source(%dma_start3A_245 : memref<10000x64xf32, #tpu.memory_space<hbm>>) target(%arg11 : memref<128x64xf32, #tpu.memory_space<vmem>>) offsets(%dma_start3A_242 : memref<128xi32, #tpu.memory_space<vmem>>) semaphore(%arg16 : memref<!tpu.dma_semaphore, #tpu.memory_space<semaphore_mem>>)
      %add3A_246 = arith.constant 3 : i32
      %add3A_247 = arith.addi %mul3A_127, %add3A_246 : i32
      %dma_wait3A_248 = arith.constant 0 : i32
      %dma_wait3A_249 = tpu.memref_slice %arg8[%add3A_247, %dma_wait3A_248] : memref<80x128xi32, #tpu.memory_space<vmem>> -> memref<1x128xi32, #tpu.memory_space<vmem>>
      %dma_wait3A_250 = tpu.memref_squeeze %dma_wait3A_249 : memref<1x128xi32, #tpu.memory_space<vmem>> -> memref<128xi32, #tpu.memory_space<vmem>>
      %dma_wait3A_251 = arith.constant 0 : i32
      %dma_wait3A_252 = arith.constant 0 : i32
      %dma_wait3A_253 = tpu.memref_slice %arg13[%dma_wait3A_251, %dma_wait3A_252] : memref<10112x64xf32, #tpu.memory_space<vmem_shared>> -> memref<10112x64xf32, #tpu.memory_space<vmem_shared>>
      tpu.wait_indirect_dma semaphore(%arg21 : memref<!tpu.dma_semaphore, #tpu.memory_space<semaphore_mem>>) src(%arg12 : memref<128x64xf32, #tpu.memory_space<vmem>>) dst(%dma_wait3A_253 : memref<10112x64xf32, #tpu.memory_space<vmem_shared>>)
      %add3A_254 = arith.constant 4 : i32
      %add3A_255 = arith.addi %mul3A_127, %add3A_254 : i32
      %add3A_256 = arith.constant 3 : i32
      %add3A_257 = arith.addi %add3A_255, %add3A_256 : i32
      %dma_start3A_258 = arith.constant 0 : i32
      %dma_start3A_259 = tpu.memref_slice %arg7[%add3A_257, %dma_start3A_258] : memref<80x128xi32, #tpu.memory_space<vmem>> -> memref<1x128xi32, #tpu.memory_space<vmem>>
      %dma_start3A_260 = tpu.memref_squeeze %dma_start3A_259 : memref<1x128xi32, #tpu.memory_space<vmem>> -> memref<128xi32, #tpu.memory_space<vmem>>
      %dma_start3A_261 = arith.constant 0 : i32
      %dma_start3A_262 = arith.constant 0 : i32
      %dma_start3A_263 = tpu.memref_slice %arg2[%dma_start3A_261, %dma_start3A_262] : memref<10000x64xf32, #tpu.memory_space<hbm>> -> memref<10000x64xf32, #tpu.memory_space<hbm>>
      tpu.enqueue_indirect_dma source(%dma_start3A_263 : memref<10000x64xf32, #tpu.memory_space<hbm>>) target(%arg12 : memref<128x64xf32, #tpu.memory_space<vmem>>) offsets(%dma_start3A_260 : memref<128xi32, #tpu.memory_space<vmem>>) semaphore(%arg17 : memref<!tpu.dma_semaphore, #tpu.memory_space<semaphore_mem>>)
    }
    %scan3A_36 = arith.constant 19 : i32
    %dma_wait3A = arith.constant 76 : i32
    %dma_wait3A_37 = arith.constant 0 : i32
    %dma_wait3A_38 = tpu.memref_slice %arg7[%dma_wait3A, %dma_wait3A_37] : memref<80x128xi32, #tpu.memory_space<vmem>> -> memref<1x128xi32, #tpu.memory_space<vmem>>
    %dma_wait3A_39 = tpu.memref_squeeze %dma_wait3A_38 : memref<1x128xi32, #tpu.memory_space<vmem>> -> memref<128xi32, #tpu.memory_space<vmem>>
    %dma_wait3A_40 = arith.constant 0 : i32
    %dma_wait3A_41 = arith.constant 0 : i32
    %dma_wait3A_42 = tpu.memref_slice %arg2[%dma_wait3A_40, %dma_wait3A_41] : memref<10000x64xf32, #tpu.memory_space<hbm>> -> memref<10000x64xf32, #tpu.memory_space<hbm>>
    tpu.wait_indirect_dma semaphore(%arg14 : memref<!tpu.dma_semaphore, #tpu.memory_space<semaphore_mem>>) src(%dma_wait3A_42 : memref<10000x64xf32, #tpu.memory_space<hbm>>) dst(%arg9 : memref<128x64xf32, #tpu.memory_space<vmem>>)
    %dma_start3A_43 = arith.constant 76 : i32
    %dma_start3A_44 = arith.constant 0 : i32
    %dma_start3A_45 = tpu.memref_slice %arg8[%dma_start3A_43, %dma_start3A_44] : memref<80x128xi32, #tpu.memory_space<vmem>> -> memref<1x128xi32, #tpu.memory_space<vmem>>
    %dma_start3A_46 = tpu.memref_squeeze %dma_start3A_45 : memref<1x128xi32, #tpu.memory_space<vmem>> -> memref<128xi32, #tpu.memory_space<vmem>>
    %dma_start3A_47 = arith.constant 0 : i32
    %dma_start3A_48 = arith.constant 0 : i32
    %dma_start3A_49 = tpu.memref_slice %arg13[%dma_start3A_47, %dma_start3A_48] : memref<10112x64xf32, #tpu.memory_space<vmem_shared>> -> memref<10112x64xf32, #tpu.memory_space<vmem_shared>>
    tpu.enqueue_indirect_dma source(%arg9 : memref<128x64xf32, #tpu.memory_space<vmem>>) target(%dma_start3A_49 : memref<10112x64xf32, #tpu.memory_space<vmem_shared>>) offsets(%dma_start3A_46 : memref<128xi32, #tpu.memory_space<vmem>>) semaphore(%arg18 : memref<!tpu.dma_semaphore, #tpu.memory_space<semaphore_mem>>) {add = true}
    %dma_wait3A_50 = arith.constant 77 : i32
    %dma_wait3A_51 = arith.constant 0 : i32
    %dma_wait3A_52 = tpu.memref_slice %arg7[%dma_wait3A_50, %dma_wait3A_51] : memref<80x128xi32, #tpu.memory_space<vmem>> -> memref<1x128xi32, #tpu.memory_space<vmem>>
    %dma_wait3A_53 = tpu.memref_squeeze %dma_wait3A_52 : memref<1x128xi32, #tpu.memory_space<vmem>> -> memref<128xi32, #tpu.memory_space<vmem>>
    %dma_wait3A_54 = arith.constant 0 : i32
    %dma_wait3A_55 = arith.constant 0 : i32
    %dma_wait3A_56 = tpu.memref_slice %arg2[%dma_wait3A_54, %dma_wait3A_55] : memref<10000x64xf32, #tpu.memory_space<hbm>> -> memref<10000x64xf32, #tpu.memory_space<hbm>>
    tpu.wait_indirect_dma semaphore(%arg15 : memref<!tpu.dma_semaphore, #tpu.memory_space<semaphore_mem>>) src(%dma_wait3A_56 : memref<10000x64xf32, #tpu.memory_space<hbm>>) dst(%arg10 : memref<128x64xf32, #tpu.memory_space<vmem>>)
    %dma_start3A_57 = arith.constant 77 : i32
    %dma_start3A_58 = arith.constant 0 : i32
    %dma_start3A_59 = tpu.memref_slice %arg8[%dma_start3A_57, %dma_start3A_58] : memref<80x128xi32, #tpu.memory_space<vmem>> -> memref<1x128xi32, #tpu.memory_space<vmem>>
    %dma_start3A_60 = tpu.memref_squeeze %dma_start3A_59 : memref<1x128xi32, #tpu.memory_space<vmem>> -> memref<128xi32, #tpu.memory_space<vmem>>
    %dma_start3A_61 = arith.constant 0 : i32
    %dma_start3A_62 = arith.constant 0 : i32
    %dma_start3A_63 = tpu.memref_slice %arg13[%dma_start3A_61, %dma_start3A_62] : memref<10112x64xf32, #tpu.memory_space<vmem_shared>> -> memref<10112x64xf32, #tpu.memory_space<vmem_shared>>
    tpu.enqueue_indirect_dma source(%arg10 : memref<128x64xf32, #tpu.memory_space<vmem>>) target(%dma_start3A_63 : memref<10112x64xf32, #tpu.memory_space<vmem_shared>>) offsets(%dma_start3A_60 : memref<128xi32, #tpu.memory_space<vmem>>) semaphore(%arg19 : memref<!tpu.dma_semaphore, #tpu.memory_space<semaphore_mem>>) {add = true}
    %dma_wait3A_64 = arith.constant 78 : i32
    %dma_wait3A_65 = arith.constant 0 : i32
    %dma_wait3A_66 = tpu.memref_slice %arg7[%dma_wait3A_64, %dma_wait3A_65] : memref<80x128xi32, #tpu.memory_space<vmem>> -> memref<1x128xi32, #tpu.memory_space<vmem>>
    %dma_wait3A_67 = tpu.memref_squeeze %dma_wait3A_66 : memref<1x128xi32, #tpu.memory_space<vmem>> -> memref<128xi32, #tpu.memory_space<vmem>>
    %dma_wait3A_68 = arith.constant 0 : i32
    %dma_wait3A_69 = arith.constant 0 : i32
    %dma_wait3A_70 = tpu.memref_slice %arg2[%dma_wait3A_68, %dma_wait3A_69] : memref<10000x64xf32, #tpu.memory_space<hbm>> -> memref<10000x64xf32, #tpu.memory_space<hbm>>
    tpu.wait_indirect_dma semaphore(%arg16 : memref<!tpu.dma_semaphore, #tpu.memory_space<semaphore_mem>>) src(%dma_wait3A_70 : memref<10000x64xf32, #tpu.memory_space<hbm>>) dst(%arg11 : memref<128x64xf32, #tpu.memory_space<vmem>>)
    %dma_start3A_71 = arith.constant 78 : i32
    %dma_start3A_72 = arith.constant 0 : i32
    %dma_start3A_73 = tpu.memref_slice %arg8[%dma_start3A_71, %dma_start3A_72] : memref<80x128xi32, #tpu.memory_space<vmem>> -> memref<1x128xi32, #tpu.memory_space<vmem>>
    %dma_start3A_74 = tpu.memref_squeeze %dma_start3A_73 : memref<1x128xi32, #tpu.memory_space<vmem>> -> memref<128xi32, #tpu.memory_space<vmem>>
    %dma_start3A_75 = arith.constant 0 : i32
    %dma_start3A_76 = arith.constant 0 : i32
    %dma_start3A_77 = tpu.memref_slice %arg13[%dma_start3A_75, %dma_start3A_76] : memref<10112x64xf32, #tpu.memory_space<vmem_shared>> -> memref<10112x64xf32, #tpu.memory_space<vmem_shared>>
    tpu.enqueue_indirect_dma source(%arg11 : memref<128x64xf32, #tpu.memory_space<vmem>>) target(%dma_start3A_77 : memref<10112x64xf32, #tpu.memory_space<vmem_shared>>) offsets(%dma_start3A_74 : memref<128xi32, #tpu.memory_space<vmem>>) semaphore(%arg20 : memref<!tpu.dma_semaphore, #tpu.memory_space<semaphore_mem>>) {add = true}
    %dma_wait3A_78 = arith.constant 79 : i32
    %dma_wait3A_79 = arith.constant 0 : i32
    %dma_wait3A_80 = tpu.memref_slice %arg7[%dma_wait3A_78, %dma_wait3A_79] : memref<80x128xi32, #tpu.memory_space<vmem>> -> memref<1x128xi32, #tpu.memory_space<vmem>>
    %dma_wait3A_81 = tpu.memref_squeeze %dma_wait3A_80 : memref<1x128xi32, #tpu.memory_space<vmem>> -> memref<128xi32, #tpu.memory_space<vmem>>
    %dma_wait3A_82 = arith.constant 0 : i32
    %dma_wait3A_83 = arith.constant 0 : i32
    %dma_wait3A_84 = tpu.memref_slice %arg2[%dma_wait3A_82, %dma_wait3A_83] : memref<10000x64xf32, #tpu.memory_space<hbm>> -> memref<10000x64xf32, #tpu.memory_space<hbm>>
    tpu.wait_indirect_dma semaphore(%arg17 : memref<!tpu.dma_semaphore, #tpu.memory_space<semaphore_mem>>) src(%dma_wait3A_84 : memref<10000x64xf32, #tpu.memory_space<hbm>>) dst(%arg12 : memref<128x64xf32, #tpu.memory_space<vmem>>)
    %dma_start3A_85 = arith.constant 79 : i32
    %dma_start3A_86 = arith.constant 0 : i32
    %dma_start3A_87 = tpu.memref_slice %arg8[%dma_start3A_85, %dma_start3A_86] : memref<80x128xi32, #tpu.memory_space<vmem>> -> memref<1x128xi32, #tpu.memory_space<vmem>>
    %dma_start3A_88 = tpu.memref_squeeze %dma_start3A_87 : memref<1x128xi32, #tpu.memory_space<vmem>> -> memref<128xi32, #tpu.memory_space<vmem>>
    %dma_start3A_89 = arith.constant 0 : i32
    %dma_start3A_90 = arith.constant 0 : i32
    %dma_start3A_91 = tpu.memref_slice %arg13[%dma_start3A_89, %dma_start3A_90] : memref<10112x64xf32, #tpu.memory_space<vmem_shared>> -> memref<10112x64xf32, #tpu.memory_space<vmem_shared>>
    tpu.enqueue_indirect_dma source(%arg12 : memref<128x64xf32, #tpu.memory_space<vmem>>) target(%dma_start3A_91 : memref<10112x64xf32, #tpu.memory_space<vmem_shared>>) offsets(%dma_start3A_88 : memref<128xi32, #tpu.memory_space<vmem>>) semaphore(%arg21 : memref<!tpu.dma_semaphore, #tpu.memory_space<semaphore_mem>>) {add = true}
    %dma_wait3A_92 = arith.constant 76 : i32
    %dma_wait3A_93 = arith.constant 0 : i32
    %dma_wait3A_94 = tpu.memref_slice %arg8[%dma_wait3A_92, %dma_wait3A_93] : memref<80x128xi32, #tpu.memory_space<vmem>> -> memref<1x128xi32, #tpu.memory_space<vmem>>
    %dma_wait3A_95 = tpu.memref_squeeze %dma_wait3A_94 : memref<1x128xi32, #tpu.memory_space<vmem>> -> memref<128xi32, #tpu.memory_space<vmem>>
    %dma_wait3A_96 = arith.constant 0 : i32
    %dma_wait3A_97 = arith.constant 0 : i32
    %dma_wait3A_98 = tpu.memref_slice %arg13[%dma_wait3A_96, %dma_wait3A_97] : memref<10112x64xf32, #tpu.memory_space<vmem_shared>> -> memref<10112x64xf32, #tpu.memory_space<vmem_shared>>
    tpu.wait_indirect_dma semaphore(%arg18 : memref<!tpu.dma_semaphore, #tpu.memory_space<semaphore_mem>>) src(%arg9 : memref<128x64xf32, #tpu.memory_space<vmem>>) dst(%dma_wait3A_98 : memref<10112x64xf32, #tpu.memory_space<vmem_shared>>)
    %dma_wait3A_99 = arith.constant 77 : i32
    %dma_wait3A_100 = arith.constant 0 : i32
    %dma_wait3A_101 = tpu.memref_slice %arg8[%dma_wait3A_99, %dma_wait3A_100] : memref<80x128xi32, #tpu.memory_space<vmem>> -> memref<1x128xi32, #tpu.memory_space<vmem>>
    %dma_wait3A_102 = tpu.memref_squeeze %dma_wait3A_101 : memref<1x128xi32, #tpu.memory_space<vmem>> -> memref<128xi32, #tpu.memory_space<vmem>>
    %dma_wait3A_103 = arith.constant 0 : i32
    %dma_wait3A_104 = arith.constant 0 : i32
    %dma_wait3A_105 = tpu.memref_slice %arg13[%dma_wait3A_103, %dma_wait3A_104] : memref<10112x64xf32, #tpu.memory_space<vmem_shared>> -> memref<10112x64xf32, #tpu.memory_space<vmem_shared>>
    tpu.wait_indirect_dma semaphore(%arg19 : memref<!tpu.dma_semaphore, #tpu.memory_space<semaphore_mem>>) src(%arg10 : memref<128x64xf32, #tpu.memory_space<vmem>>) dst(%dma_wait3A_105 : memref<10112x64xf32, #tpu.memory_space<vmem_shared>>)
    %dma_wait3A_106 = arith.constant 78 : i32
    %dma_wait3A_107 = arith.constant 0 : i32
    %dma_wait3A_108 = tpu.memref_slice %arg8[%dma_wait3A_106, %dma_wait3A_107] : memref<80x128xi32, #tpu.memory_space<vmem>> -> memref<1x128xi32, #tpu.memory_space<vmem>>
    %dma_wait3A_109 = tpu.memref_squeeze %dma_wait3A_108 : memref<1x128xi32, #tpu.memory_space<vmem>> -> memref<128xi32, #tpu.memory_space<vmem>>
    %dma_wait3A_110 = arith.constant 0 : i32
    %dma_wait3A_111 = arith.constant 0 : i32
    %dma_wait3A_112 = tpu.memref_slice %arg13[%dma_wait3A_110, %dma_wait3A_111] : memref<10112x64xf32, #tpu.memory_space<vmem_shared>> -> memref<10112x64xf32, #tpu.memory_space<vmem_shared>>
    tpu.wait_indirect_dma semaphore(%arg20 : memref<!tpu.dma_semaphore, #tpu.memory_space<semaphore_mem>>) src(%arg11 : memref<128x64xf32, #tpu.memory_space<vmem>>) dst(%dma_wait3A_112 : memref<10112x64xf32, #tpu.memory_space<vmem_shared>>)
    %dma_wait3A_113 = arith.constant 79 : i32
    %dma_wait3A_114 = arith.constant 0 : i32
    %dma_wait3A_115 = tpu.memref_slice %arg8[%dma_wait3A_113, %dma_wait3A_114] : memref<80x128xi32, #tpu.memory_space<vmem>> -> memref<1x128xi32, #tpu.memory_space<vmem>>
    %dma_wait3A_116 = tpu.memref_squeeze %dma_wait3A_115 : memref<1x128xi32, #tpu.memory_space<vmem>> -> memref<128xi32, #tpu.memory_space<vmem>>
    %dma_wait3A_117 = arith.constant 0 : i32
    %dma_wait3A_118 = arith.constant 0 : i32
    %dma_wait3A_119 = tpu.memref_slice %arg13[%dma_wait3A_117, %dma_wait3A_118] : memref<10112x64xf32, #tpu.memory_space<vmem_shared>> -> memref<10112x64xf32, #tpu.memory_space<vmem_shared>>
    tpu.wait_indirect_dma semaphore(%arg21 : memref<!tpu.dma_semaphore, #tpu.memory_space<semaphore_mem>>) src(%arg12 : memref<128x64xf32, #tpu.memory_space<vmem>>) dst(%dma_wait3A_119 : memref<10112x64xf32, #tpu.memory_space<vmem_shared>>)
    %barrier3A_120 = arith.constant 0 : index
    tpu.barrier barrier_id(%barrier3A_120)
    %mul3A_121 = arith.constant 632 : i32
    %mul3A_122 = arith.muli %arg1, %mul3A_121 : i32
    %mul3A_123 = arith.constant 632 : i32
    %mul3A_124 = arith.muli %arg1, %mul3A_123 : i32
    "tpu.region"() ({
      %run_scoped3A = tpu.sem_alloc : memref<!tpu.dma_semaphore, #tpu.memory_space<semaphore_mem>>
      %dma_start3A_125 = arith.constant 0 : i32
      %dma_start3A_126 = tpu.memref_slice %arg6[%arg0, %mul3A_124, %dma_start3A_125] : memref<2x10112x64xf32, #tpu.memory_space<hbm>> -> memref<1x632x64xf32, #tpu.memory_space<hbm>>
      %dma_start3A_127 = tpu.memref_squeeze %dma_start3A_126 : memref<1x632x64xf32, #tpu.memory_space<hbm>> -> memref<632x64xf32, #tpu.memory_space<hbm>>
      %dma_start3A_128 = arith.constant 0 : i32
      %dma_start3A_129 = tpu.memref_slice %arg13[%mul3A_122, %dma_start3A_128] : memref<10112x64xf32, #tpu.memory_space<vmem_shared>> -> memref<632x64xf32, #tpu.memory_space<vmem_shared>>
      tpu.enqueue_dma source(%dma_start3A_129 : memref<632x64xf32, #tpu.memory_space<vmem_shared>>) target(%dma_start3A_127 : memref<632x64xf32, #tpu.memory_space<hbm>>) target_semaphore(%run_scoped3A : memref<!tpu.dma_semaphore, #tpu.memory_space<semaphore_mem>>)
      %dma_wait3A_130 = arith.constant 0 : i32
      %dma_wait3A_131 = tpu.memref_slice %arg6[%arg0, %mul3A_124, %dma_wait3A_130] : memref<2x10112x64xf32, #tpu.memory_space<hbm>> -> memref<1x632x64xf32, #tpu.memory_space<hbm>>
      %dma_wait3A_132 = tpu.memref_squeeze %dma_wait3A_131 : memref<1x632x64xf32, #tpu.memory_space<hbm>> -> memref<632x64xf32, #tpu.memory_space<hbm>>
      %dma_wait3A_133 = arith.constant 0 : i32
      %dma_wait3A_134 = tpu.memref_slice %arg13[%mul3A_122, %dma_wait3A_133] : memref<10112x64xf32, #tpu.memory_space<vmem_shared>> -> memref<632x64xf32, #tpu.memory_space<vmem_shared>>
      tpu.wait_dma2 semaphore(%run_scoped3A : memref<!tpu.dma_semaphore, #tpu.memory_space<semaphore_mem>>) src(%dma_wait3A_134 : memref<632x64xf32, #tpu.memory_space<vmem_shared>>) dst(%dma_wait3A_132 : memref<632x64xf32, #tpu.memory_space<hbm>>)
      tpu.yield
    }) : () -> ()
    return
  }
}

#map = affine_map<(d0, d1) -> (0, 0)>
#map1 = affine_map<(d0, d1) -> (0, 0, 0)>
module attributes {stable_mosaic.version = 14 : i64} {
  func.func @prop(%arg0: i32, %arg1: i32, %arg2: memref<10000x32xf32, #tpu.memory_space<hbm>>, %arg3: memref<32x80x128xi32, #tpu.memory_space<hbm>>, %arg4: memref<32x80x128xi32, #tpu.memory_space<hbm>>, %arg5: memref<10112x32xf32, #tpu.memory_space<hbm>>, %arg6: memref<2x10112x32xf32, #tpu.memory_space<hbm>>, %arg7: memref<80x128xi32, #tpu.memory_space<vmem>>, %arg8: memref<80x128xi32, #tpu.memory_space<vmem>>, %arg9: memref<128x32xf32, #tpu.memory_space<vmem>>, %arg10: memref<128x32xf32, #tpu.memory_space<vmem>>, %arg11: memref<128x32xf32, #tpu.memory_space<vmem>>, %arg12: memref<128x32xf32, #tpu.memory_space<vmem>>, %arg13: memref<10112x32xf32, #tpu.memory_space<vmem_shared>>, %arg14: memref<!tpu.dma_semaphore, #tpu.memory_space<semaphore_mem>>, %arg15: memref<!tpu.dma_semaphore, #tpu.memory_space<semaphore_mem>>, %arg16: memref<!tpu.dma_semaphore, #tpu.memory_space<semaphore_mem>>, %arg17: memref<!tpu.dma_semaphore, #tpu.memory_space<semaphore_mem>>, %arg18: memref<!tpu.dma_semaphore, #tpu.memory_space<semaphore_mem>>, %arg19: memref<!tpu.dma_semaphore, #tpu.memory_space<semaphore_mem>>, %arg20: memref<!tpu.dma_semaphore, #tpu.memory_space<semaphore_mem>>, %arg21: memref<!tpu.dma_semaphore, #tpu.memory_space<semaphore_mem>>) attributes {dimension_semantics = [#tpu.dimension_semantics<core_parallel>, #tpu.dimension_semantics<subcore_parallel>], iteration_bounds = array<i64: 2, 16>, scalar_prefetch = 0 : i64, scratch_operands = 15 : i64, tpu.core_type = #tpu.core_type<sc_vector_subcore>, window_params = [{transform_indices = #map}, {transform_indices = #map1}, {transform_indices = #map1}, {transform_indices = #map}, {transform_indices = #map1}]} {
    %mul3A = arith.constant 2 : i32
    %mul3A_0 = arith.muli %arg1, %mul3A : i32
    %add3A = arith.addi %mul3A_0, %arg0 : i32
    %mul3A_1 = arith.constant 632 : i32
    %mul3A_2 = arith.muli %arg1, %mul3A_1 : i32
    %mul3A_3 = arith.constant 632 : i32
    %mul3A_4 = arith.muli %arg1, %mul3A_3 : i32
    "tpu.region"() ({
      %run_scoped3A = tpu.sem_alloc : memref<!tpu.dma_semaphore, #tpu.memory_space<semaphore_mem>>
      %dma_start3A_125 = arith.constant 0 : i32
      %dma_start3A_126 = tpu.memref_slice %arg13[%mul3A_4, %dma_start3A_125] : memref<10112x32xf32, #tpu.memory_space<vmem_shared>> -> memref<632x32xf32, #tpu.memory_space<vmem_shared>>
      %dma_start3A_127 = arith.constant 0 : i32
      %dma_start3A_128 = tpu.memref_slice %arg5[%mul3A_2, %dma_start3A_127] : memref<10112x32xf32, #tpu.memory_space<hbm>> -> memref<632x32xf32, #tpu.memory_space<hbm>>
      tpu.enqueue_dma source(%dma_start3A_128 : memref<632x32xf32, #tpu.memory_space<hbm>>) target(%dma_start3A_126 : memref<632x32xf32, #tpu.memory_space<vmem_shared>>) target_semaphore(%run_scoped3A : memref<!tpu.dma_semaphore, #tpu.memory_space<semaphore_mem>>)
      %dma_wait3A_129 = arith.constant 0 : i32
      %dma_wait3A_130 = tpu.memref_slice %arg13[%mul3A_4, %dma_wait3A_129] : memref<10112x32xf32, #tpu.memory_space<vmem_shared>> -> memref<632x32xf32, #tpu.memory_space<vmem_shared>>
      %dma_wait3A_131 = arith.constant 0 : i32
      %dma_wait3A_132 = tpu.memref_slice %arg5[%mul3A_2, %dma_wait3A_131] : memref<10112x32xf32, #tpu.memory_space<hbm>> -> memref<632x32xf32, #tpu.memory_space<hbm>>
      tpu.wait_dma2 semaphore(%run_scoped3A : memref<!tpu.dma_semaphore, #tpu.memory_space<semaphore_mem>>) src(%dma_wait3A_132 : memref<632x32xf32, #tpu.memory_space<hbm>>) dst(%dma_wait3A_130 : memref<632x32xf32, #tpu.memory_space<vmem_shared>>)
      tpu.yield
    }) : () -> ()
    "tpu.region"() ({
      %run_scoped3A = tpu.sem_alloc : memref<!tpu.dma_semaphore, #tpu.memory_space<semaphore_mem>>
      %dma_start3A_125 = arith.constant 0 : i32
      %dma_start3A_126 = arith.constant 0 : i32
      %dma_start3A_127 = tpu.memref_slice %arg3[%add3A, %dma_start3A_125, %dma_start3A_126] : memref<32x80x128xi32, #tpu.memory_space<hbm>> -> memref<1x80x128xi32, #tpu.memory_space<hbm>>
      %dma_start3A_128 = tpu.memref_squeeze %dma_start3A_127 : memref<1x80x128xi32, #tpu.memory_space<hbm>> -> memref<80x128xi32, #tpu.memory_space<hbm>>
      %dma_start3A_129 = arith.constant 0 : i32
      %dma_start3A_130 = arith.constant 0 : i32
      %dma_start3A_131 = tpu.memref_slice %arg3[%add3A, %dma_start3A_129, %dma_start3A_130] : memref<32x80x128xi32, #tpu.memory_space<hbm>> -> memref<1x80x128xi32, #tpu.memory_space<hbm>>
      %dma_start3A_132 = tpu.memref_squeeze %dma_start3A_131 : memref<1x80x128xi32, #tpu.memory_space<hbm>> -> memref<80x128xi32, #tpu.memory_space<hbm>>
      tpu.enqueue_dma source(%dma_start3A_132 : memref<80x128xi32, #tpu.memory_space<hbm>>) target(%arg7 : memref<80x128xi32, #tpu.memory_space<vmem>>) target_semaphore(%run_scoped3A : memref<!tpu.dma_semaphore, #tpu.memory_space<semaphore_mem>>)
      %dma_wait3A_133 = arith.constant 0 : i32
      %dma_wait3A_134 = arith.constant 0 : i32
      %dma_wait3A_135 = tpu.memref_slice %arg3[%add3A, %dma_wait3A_133, %dma_wait3A_134] : memref<32x80x128xi32, #tpu.memory_space<hbm>> -> memref<1x80x128xi32, #tpu.memory_space<hbm>>
      %dma_wait3A_136 = tpu.memref_squeeze %dma_wait3A_135 : memref<1x80x128xi32, #tpu.memory_space<hbm>> -> memref<80x128xi32, #tpu.memory_space<hbm>>
      %dma_wait3A_137 = arith.constant 0 : i32
      %dma_wait3A_138 = arith.constant 0 : i32
      %dma_wait3A_139 = tpu.memref_slice %arg3[%add3A, %dma_wait3A_137, %dma_wait3A_138] : memref<32x80x128xi32, #tpu.memory_space<hbm>> -> memref<1x80x128xi32, #tpu.memory_space<hbm>>
      %dma_wait3A_140 = tpu.memref_squeeze %dma_wait3A_139 : memref<1x80x128xi32, #tpu.memory_space<hbm>> -> memref<80x128xi32, #tpu.memory_space<hbm>>
      tpu.wait_dma2 semaphore(%run_scoped3A : memref<!tpu.dma_semaphore, #tpu.memory_space<semaphore_mem>>) src(%dma_wait3A_140 : memref<80x128xi32, #tpu.memory_space<hbm>>) dst(%arg7 : memref<80x128xi32, #tpu.memory_space<vmem>>)
      tpu.yield
    }) : () -> ()
    "tpu.region"() ({
      %run_scoped3A = tpu.sem_alloc : memref<!tpu.dma_semaphore, #tpu.memory_space<semaphore_mem>>
      %dma_start3A_125 = arith.constant 0 : i32
      %dma_start3A_126 = arith.constant 0 : i32
      %dma_start3A_127 = tpu.memref_slice %arg4[%add3A, %dma_start3A_125, %dma_start3A_126] : memref<32x80x128xi32, #tpu.memory_space<hbm>> -> memref<1x80x128xi32, #tpu.memory_space<hbm>>
      %dma_start3A_128 = tpu.memref_squeeze %dma_start3A_127 : memref<1x80x128xi32, #tpu.memory_space<hbm>> -> memref<80x128xi32, #tpu.memory_space<hbm>>
      %dma_start3A_129 = arith.constant 0 : i32
      %dma_start3A_130 = arith.constant 0 : i32
      %dma_start3A_131 = tpu.memref_slice %arg4[%add3A, %dma_start3A_129, %dma_start3A_130] : memref<32x80x128xi32, #tpu.memory_space<hbm>> -> memref<1x80x128xi32, #tpu.memory_space<hbm>>
      %dma_start3A_132 = tpu.memref_squeeze %dma_start3A_131 : memref<1x80x128xi32, #tpu.memory_space<hbm>> -> memref<80x128xi32, #tpu.memory_space<hbm>>
      tpu.enqueue_dma source(%dma_start3A_132 : memref<80x128xi32, #tpu.memory_space<hbm>>) target(%arg8 : memref<80x128xi32, #tpu.memory_space<vmem>>) target_semaphore(%run_scoped3A : memref<!tpu.dma_semaphore, #tpu.memory_space<semaphore_mem>>)
      %dma_wait3A_133 = arith.constant 0 : i32
      %dma_wait3A_134 = arith.constant 0 : i32
      %dma_wait3A_135 = tpu.memref_slice %arg4[%add3A, %dma_wait3A_133, %dma_wait3A_134] : memref<32x80x128xi32, #tpu.memory_space<hbm>> -> memref<1x80x128xi32, #tpu.memory_space<hbm>>
      %dma_wait3A_136 = tpu.memref_squeeze %dma_wait3A_135 : memref<1x80x128xi32, #tpu.memory_space<hbm>> -> memref<80x128xi32, #tpu.memory_space<hbm>>
      %dma_wait3A_137 = arith.constant 0 : i32
      %dma_wait3A_138 = arith.constant 0 : i32
      %dma_wait3A_139 = tpu.memref_slice %arg4[%add3A, %dma_wait3A_137, %dma_wait3A_138] : memref<32x80x128xi32, #tpu.memory_space<hbm>> -> memref<1x80x128xi32, #tpu.memory_space<hbm>>
      %dma_wait3A_140 = tpu.memref_squeeze %dma_wait3A_139 : memref<1x80x128xi32, #tpu.memory_space<hbm>> -> memref<80x128xi32, #tpu.memory_space<hbm>>
      tpu.wait_dma2 semaphore(%run_scoped3A : memref<!tpu.dma_semaphore, #tpu.memory_space<semaphore_mem>>) src(%dma_wait3A_140 : memref<80x128xi32, #tpu.memory_space<hbm>>) dst(%arg8 : memref<80x128xi32, #tpu.memory_space<vmem>>)
      tpu.yield
    }) : () -> ()
    %barrier3A = arith.constant 0 : index
    tpu.barrier barrier_id(%barrier3A)
    %dma_start3A = arith.constant 0 : i32
    %dma_start3A_5 = arith.constant 0 : i32
    %dma_start3A_6 = tpu.memref_slice %arg7[%dma_start3A, %dma_start3A_5] : memref<80x128xi32, #tpu.memory_space<vmem>> -> memref<1x128xi32, #tpu.memory_space<vmem>>
    %dma_start3A_7 = tpu.memref_squeeze %dma_start3A_6 : memref<1x128xi32, #tpu.memory_space<vmem>> -> memref<128xi32, #tpu.memory_space<vmem>>
    %dma_start3A_8 = arith.constant 0 : i32
    %dma_start3A_9 = arith.constant 0 : i32
    %dma_start3A_10 = tpu.memref_slice %arg2[%dma_start3A_8, %dma_start3A_9] : memref<10000x32xf32, #tpu.memory_space<hbm>> -> memref<10000x32xf32, #tpu.memory_space<hbm>>
    tpu.enqueue_indirect_dma source(%dma_start3A_10 : memref<10000x32xf32, #tpu.memory_space<hbm>>) target(%arg9 : memref<128x32xf32, #tpu.memory_space<vmem>>) offsets(%dma_start3A_7 : memref<128xi32, #tpu.memory_space<vmem>>) semaphore(%arg14 : memref<!tpu.dma_semaphore, #tpu.memory_space<semaphore_mem>>)
    %dma_start3A_11 = arith.constant 1 : i32
    %dma_start3A_12 = arith.constant 0 : i32
    %dma_start3A_13 = tpu.memref_slice %arg7[%dma_start3A_11, %dma_start3A_12] : memref<80x128xi32, #tpu.memory_space<vmem>> -> memref<1x128xi32, #tpu.memory_space<vmem>>
    %dma_start3A_14 = tpu.memref_squeeze %dma_start3A_13 : memref<1x128xi32, #tpu.memory_space<vmem>> -> memref<128xi32, #tpu.memory_space<vmem>>
    %dma_start3A_15 = arith.constant 0 : i32
    %dma_start3A_16 = arith.constant 0 : i32
    %dma_start3A_17 = tpu.memref_slice %arg2[%dma_start3A_15, %dma_start3A_16] : memref<10000x32xf32, #tpu.memory_space<hbm>> -> memref<10000x32xf32, #tpu.memory_space<hbm>>
    tpu.enqueue_indirect_dma source(%dma_start3A_17 : memref<10000x32xf32, #tpu.memory_space<hbm>>) target(%arg10 : memref<128x32xf32, #tpu.memory_space<vmem>>) offsets(%dma_start3A_14 : memref<128xi32, #tpu.memory_space<vmem>>) semaphore(%arg15 : memref<!tpu.dma_semaphore, #tpu.memory_space<semaphore_mem>>)
    %dma_start3A_18 = arith.constant 2 : i32
    %dma_start3A_19 = arith.constant 0 : i32
    %dma_start3A_20 = tpu.memref_slice %arg7[%dma_start3A_18, %dma_start3A_19] : memref<80x128xi32, #tpu.memory_space<vmem>> -> memref<1x128xi32, #tpu.memory_space<vmem>>
    %dma_start3A_21 = tpu.memref_squeeze %dma_start3A_20 : memref<1x128xi32, #tpu.memory_space<vmem>> -> memref<128xi32, #tpu.memory_space<vmem>>
    %dma_start3A_22 = arith.constant 0 : i32
    %dma_start3A_23 = arith.constant 0 : i32
    %dma_start3A_24 = tpu.memref_slice %arg2[%dma_start3A_22, %dma_start3A_23] : memref<10000x32xf32, #tpu.memory_space<hbm>> -> memref<10000x32xf32, #tpu.memory_space<hbm>>
    tpu.enqueue_indirect_dma source(%dma_start3A_24 : memref<10000x32xf32, #tpu.memory_space<hbm>>) target(%arg11 : memref<128x32xf32, #tpu.memory_space<vmem>>) offsets(%dma_start3A_21 : memref<128xi32, #tpu.memory_space<vmem>>) semaphore(%arg16 : memref<!tpu.dma_semaphore, #tpu.memory_space<semaphore_mem>>)
    %dma_start3A_25 = arith.constant 3 : i32
    %dma_start3A_26 = arith.constant 0 : i32
    %dma_start3A_27 = tpu.memref_slice %arg7[%dma_start3A_25, %dma_start3A_26] : memref<80x128xi32, #tpu.memory_space<vmem>> -> memref<1x128xi32, #tpu.memory_space<vmem>>
    %dma_start3A_28 = tpu.memref_squeeze %dma_start3A_27 : memref<1x128xi32, #tpu.memory_space<vmem>> -> memref<128xi32, #tpu.memory_space<vmem>>
    %dma_start3A_29 = arith.constant 0 : i32
    %dma_start3A_30 = arith.constant 0 : i32
    %dma_start3A_31 = tpu.memref_slice %arg2[%dma_start3A_29, %dma_start3A_30] : memref<10000x32xf32, #tpu.memory_space<hbm>> -> memref<10000x32xf32, #tpu.memory_space<hbm>>
    tpu.enqueue_indirect_dma source(%dma_start3A_31 : memref<10000x32xf32, #tpu.memory_space<hbm>>) target(%arg12 : memref<128x32xf32, #tpu.memory_space<vmem>>) offsets(%dma_start3A_28 : memref<128xi32, #tpu.memory_space<vmem>>) semaphore(%arg17 : memref<!tpu.dma_semaphore, #tpu.memory_space<semaphore_mem>>)
    %scan3A = arith.constant 0 : i32
    %scan3A_32 = arith.constant 0 : i32
    %scan3A_33 = arith.constant 19 : i32
    %scan3A_34 = arith.addi %scan3A_32, %scan3A_33 : i32
    %scan3A_35 = arith.constant 1 : i32
    scf.for %scan3A_125 = %scan3A_32 to %scan3A_34 step %scan3A_35  : i32 {
      %mul3A_126 = arith.constant 4 : i32
      %mul3A_127 = arith.muli %scan3A_125, %mul3A_126 : i32
      %add3A_128 = arith.constant 0 : i32
      %add3A_129 = arith.addi %mul3A_127, %add3A_128 : i32
      %dma_wait3A_130 = arith.constant 0 : i32
      %dma_wait3A_131 = tpu.memref_slice %arg7[%add3A_129, %dma_wait3A_130] : memref<80x128xi32, #tpu.memory_space<vmem>> -> memref<1x128xi32, #tpu.memory_space<vmem>>
      %dma_wait3A_132 = tpu.memref_squeeze %dma_wait3A_131 : memref<1x128xi32, #tpu.memory_space<vmem>> -> memref<128xi32, #tpu.memory_space<vmem>>
      %dma_wait3A_133 = arith.constant 0 : i32
      %dma_wait3A_134 = arith.constant 0 : i32
      %dma_wait3A_135 = tpu.memref_slice %arg2[%dma_wait3A_133, %dma_wait3A_134] : memref<10000x32xf32, #tpu.memory_space<hbm>> -> memref<10000x32xf32, #tpu.memory_space<hbm>>
      tpu.wait_indirect_dma semaphore(%arg14 : memref<!tpu.dma_semaphore, #tpu.memory_space<semaphore_mem>>) src(%dma_wait3A_135 : memref<10000x32xf32, #tpu.memory_space<hbm>>) dst(%arg9 : memref<128x32xf32, #tpu.memory_space<vmem>>)
      %add3A_136 = arith.constant 0 : i32
      %add3A_137 = arith.addi %mul3A_127, %add3A_136 : i32
      %dma_start3A_138 = arith.constant 0 : i32
      %dma_start3A_139 = tpu.memref_slice %arg8[%add3A_137, %dma_start3A_138] : memref<80x128xi32, #tpu.memory_space<vmem>> -> memref<1x128xi32, #tpu.memory_space<vmem>>
      %dma_start3A_140 = tpu.memref_squeeze %dma_start3A_139 : memref<1x128xi32, #tpu.memory_space<vmem>> -> memref<128xi32, #tpu.memory_space<vmem>>
      %dma_start3A_141 = arith.constant 0 : i32
      %dma_start3A_142 = arith.constant 0 : i32
      %dma_start3A_143 = tpu.memref_slice %arg13[%dma_start3A_141, %dma_start3A_142] : memref<10112x32xf32, #tpu.memory_space<vmem_shared>> -> memref<10112x32xf32, #tpu.memory_space<vmem_shared>>
      tpu.enqueue_indirect_dma source(%arg9 : memref<128x32xf32, #tpu.memory_space<vmem>>) target(%dma_start3A_143 : memref<10112x32xf32, #tpu.memory_space<vmem_shared>>) offsets(%dma_start3A_140 : memref<128xi32, #tpu.memory_space<vmem>>) semaphore(%arg18 : memref<!tpu.dma_semaphore, #tpu.memory_space<semaphore_mem>>) {add = true}
      %add3A_144 = arith.constant 1 : i32
      %add3A_145 = arith.addi %mul3A_127, %add3A_144 : i32
      %dma_wait3A_146 = arith.constant 0 : i32
      %dma_wait3A_147 = tpu.memref_slice %arg7[%add3A_145, %dma_wait3A_146] : memref<80x128xi32, #tpu.memory_space<vmem>> -> memref<1x128xi32, #tpu.memory_space<vmem>>
      %dma_wait3A_148 = tpu.memref_squeeze %dma_wait3A_147 : memref<1x128xi32, #tpu.memory_space<vmem>> -> memref<128xi32, #tpu.memory_space<vmem>>
      %dma_wait3A_149 = arith.constant 0 : i32
      %dma_wait3A_150 = arith.constant 0 : i32
      %dma_wait3A_151 = tpu.memref_slice %arg2[%dma_wait3A_149, %dma_wait3A_150] : memref<10000x32xf32, #tpu.memory_space<hbm>> -> memref<10000x32xf32, #tpu.memory_space<hbm>>
      tpu.wait_indirect_dma semaphore(%arg15 : memref<!tpu.dma_semaphore, #tpu.memory_space<semaphore_mem>>) src(%dma_wait3A_151 : memref<10000x32xf32, #tpu.memory_space<hbm>>) dst(%arg10 : memref<128x32xf32, #tpu.memory_space<vmem>>)
      %add3A_152 = arith.constant 1 : i32
      %add3A_153 = arith.addi %mul3A_127, %add3A_152 : i32
      %dma_start3A_154 = arith.constant 0 : i32
      %dma_start3A_155 = tpu.memref_slice %arg8[%add3A_153, %dma_start3A_154] : memref<80x128xi32, #tpu.memory_space<vmem>> -> memref<1x128xi32, #tpu.memory_space<vmem>>
      %dma_start3A_156 = tpu.memref_squeeze %dma_start3A_155 : memref<1x128xi32, #tpu.memory_space<vmem>> -> memref<128xi32, #tpu.memory_space<vmem>>
      %dma_start3A_157 = arith.constant 0 : i32
      %dma_start3A_158 = arith.constant 0 : i32
      %dma_start3A_159 = tpu.memref_slice %arg13[%dma_start3A_157, %dma_start3A_158] : memref<10112x32xf32, #tpu.memory_space<vmem_shared>> -> memref<10112x32xf32, #tpu.memory_space<vmem_shared>>
      tpu.enqueue_indirect_dma source(%arg10 : memref<128x32xf32, #tpu.memory_space<vmem>>) target(%dma_start3A_159 : memref<10112x32xf32, #tpu.memory_space<vmem_shared>>) offsets(%dma_start3A_156 : memref<128xi32, #tpu.memory_space<vmem>>) semaphore(%arg19 : memref<!tpu.dma_semaphore, #tpu.memory_space<semaphore_mem>>) {add = true}
      %add3A_160 = arith.constant 2 : i32
      %add3A_161 = arith.addi %mul3A_127, %add3A_160 : i32
      %dma_wait3A_162 = arith.constant 0 : i32
      %dma_wait3A_163 = tpu.memref_slice %arg7[%add3A_161, %dma_wait3A_162] : memref<80x128xi32, #tpu.memory_space<vmem>> -> memref<1x128xi32, #tpu.memory_space<vmem>>
      %dma_wait3A_164 = tpu.memref_squeeze %dma_wait3A_163 : memref<1x128xi32, #tpu.memory_space<vmem>> -> memref<128xi32, #tpu.memory_space<vmem>>
      %dma_wait3A_165 = arith.constant 0 : i32
      %dma_wait3A_166 = arith.constant 0 : i32
      %dma_wait3A_167 = tpu.memref_slice %arg2[%dma_wait3A_165, %dma_wait3A_166] : memref<10000x32xf32, #tpu.memory_space<hbm>> -> memref<10000x32xf32, #tpu.memory_space<hbm>>
      tpu.wait_indirect_dma semaphore(%arg16 : memref<!tpu.dma_semaphore, #tpu.memory_space<semaphore_mem>>) src(%dma_wait3A_167 : memref<10000x32xf32, #tpu.memory_space<hbm>>) dst(%arg11 : memref<128x32xf32, #tpu.memory_space<vmem>>)
      %add3A_168 = arith.constant 2 : i32
      %add3A_169 = arith.addi %mul3A_127, %add3A_168 : i32
      %dma_start3A_170 = arith.constant 0 : i32
      %dma_start3A_171 = tpu.memref_slice %arg8[%add3A_169, %dma_start3A_170] : memref<80x128xi32, #tpu.memory_space<vmem>> -> memref<1x128xi32, #tpu.memory_space<vmem>>
      %dma_start3A_172 = tpu.memref_squeeze %dma_start3A_171 : memref<1x128xi32, #tpu.memory_space<vmem>> -> memref<128xi32, #tpu.memory_space<vmem>>
      %dma_start3A_173 = arith.constant 0 : i32
      %dma_start3A_174 = arith.constant 0 : i32
      %dma_start3A_175 = tpu.memref_slice %arg13[%dma_start3A_173, %dma_start3A_174] : memref<10112x32xf32, #tpu.memory_space<vmem_shared>> -> memref<10112x32xf32, #tpu.memory_space<vmem_shared>>
      tpu.enqueue_indirect_dma source(%arg11 : memref<128x32xf32, #tpu.memory_space<vmem>>) target(%dma_start3A_175 : memref<10112x32xf32, #tpu.memory_space<vmem_shared>>) offsets(%dma_start3A_172 : memref<128xi32, #tpu.memory_space<vmem>>) semaphore(%arg20 : memref<!tpu.dma_semaphore, #tpu.memory_space<semaphore_mem>>) {add = true}
      %add3A_176 = arith.constant 3 : i32
      %add3A_177 = arith.addi %mul3A_127, %add3A_176 : i32
      %dma_wait3A_178 = arith.constant 0 : i32
      %dma_wait3A_179 = tpu.memref_slice %arg7[%add3A_177, %dma_wait3A_178] : memref<80x128xi32, #tpu.memory_space<vmem>> -> memref<1x128xi32, #tpu.memory_space<vmem>>
      %dma_wait3A_180 = tpu.memref_squeeze %dma_wait3A_179 : memref<1x128xi32, #tpu.memory_space<vmem>> -> memref<128xi32, #tpu.memory_space<vmem>>
      %dma_wait3A_181 = arith.constant 0 : i32
      %dma_wait3A_182 = arith.constant 0 : i32
      %dma_wait3A_183 = tpu.memref_slice %arg2[%dma_wait3A_181, %dma_wait3A_182] : memref<10000x32xf32, #tpu.memory_space<hbm>> -> memref<10000x32xf32, #tpu.memory_space<hbm>>
      tpu.wait_indirect_dma semaphore(%arg17 : memref<!tpu.dma_semaphore, #tpu.memory_space<semaphore_mem>>) src(%dma_wait3A_183 : memref<10000x32xf32, #tpu.memory_space<hbm>>) dst(%arg12 : memref<128x32xf32, #tpu.memory_space<vmem>>)
      %add3A_184 = arith.constant 3 : i32
      %add3A_185 = arith.addi %mul3A_127, %add3A_184 : i32
      %dma_start3A_186 = arith.constant 0 : i32
      %dma_start3A_187 = tpu.memref_slice %arg8[%add3A_185, %dma_start3A_186] : memref<80x128xi32, #tpu.memory_space<vmem>> -> memref<1x128xi32, #tpu.memory_space<vmem>>
      %dma_start3A_188 = tpu.memref_squeeze %dma_start3A_187 : memref<1x128xi32, #tpu.memory_space<vmem>> -> memref<128xi32, #tpu.memory_space<vmem>>
      %dma_start3A_189 = arith.constant 0 : i32
      %dma_start3A_190 = arith.constant 0 : i32
      %dma_start3A_191 = tpu.memref_slice %arg13[%dma_start3A_189, %dma_start3A_190] : memref<10112x32xf32, #tpu.memory_space<vmem_shared>> -> memref<10112x32xf32, #tpu.memory_space<vmem_shared>>
      tpu.enqueue_indirect_dma source(%arg12 : memref<128x32xf32, #tpu.memory_space<vmem>>) target(%dma_start3A_191 : memref<10112x32xf32, #tpu.memory_space<vmem_shared>>) offsets(%dma_start3A_188 : memref<128xi32, #tpu.memory_space<vmem>>) semaphore(%arg21 : memref<!tpu.dma_semaphore, #tpu.memory_space<semaphore_mem>>) {add = true}
      %add3A_192 = arith.constant 0 : i32
      %add3A_193 = arith.addi %mul3A_127, %add3A_192 : i32
      %dma_wait3A_194 = arith.constant 0 : i32
      %dma_wait3A_195 = tpu.memref_slice %arg8[%add3A_193, %dma_wait3A_194] : memref<80x128xi32, #tpu.memory_space<vmem>> -> memref<1x128xi32, #tpu.memory_space<vmem>>
      %dma_wait3A_196 = tpu.memref_squeeze %dma_wait3A_195 : memref<1x128xi32, #tpu.memory_space<vmem>> -> memref<128xi32, #tpu.memory_space<vmem>>
      %dma_wait3A_197 = arith.constant 0 : i32
      %dma_wait3A_198 = arith.constant 0 : i32
      %dma_wait3A_199 = tpu.memref_slice %arg13[%dma_wait3A_197, %dma_wait3A_198] : memref<10112x32xf32, #tpu.memory_space<vmem_shared>> -> memref<10112x32xf32, #tpu.memory_space<vmem_shared>>
      tpu.wait_indirect_dma semaphore(%arg18 : memref<!tpu.dma_semaphore, #tpu.memory_space<semaphore_mem>>) src(%arg9 : memref<128x32xf32, #tpu.memory_space<vmem>>) dst(%dma_wait3A_199 : memref<10112x32xf32, #tpu.memory_space<vmem_shared>>)
      %add3A_200 = arith.constant 4 : i32
      %add3A_201 = arith.addi %mul3A_127, %add3A_200 : i32
      %add3A_202 = arith.constant 0 : i32
      %add3A_203 = arith.addi %add3A_201, %add3A_202 : i32
      %dma_start3A_204 = arith.constant 0 : i32
      %dma_start3A_205 = tpu.memref_slice %arg7[%add3A_203, %dma_start3A_204] : memref<80x128xi32, #tpu.memory_space<vmem>> -> memref<1x128xi32, #tpu.memory_space<vmem>>
      %dma_start3A_206 = tpu.memref_squeeze %dma_start3A_205 : memref<1x128xi32, #tpu.memory_space<vmem>> -> memref<128xi32, #tpu.memory_space<vmem>>
      %dma_start3A_207 = arith.constant 0 : i32
      %dma_start3A_208 = arith.constant 0 : i32
      %dma_start3A_209 = tpu.memref_slice %arg2[%dma_start3A_207, %dma_start3A_208] : memref<10000x32xf32, #tpu.memory_space<hbm>> -> memref<10000x32xf32, #tpu.memory_space<hbm>>
      tpu.enqueue_indirect_dma source(%dma_start3A_209 : memref<10000x32xf32, #tpu.memory_space<hbm>>) target(%arg9 : memref<128x32xf32, #tpu.memory_space<vmem>>) offsets(%dma_start3A_206 : memref<128xi32, #tpu.memory_space<vmem>>) semaphore(%arg14 : memref<!tpu.dma_semaphore, #tpu.memory_space<semaphore_mem>>)
      %add3A_210 = arith.constant 1 : i32
      %add3A_211 = arith.addi %mul3A_127, %add3A_210 : i32
      %dma_wait3A_212 = arith.constant 0 : i32
      %dma_wait3A_213 = tpu.memref_slice %arg8[%add3A_211, %dma_wait3A_212] : memref<80x128xi32, #tpu.memory_space<vmem>> -> memref<1x128xi32, #tpu.memory_space<vmem>>
      %dma_wait3A_214 = tpu.memref_squeeze %dma_wait3A_213 : memref<1x128xi32, #tpu.memory_space<vmem>> -> memref<128xi32, #tpu.memory_space<vmem>>
      %dma_wait3A_215 = arith.constant 0 : i32
      %dma_wait3A_216 = arith.constant 0 : i32
      %dma_wait3A_217 = tpu.memref_slice %arg13[%dma_wait3A_215, %dma_wait3A_216] : memref<10112x32xf32, #tpu.memory_space<vmem_shared>> -> memref<10112x32xf32, #tpu.memory_space<vmem_shared>>
      tpu.wait_indirect_dma semaphore(%arg19 : memref<!tpu.dma_semaphore, #tpu.memory_space<semaphore_mem>>) src(%arg10 : memref<128x32xf32, #tpu.memory_space<vmem>>) dst(%dma_wait3A_217 : memref<10112x32xf32, #tpu.memory_space<vmem_shared>>)
      %add3A_218 = arith.constant 4 : i32
      %add3A_219 = arith.addi %mul3A_127, %add3A_218 : i32
      %add3A_220 = arith.constant 1 : i32
      %add3A_221 = arith.addi %add3A_219, %add3A_220 : i32
      %dma_start3A_222 = arith.constant 0 : i32
      %dma_start3A_223 = tpu.memref_slice %arg7[%add3A_221, %dma_start3A_222] : memref<80x128xi32, #tpu.memory_space<vmem>> -> memref<1x128xi32, #tpu.memory_space<vmem>>
      %dma_start3A_224 = tpu.memref_squeeze %dma_start3A_223 : memref<1x128xi32, #tpu.memory_space<vmem>> -> memref<128xi32, #tpu.memory_space<vmem>>
      %dma_start3A_225 = arith.constant 0 : i32
      %dma_start3A_226 = arith.constant 0 : i32
      %dma_start3A_227 = tpu.memref_slice %arg2[%dma_start3A_225, %dma_start3A_226] : memref<10000x32xf32, #tpu.memory_space<hbm>> -> memref<10000x32xf32, #tpu.memory_space<hbm>>
      tpu.enqueue_indirect_dma source(%dma_start3A_227 : memref<10000x32xf32, #tpu.memory_space<hbm>>) target(%arg10 : memref<128x32xf32, #tpu.memory_space<vmem>>) offsets(%dma_start3A_224 : memref<128xi32, #tpu.memory_space<vmem>>) semaphore(%arg15 : memref<!tpu.dma_semaphore, #tpu.memory_space<semaphore_mem>>)
      %add3A_228 = arith.constant 2 : i32
      %add3A_229 = arith.addi %mul3A_127, %add3A_228 : i32
      %dma_wait3A_230 = arith.constant 0 : i32
      %dma_wait3A_231 = tpu.memref_slice %arg8[%add3A_229, %dma_wait3A_230] : memref<80x128xi32, #tpu.memory_space<vmem>> -> memref<1x128xi32, #tpu.memory_space<vmem>>
      %dma_wait3A_232 = tpu.memref_squeeze %dma_wait3A_231 : memref<1x128xi32, #tpu.memory_space<vmem>> -> memref<128xi32, #tpu.memory_space<vmem>>
      %dma_wait3A_233 = arith.constant 0 : i32
      %dma_wait3A_234 = arith.constant 0 : i32
      %dma_wait3A_235 = tpu.memref_slice %arg13[%dma_wait3A_233, %dma_wait3A_234] : memref<10112x32xf32, #tpu.memory_space<vmem_shared>> -> memref<10112x32xf32, #tpu.memory_space<vmem_shared>>
      tpu.wait_indirect_dma semaphore(%arg20 : memref<!tpu.dma_semaphore, #tpu.memory_space<semaphore_mem>>) src(%arg11 : memref<128x32xf32, #tpu.memory_space<vmem>>) dst(%dma_wait3A_235 : memref<10112x32xf32, #tpu.memory_space<vmem_shared>>)
      %add3A_236 = arith.constant 4 : i32
      %add3A_237 = arith.addi %mul3A_127, %add3A_236 : i32
      %add3A_238 = arith.constant 2 : i32
      %add3A_239 = arith.addi %add3A_237, %add3A_238 : i32
      %dma_start3A_240 = arith.constant 0 : i32
      %dma_start3A_241 = tpu.memref_slice %arg7[%add3A_239, %dma_start3A_240] : memref<80x128xi32, #tpu.memory_space<vmem>> -> memref<1x128xi32, #tpu.memory_space<vmem>>
      %dma_start3A_242 = tpu.memref_squeeze %dma_start3A_241 : memref<1x128xi32, #tpu.memory_space<vmem>> -> memref<128xi32, #tpu.memory_space<vmem>>
      %dma_start3A_243 = arith.constant 0 : i32
      %dma_start3A_244 = arith.constant 0 : i32
      %dma_start3A_245 = tpu.memref_slice %arg2[%dma_start3A_243, %dma_start3A_244] : memref<10000x32xf32, #tpu.memory_space<hbm>> -> memref<10000x32xf32, #tpu.memory_space<hbm>>
      tpu.enqueue_indirect_dma source(%dma_start3A_245 : memref<10000x32xf32, #tpu.memory_space<hbm>>) target(%arg11 : memref<128x32xf32, #tpu.memory_space<vmem>>) offsets(%dma_start3A_242 : memref<128xi32, #tpu.memory_space<vmem>>) semaphore(%arg16 : memref<!tpu.dma_semaphore, #tpu.memory_space<semaphore_mem>>)
      %add3A_246 = arith.constant 3 : i32
      %add3A_247 = arith.addi %mul3A_127, %add3A_246 : i32
      %dma_wait3A_248 = arith.constant 0 : i32
      %dma_wait3A_249 = tpu.memref_slice %arg8[%add3A_247, %dma_wait3A_248] : memref<80x128xi32, #tpu.memory_space<vmem>> -> memref<1x128xi32, #tpu.memory_space<vmem>>
      %dma_wait3A_250 = tpu.memref_squeeze %dma_wait3A_249 : memref<1x128xi32, #tpu.memory_space<vmem>> -> memref<128xi32, #tpu.memory_space<vmem>>
      %dma_wait3A_251 = arith.constant 0 : i32
      %dma_wait3A_252 = arith.constant 0 : i32
      %dma_wait3A_253 = tpu.memref_slice %arg13[%dma_wait3A_251, %dma_wait3A_252] : memref<10112x32xf32, #tpu.memory_space<vmem_shared>> -> memref<10112x32xf32, #tpu.memory_space<vmem_shared>>
      tpu.wait_indirect_dma semaphore(%arg21 : memref<!tpu.dma_semaphore, #tpu.memory_space<semaphore_mem>>) src(%arg12 : memref<128x32xf32, #tpu.memory_space<vmem>>) dst(%dma_wait3A_253 : memref<10112x32xf32, #tpu.memory_space<vmem_shared>>)
      %add3A_254 = arith.constant 4 : i32
      %add3A_255 = arith.addi %mul3A_127, %add3A_254 : i32
      %add3A_256 = arith.constant 3 : i32
      %add3A_257 = arith.addi %add3A_255, %add3A_256 : i32
      %dma_start3A_258 = arith.constant 0 : i32
      %dma_start3A_259 = tpu.memref_slice %arg7[%add3A_257, %dma_start3A_258] : memref<80x128xi32, #tpu.memory_space<vmem>> -> memref<1x128xi32, #tpu.memory_space<vmem>>
      %dma_start3A_260 = tpu.memref_squeeze %dma_start3A_259 : memref<1x128xi32, #tpu.memory_space<vmem>> -> memref<128xi32, #tpu.memory_space<vmem>>
      %dma_start3A_261 = arith.constant 0 : i32
      %dma_start3A_262 = arith.constant 0 : i32
      %dma_start3A_263 = tpu.memref_slice %arg2[%dma_start3A_261, %dma_start3A_262] : memref<10000x32xf32, #tpu.memory_space<hbm>> -> memref<10000x32xf32, #tpu.memory_space<hbm>>
      tpu.enqueue_indirect_dma source(%dma_start3A_263 : memref<10000x32xf32, #tpu.memory_space<hbm>>) target(%arg12 : memref<128x32xf32, #tpu.memory_space<vmem>>) offsets(%dma_start3A_260 : memref<128xi32, #tpu.memory_space<vmem>>) semaphore(%arg17 : memref<!tpu.dma_semaphore, #tpu.memory_space<semaphore_mem>>)
    }
    %scan3A_36 = arith.constant 19 : i32
    %dma_wait3A = arith.constant 76 : i32
    %dma_wait3A_37 = arith.constant 0 : i32
    %dma_wait3A_38 = tpu.memref_slice %arg7[%dma_wait3A, %dma_wait3A_37] : memref<80x128xi32, #tpu.memory_space<vmem>> -> memref<1x128xi32, #tpu.memory_space<vmem>>
    %dma_wait3A_39 = tpu.memref_squeeze %dma_wait3A_38 : memref<1x128xi32, #tpu.memory_space<vmem>> -> memref<128xi32, #tpu.memory_space<vmem>>
    %dma_wait3A_40 = arith.constant 0 : i32
    %dma_wait3A_41 = arith.constant 0 : i32
    %dma_wait3A_42 = tpu.memref_slice %arg2[%dma_wait3A_40, %dma_wait3A_41] : memref<10000x32xf32, #tpu.memory_space<hbm>> -> memref<10000x32xf32, #tpu.memory_space<hbm>>
    tpu.wait_indirect_dma semaphore(%arg14 : memref<!tpu.dma_semaphore, #tpu.memory_space<semaphore_mem>>) src(%dma_wait3A_42 : memref<10000x32xf32, #tpu.memory_space<hbm>>) dst(%arg9 : memref<128x32xf32, #tpu.memory_space<vmem>>)
    %dma_start3A_43 = arith.constant 76 : i32
    %dma_start3A_44 = arith.constant 0 : i32
    %dma_start3A_45 = tpu.memref_slice %arg8[%dma_start3A_43, %dma_start3A_44] : memref<80x128xi32, #tpu.memory_space<vmem>> -> memref<1x128xi32, #tpu.memory_space<vmem>>
    %dma_start3A_46 = tpu.memref_squeeze %dma_start3A_45 : memref<1x128xi32, #tpu.memory_space<vmem>> -> memref<128xi32, #tpu.memory_space<vmem>>
    %dma_start3A_47 = arith.constant 0 : i32
    %dma_start3A_48 = arith.constant 0 : i32
    %dma_start3A_49 = tpu.memref_slice %arg13[%dma_start3A_47, %dma_start3A_48] : memref<10112x32xf32, #tpu.memory_space<vmem_shared>> -> memref<10112x32xf32, #tpu.memory_space<vmem_shared>>
    tpu.enqueue_indirect_dma source(%arg9 : memref<128x32xf32, #tpu.memory_space<vmem>>) target(%dma_start3A_49 : memref<10112x32xf32, #tpu.memory_space<vmem_shared>>) offsets(%dma_start3A_46 : memref<128xi32, #tpu.memory_space<vmem>>) semaphore(%arg18 : memref<!tpu.dma_semaphore, #tpu.memory_space<semaphore_mem>>) {add = true}
    %dma_wait3A_50 = arith.constant 77 : i32
    %dma_wait3A_51 = arith.constant 0 : i32
    %dma_wait3A_52 = tpu.memref_slice %arg7[%dma_wait3A_50, %dma_wait3A_51] : memref<80x128xi32, #tpu.memory_space<vmem>> -> memref<1x128xi32, #tpu.memory_space<vmem>>
    %dma_wait3A_53 = tpu.memref_squeeze %dma_wait3A_52 : memref<1x128xi32, #tpu.memory_space<vmem>> -> memref<128xi32, #tpu.memory_space<vmem>>
    %dma_wait3A_54 = arith.constant 0 : i32
    %dma_wait3A_55 = arith.constant 0 : i32
    %dma_wait3A_56 = tpu.memref_slice %arg2[%dma_wait3A_54, %dma_wait3A_55] : memref<10000x32xf32, #tpu.memory_space<hbm>> -> memref<10000x32xf32, #tpu.memory_space<hbm>>
    tpu.wait_indirect_dma semaphore(%arg15 : memref<!tpu.dma_semaphore, #tpu.memory_space<semaphore_mem>>) src(%dma_wait3A_56 : memref<10000x32xf32, #tpu.memory_space<hbm>>) dst(%arg10 : memref<128x32xf32, #tpu.memory_space<vmem>>)
    %dma_start3A_57 = arith.constant 77 : i32
    %dma_start3A_58 = arith.constant 0 : i32
    %dma_start3A_59 = tpu.memref_slice %arg8[%dma_start3A_57, %dma_start3A_58] : memref<80x128xi32, #tpu.memory_space<vmem>> -> memref<1x128xi32, #tpu.memory_space<vmem>>
    %dma_start3A_60 = tpu.memref_squeeze %dma_start3A_59 : memref<1x128xi32, #tpu.memory_space<vmem>> -> memref<128xi32, #tpu.memory_space<vmem>>
    %dma_start3A_61 = arith.constant 0 : i32
    %dma_start3A_62 = arith.constant 0 : i32
    %dma_start3A_63 = tpu.memref_slice %arg13[%dma_start3A_61, %dma_start3A_62] : memref<10112x32xf32, #tpu.memory_space<vmem_shared>> -> memref<10112x32xf32, #tpu.memory_space<vmem_shared>>
    tpu.enqueue_indirect_dma source(%arg10 : memref<128x32xf32, #tpu.memory_space<vmem>>) target(%dma_start3A_63 : memref<10112x32xf32, #tpu.memory_space<vmem_shared>>) offsets(%dma_start3A_60 : memref<128xi32, #tpu.memory_space<vmem>>) semaphore(%arg19 : memref<!tpu.dma_semaphore, #tpu.memory_space<semaphore_mem>>) {add = true}
    %dma_wait3A_64 = arith.constant 78 : i32
    %dma_wait3A_65 = arith.constant 0 : i32
    %dma_wait3A_66 = tpu.memref_slice %arg7[%dma_wait3A_64, %dma_wait3A_65] : memref<80x128xi32, #tpu.memory_space<vmem>> -> memref<1x128xi32, #tpu.memory_space<vmem>>
    %dma_wait3A_67 = tpu.memref_squeeze %dma_wait3A_66 : memref<1x128xi32, #tpu.memory_space<vmem>> -> memref<128xi32, #tpu.memory_space<vmem>>
    %dma_wait3A_68 = arith.constant 0 : i32
    %dma_wait3A_69 = arith.constant 0 : i32
    %dma_wait3A_70 = tpu.memref_slice %arg2[%dma_wait3A_68, %dma_wait3A_69] : memref<10000x32xf32, #tpu.memory_space<hbm>> -> memref<10000x32xf32, #tpu.memory_space<hbm>>
    tpu.wait_indirect_dma semaphore(%arg16 : memref<!tpu.dma_semaphore, #tpu.memory_space<semaphore_mem>>) src(%dma_wait3A_70 : memref<10000x32xf32, #tpu.memory_space<hbm>>) dst(%arg11 : memref<128x32xf32, #tpu.memory_space<vmem>>)
    %dma_start3A_71 = arith.constant 78 : i32
    %dma_start3A_72 = arith.constant 0 : i32
    %dma_start3A_73 = tpu.memref_slice %arg8[%dma_start3A_71, %dma_start3A_72] : memref<80x128xi32, #tpu.memory_space<vmem>> -> memref<1x128xi32, #tpu.memory_space<vmem>>
    %dma_start3A_74 = tpu.memref_squeeze %dma_start3A_73 : memref<1x128xi32, #tpu.memory_space<vmem>> -> memref<128xi32, #tpu.memory_space<vmem>>
    %dma_start3A_75 = arith.constant 0 : i32
    %dma_start3A_76 = arith.constant 0 : i32
    %dma_start3A_77 = tpu.memref_slice %arg13[%dma_start3A_75, %dma_start3A_76] : memref<10112x32xf32, #tpu.memory_space<vmem_shared>> -> memref<10112x32xf32, #tpu.memory_space<vmem_shared>>
    tpu.enqueue_indirect_dma source(%arg11 : memref<128x32xf32, #tpu.memory_space<vmem>>) target(%dma_start3A_77 : memref<10112x32xf32, #tpu.memory_space<vmem_shared>>) offsets(%dma_start3A_74 : memref<128xi32, #tpu.memory_space<vmem>>) semaphore(%arg20 : memref<!tpu.dma_semaphore, #tpu.memory_space<semaphore_mem>>) {add = true}
    %dma_wait3A_78 = arith.constant 79 : i32
    %dma_wait3A_79 = arith.constant 0 : i32
    %dma_wait3A_80 = tpu.memref_slice %arg7[%dma_wait3A_78, %dma_wait3A_79] : memref<80x128xi32, #tpu.memory_space<vmem>> -> memref<1x128xi32, #tpu.memory_space<vmem>>
    %dma_wait3A_81 = tpu.memref_squeeze %dma_wait3A_80 : memref<1x128xi32, #tpu.memory_space<vmem>> -> memref<128xi32, #tpu.memory_space<vmem>>
    %dma_wait3A_82 = arith.constant 0 : i32
    %dma_wait3A_83 = arith.constant 0 : i32
    %dma_wait3A_84 = tpu.memref_slice %arg2[%dma_wait3A_82, %dma_wait3A_83] : memref<10000x32xf32, #tpu.memory_space<hbm>> -> memref<10000x32xf32, #tpu.memory_space<hbm>>
    tpu.wait_indirect_dma semaphore(%arg17 : memref<!tpu.dma_semaphore, #tpu.memory_space<semaphore_mem>>) src(%dma_wait3A_84 : memref<10000x32xf32, #tpu.memory_space<hbm>>) dst(%arg12 : memref<128x32xf32, #tpu.memory_space<vmem>>)
    %dma_start3A_85 = arith.constant 79 : i32
    %dma_start3A_86 = arith.constant 0 : i32
    %dma_start3A_87 = tpu.memref_slice %arg8[%dma_start3A_85, %dma_start3A_86] : memref<80x128xi32, #tpu.memory_space<vmem>> -> memref<1x128xi32, #tpu.memory_space<vmem>>
    %dma_start3A_88 = tpu.memref_squeeze %dma_start3A_87 : memref<1x128xi32, #tpu.memory_space<vmem>> -> memref<128xi32, #tpu.memory_space<vmem>>
    %dma_start3A_89 = arith.constant 0 : i32
    %dma_start3A_90 = arith.constant 0 : i32
    %dma_start3A_91 = tpu.memref_slice %arg13[%dma_start3A_89, %dma_start3A_90] : memref<10112x32xf32, #tpu.memory_space<vmem_shared>> -> memref<10112x32xf32, #tpu.memory_space<vmem_shared>>
    tpu.enqueue_indirect_dma source(%arg12 : memref<128x32xf32, #tpu.memory_space<vmem>>) target(%dma_start3A_91 : memref<10112x32xf32, #tpu.memory_space<vmem_shared>>) offsets(%dma_start3A_88 : memref<128xi32, #tpu.memory_space<vmem>>) semaphore(%arg21 : memref<!tpu.dma_semaphore, #tpu.memory_space<semaphore_mem>>) {add = true}
    %dma_wait3A_92 = arith.constant 76 : i32
    %dma_wait3A_93 = arith.constant 0 : i32
    %dma_wait3A_94 = tpu.memref_slice %arg8[%dma_wait3A_92, %dma_wait3A_93] : memref<80x128xi32, #tpu.memory_space<vmem>> -> memref<1x128xi32, #tpu.memory_space<vmem>>
    %dma_wait3A_95 = tpu.memref_squeeze %dma_wait3A_94 : memref<1x128xi32, #tpu.memory_space<vmem>> -> memref<128xi32, #tpu.memory_space<vmem>>
    %dma_wait3A_96 = arith.constant 0 : i32
    %dma_wait3A_97 = arith.constant 0 : i32
    %dma_wait3A_98 = tpu.memref_slice %arg13[%dma_wait3A_96, %dma_wait3A_97] : memref<10112x32xf32, #tpu.memory_space<vmem_shared>> -> memref<10112x32xf32, #tpu.memory_space<vmem_shared>>
    tpu.wait_indirect_dma semaphore(%arg18 : memref<!tpu.dma_semaphore, #tpu.memory_space<semaphore_mem>>) src(%arg9 : memref<128x32xf32, #tpu.memory_space<vmem>>) dst(%dma_wait3A_98 : memref<10112x32xf32, #tpu.memory_space<vmem_shared>>)
    %dma_wait3A_99 = arith.constant 77 : i32
    %dma_wait3A_100 = arith.constant 0 : i32
    %dma_wait3A_101 = tpu.memref_slice %arg8[%dma_wait3A_99, %dma_wait3A_100] : memref<80x128xi32, #tpu.memory_space<vmem>> -> memref<1x128xi32, #tpu.memory_space<vmem>>
    %dma_wait3A_102 = tpu.memref_squeeze %dma_wait3A_101 : memref<1x128xi32, #tpu.memory_space<vmem>> -> memref<128xi32, #tpu.memory_space<vmem>>
    %dma_wait3A_103 = arith.constant 0 : i32
    %dma_wait3A_104 = arith.constant 0 : i32
    %dma_wait3A_105 = tpu.memref_slice %arg13[%dma_wait3A_103, %dma_wait3A_104] : memref<10112x32xf32, #tpu.memory_space<vmem_shared>> -> memref<10112x32xf32, #tpu.memory_space<vmem_shared>>
    tpu.wait_indirect_dma semaphore(%arg19 : memref<!tpu.dma_semaphore, #tpu.memory_space<semaphore_mem>>) src(%arg10 : memref<128x32xf32, #tpu.memory_space<vmem>>) dst(%dma_wait3A_105 : memref<10112x32xf32, #tpu.memory_space<vmem_shared>>)
    %dma_wait3A_106 = arith.constant 78 : i32
    %dma_wait3A_107 = arith.constant 0 : i32
    %dma_wait3A_108 = tpu.memref_slice %arg8[%dma_wait3A_106, %dma_wait3A_107] : memref<80x128xi32, #tpu.memory_space<vmem>> -> memref<1x128xi32, #tpu.memory_space<vmem>>
    %dma_wait3A_109 = tpu.memref_squeeze %dma_wait3A_108 : memref<1x128xi32, #tpu.memory_space<vmem>> -> memref<128xi32, #tpu.memory_space<vmem>>
    %dma_wait3A_110 = arith.constant 0 : i32
    %dma_wait3A_111 = arith.constant 0 : i32
    %dma_wait3A_112 = tpu.memref_slice %arg13[%dma_wait3A_110, %dma_wait3A_111] : memref<10112x32xf32, #tpu.memory_space<vmem_shared>> -> memref<10112x32xf32, #tpu.memory_space<vmem_shared>>
    tpu.wait_indirect_dma semaphore(%arg20 : memref<!tpu.dma_semaphore, #tpu.memory_space<semaphore_mem>>) src(%arg11 : memref<128x32xf32, #tpu.memory_space<vmem>>) dst(%dma_wait3A_112 : memref<10112x32xf32, #tpu.memory_space<vmem_shared>>)
    %dma_wait3A_113 = arith.constant 79 : i32
    %dma_wait3A_114 = arith.constant 0 : i32
    %dma_wait3A_115 = tpu.memref_slice %arg8[%dma_wait3A_113, %dma_wait3A_114] : memref<80x128xi32, #tpu.memory_space<vmem>> -> memref<1x128xi32, #tpu.memory_space<vmem>>
    %dma_wait3A_116 = tpu.memref_squeeze %dma_wait3A_115 : memref<1x128xi32, #tpu.memory_space<vmem>> -> memref<128xi32, #tpu.memory_space<vmem>>
    %dma_wait3A_117 = arith.constant 0 : i32
    %dma_wait3A_118 = arith.constant 0 : i32
    %dma_wait3A_119 = tpu.memref_slice %arg13[%dma_wait3A_117, %dma_wait3A_118] : memref<10112x32xf32, #tpu.memory_space<vmem_shared>> -> memref<10112x32xf32, #tpu.memory_space<vmem_shared>>
    tpu.wait_indirect_dma semaphore(%arg21 : memref<!tpu.dma_semaphore, #tpu.memory_space<semaphore_mem>>) src(%arg12 : memref<128x32xf32, #tpu.memory_space<vmem>>) dst(%dma_wait3A_119 : memref<10112x32xf32, #tpu.memory_space<vmem_shared>>)
    %barrier3A_120 = arith.constant 0 : index
    tpu.barrier barrier_id(%barrier3A_120)
    %mul3A_121 = arith.constant 632 : i32
    %mul3A_122 = arith.muli %arg1, %mul3A_121 : i32
    %mul3A_123 = arith.constant 632 : i32
    %mul3A_124 = arith.muli %arg1, %mul3A_123 : i32
    "tpu.region"() ({
      %run_scoped3A = tpu.sem_alloc : memref<!tpu.dma_semaphore, #tpu.memory_space<semaphore_mem>>
      %dma_start3A_125 = arith.constant 0 : i32
      %dma_start3A_126 = tpu.memref_slice %arg6[%arg0, %mul3A_124, %dma_start3A_125] : memref<2x10112x32xf32, #tpu.memory_space<hbm>> -> memref<1x632x32xf32, #tpu.memory_space<hbm>>
      %dma_start3A_127 = tpu.memref_squeeze %dma_start3A_126 : memref<1x632x32xf32, #tpu.memory_space<hbm>> -> memref<632x32xf32, #tpu.memory_space<hbm>>
      %dma_start3A_128 = arith.constant 0 : i32
      %dma_start3A_129 = tpu.memref_slice %arg13[%mul3A_122, %dma_start3A_128] : memref<10112x32xf32, #tpu.memory_space<vmem_shared>> -> memref<632x32xf32, #tpu.memory_space<vmem_shared>>
      tpu.enqueue_dma source(%dma_start3A_129 : memref<632x32xf32, #tpu.memory_space<vmem_shared>>) target(%dma_start3A_127 : memref<632x32xf32, #tpu.memory_space<hbm>>) target_semaphore(%run_scoped3A : memref<!tpu.dma_semaphore, #tpu.memory_space<semaphore_mem>>)
      %dma_wait3A_130 = arith.constant 0 : i32
      %dma_wait3A_131 = tpu.memref_slice %arg6[%arg0, %mul3A_124, %dma_wait3A_130] : memref<2x10112x32xf32, #tpu.memory_space<hbm>> -> memref<1x632x32xf32, #tpu.memory_space<hbm>>
      %dma_wait3A_132 = tpu.memref_squeeze %dma_wait3A_131 : memref<1x632x32xf32, #tpu.memory_space<hbm>> -> memref<632x32xf32, #tpu.memory_space<hbm>>
      %dma_wait3A_133 = arith.constant 0 : i32
      %dma_wait3A_134 = tpu.memref_slice %arg13[%mul3A_122, %dma_wait3A_133] : memref<10112x32xf32, #tpu.memory_space<vmem_shared>> -> memref<632x32xf32, #tpu.memory_space<vmem_shared>>
      tpu.wait_dma2 semaphore(%run_scoped3A : memref<!tpu.dma_semaphore, #tpu.memory_space<semaphore_mem>>) src(%dma_wait3A_134 : memref<632x32xf32, #tpu.memory_space<vmem_shared>>) dst(%dma_wait3A_132 : memref<632x32xf32, #tpu.memory_space<hbm>>)
      tpu.yield
    }) : () -> ()
    return
  }
}

module attributes {stable_mosaic.version = 14 : i64} {
  func.func @_tc_first_body(%arg0: memref<10000x128xf32, #tpu.memory_space<vmem>>, %arg1: memref<128x64xf32, #tpu.memory_space<vmem>>, %arg2: memref<32x10112xf32, #tpu.memory_space<vmem>>, %arg3: memref<10000x64xf32, #tpu.memory_space<vmem>>, %arg4: memref<10000x1xf32, #tpu.memory_space<vmem>>) attributes {dimension_semantics = [], scalar_prefetch = 0 : i64, scratch_operands = 0 : i64, tpu.core_type = #tpu.core_type<tc>} {
    %get3A = arith.constant 0 : index
    %get3A_0 = arith.constant 0 : index
    %get3A_1 = vector.load %arg2[%get3A, %get3A_0] : memref<32x10112xf32, #tpu.memory_space<vmem>>, vector<32x10112xf32>
    %reduce_sum3A = arith.constant dense<0.000000e+00> : vector<10112xf32>
    %reduce_sum3A_2 = vector.multi_reduction <add>, %get3A_1, %reduce_sum3A [0] : vector<32x10112xf32> to vector<10112xf32>
    %slice3A = vector.extract_strided_slice %reduce_sum3A_2 {offsets = [0], sizes = [10000], strides = [1]} : vector<10112xf32> to vector<10000xf32>
    %add3A = arith.constant 1.000000e+00 : f32
    %add3A_3 = vector.broadcast %add3A : f32 to vector<10000xf32>
    %add3A_4 = arith.addf %slice3A, %add3A_3 : vector<10000xf32>
    %rsqrt3A = math.rsqrt %add3A_4 : vector<10000xf32>
    %broadcast_in_dim3A = vector.shape_cast %rsqrt3A : vector<10000xf32> to vector<10000x1xf32>
    %swap3A = arith.constant 0 : index
    %swap3A_5 = arith.constant 0 : index
    %swap3A_6 = vector.load %arg4[%swap3A, %swap3A_5] : memref<10000x1xf32, #tpu.memory_space<vmem>>, vector<10000x1xf32>
    tpu.vector_store %arg4[%swap3A, %swap3A_5], %broadcast_in_dim3A {strides = array<i32>} : memref<10000x1xf32, #tpu.memory_space<vmem>>, vector<10000x1xf32>,
    %get3A_7 = arith.constant 0 : index
    %get3A_8 = arith.constant 0 : index
    %get3A_9 = vector.load %arg0[%get3A_7, %get3A_8] : memref<10000x128xf32, #tpu.memory_space<vmem>>, vector<10000x128xf32>
    %get3A_10 = arith.constant 0 : index
    %get3A_11 = arith.constant 0 : index
    %get3A_12 = vector.load %arg1[%get3A_10, %get3A_11] : memref<128x64xf32, #tpu.memory_space<vmem>>, vector<128x64xf32>
    %dot_general3A = arith.constant dense<0.000000e+00> : vector<10000x64xf32>
    %dot_general3A_13 = tpu.matmul %get3A_9, %get3A_12, %dot_general3A {dimension_numbers = #tpu.dot_dimension_numbers<[1], [0], [0], [1], [0, 0, 1, 1], [], []>, transpose_lhs_hint = false} : vector<10000x128xf32>, vector<128x64xf32>, vector<10000x64xf32> -> vector<10000x64xf32>
    %mul3A = vector.broadcast %broadcast_in_dim3A : vector<10000x1xf32> to vector<10000x64xf32>
    %mul3A_14 = arith.mulf %dot_general3A_13, %mul3A : vector<10000x64xf32>
    %swap3A_15 = arith.constant 0 : index
    %swap3A_16 = arith.constant 0 : index
    %swap3A_17 = vector.load %arg3[%swap3A_15, %swap3A_16] : memref<10000x64xf32, #tpu.memory_space<vmem>>, vector<10000x64xf32>
    tpu.vector_store %arg3[%swap3A_15, %swap3A_16], %mul3A_14 {strides = array<i32>} : memref<10000x64xf32, #tpu.memory_space<vmem>>, vector<10000x64xf32>,
    return
  }
}

module attributes {stable_mosaic.version = 14 : i64} {
  func.func @_tc_mid_body(%arg0: memref<2x10112x64xf32, #tpu.memory_space<vmem>>, %arg1: memref<10000x64xf32, #tpu.memory_space<vmem>>, %arg2: memref<10000x1xf32, #tpu.memory_space<vmem>>, %arg3: memref<64xf32, #tpu.memory_space<vmem>>, %arg4: memref<64x32xf32, #tpu.memory_space<vmem>>, %arg5: memref<10000x32xf32, #tpu.memory_space<vmem>>) attributes {dimension_semantics = [], scalar_prefetch = 0 : i64, scratch_operands = 0 : i64, tpu.core_type = #tpu.core_type<tc>} {
    %get3A = arith.constant 0 : index
    %get3A_0 = arith.constant 0 : index
    %get3A_1 = vector.load %arg2[%get3A, %get3A_0] : memref<10000x1xf32, #tpu.memory_space<vmem>>, vector<10000x1xf32>
    %get3A_2 = arith.constant 0 : index
    %get3A_3 = arith.constant 0 : index
    %get3A_4 = arith.constant 0 : index
    %get3A_5 = vector.load %arg0[%get3A_2, %get3A_3, %get3A_4] : memref<2x10112x64xf32, #tpu.memory_space<vmem>>, vector<1x10000x64xf32>
    %get3A_6 = vector.shape_cast %get3A_5 : vector<1x10000x64xf32> to vector<10000x64xf32>
    %get3A_7 = arith.constant 1 : index
    %get3A_8 = arith.constant 0 : index
    %get3A_9 = arith.constant 0 : index
    %get3A_10 = vector.load %arg0[%get3A_7, %get3A_8, %get3A_9] : memref<2x10112x64xf32, #tpu.memory_space<vmem>>, vector<1x10000x64xf32>
    %get3A_11 = vector.shape_cast %get3A_10 : vector<1x10000x64xf32> to vector<10000x64xf32>
    %add3A = arith.addf %get3A_6, %get3A_11 : vector<10000x64xf32>
    %get3A_12 = arith.constant 0 : index
    %get3A_13 = arith.constant 0 : index
    %get3A_14 = vector.load %arg1[%get3A_12, %get3A_13] : memref<10000x64xf32, #tpu.memory_space<vmem>>, vector<10000x64xf32>
    %add3A_15 = arith.addf %add3A, %get3A_14 : vector<10000x64xf32>
    %mul3A = vector.broadcast %get3A_1 : vector<10000x1xf32> to vector<10000x64xf32>
    %mul3A_16 = arith.mulf %mul3A, %add3A_15 : vector<10000x64xf32>
    %get3A_17 = arith.constant 0 : index
    %get3A_18 = vector.load %arg3[%get3A_17] : memref<64xf32, #tpu.memory_space<vmem>>, vector<64xf32>
    %broadcast_in_dim3A = vector.shape_cast %get3A_18 : vector<64xf32> to vector<1x64xf32>
    %add3A_19 = vector.broadcast %broadcast_in_dim3A : vector<1x64xf32> to vector<10000x64xf32>
    %add3A_20 = arith.addf %mul3A_16, %add3A_19 : vector<10000x64xf32>
    %max3A = arith.constant 0.000000e+00 : f32
    %max3A_21 = vector.broadcast %max3A : f32 to vector<10000x64xf32>
    %max3A_22 = arith.maximumf %add3A_20, %max3A_21 : vector<10000x64xf32>
    %get3A_23 = arith.constant 0 : index
    %get3A_24 = arith.constant 0 : index
    %get3A_25 = vector.load %arg4[%get3A_23, %get3A_24] : memref<64x32xf32, #tpu.memory_space<vmem>>, vector<64x32xf32>
    %dot_general3A = arith.constant dense<0.000000e+00> : vector<10000x32xf32>
    %dot_general3A_26 = tpu.matmul %max3A_22, %get3A_25, %dot_general3A {dimension_numbers = #tpu.dot_dimension_numbers<[1], [0], [0], [1], [0, 0, 1, 1], [], []>, transpose_lhs_hint = false} : vector<10000x64xf32>, vector<64x32xf32>, vector<10000x32xf32> -> vector<10000x32xf32>
    %mul3A_27 = vector.broadcast %get3A_1 : vector<10000x1xf32> to vector<10000x32xf32>
    %mul3A_28 = arith.mulf %dot_general3A_26, %mul3A_27 : vector<10000x32xf32>
    %swap3A = arith.constant 0 : index
    %swap3A_29 = arith.constant 0 : index
    %swap3A_30 = vector.load %arg5[%swap3A, %swap3A_29] : memref<10000x32xf32, #tpu.memory_space<vmem>>, vector<10000x32xf32>
    tpu.vector_store %arg5[%swap3A, %swap3A_29], %mul3A_28 {strides = array<i32>} : memref<10000x32xf32, #tpu.memory_space<vmem>>, vector<10000x32xf32>,
    return
  }
}

module attributes {stable_mosaic.version = 14 : i64} {
  func.func @_tc_mid_body(%arg0: memref<2x10112x32xf32, #tpu.memory_space<vmem>>, %arg1: memref<10000x32xf32, #tpu.memory_space<vmem>>, %arg2: memref<10000x1xf32, #tpu.memory_space<vmem>>, %arg3: memref<32xf32, #tpu.memory_space<vmem>>, %arg4: memref<32x16xf32, #tpu.memory_space<vmem>>, %arg5: memref<10000x16xf32, #tpu.memory_space<vmem>>) attributes {dimension_semantics = [], scalar_prefetch = 0 : i64, scratch_operands = 0 : i64, tpu.core_type = #tpu.core_type<tc>} {
    %get3A = arith.constant 0 : index
    %get3A_0 = arith.constant 0 : index
    %get3A_1 = vector.load %arg2[%get3A, %get3A_0] : memref<10000x1xf32, #tpu.memory_space<vmem>>, vector<10000x1xf32>
    %get3A_2 = arith.constant 0 : index
    %get3A_3 = arith.constant 0 : index
    %get3A_4 = arith.constant 0 : index
    %get3A_5 = vector.load %arg0[%get3A_2, %get3A_3, %get3A_4] : memref<2x10112x32xf32, #tpu.memory_space<vmem>>, vector<1x10000x32xf32>
    %get3A_6 = vector.shape_cast %get3A_5 : vector<1x10000x32xf32> to vector<10000x32xf32>
    %get3A_7 = arith.constant 1 : index
    %get3A_8 = arith.constant 0 : index
    %get3A_9 = arith.constant 0 : index
    %get3A_10 = vector.load %arg0[%get3A_7, %get3A_8, %get3A_9] : memref<2x10112x32xf32, #tpu.memory_space<vmem>>, vector<1x10000x32xf32>
    %get3A_11 = vector.shape_cast %get3A_10 : vector<1x10000x32xf32> to vector<10000x32xf32>
    %add3A = arith.addf %get3A_6, %get3A_11 : vector<10000x32xf32>
    %get3A_12 = arith.constant 0 : index
    %get3A_13 = arith.constant 0 : index
    %get3A_14 = vector.load %arg1[%get3A_12, %get3A_13] : memref<10000x32xf32, #tpu.memory_space<vmem>>, vector<10000x32xf32>
    %add3A_15 = arith.addf %add3A, %get3A_14 : vector<10000x32xf32>
    %mul3A = vector.broadcast %get3A_1 : vector<10000x1xf32> to vector<10000x32xf32>
    %mul3A_16 = arith.mulf %mul3A, %add3A_15 : vector<10000x32xf32>
    %get3A_17 = arith.constant 0 : index
    %get3A_18 = vector.load %arg3[%get3A_17] : memref<32xf32, #tpu.memory_space<vmem>>, vector<32xf32>
    %broadcast_in_dim3A = vector.shape_cast %get3A_18 : vector<32xf32> to vector<1x32xf32>
    %add3A_19 = vector.broadcast %broadcast_in_dim3A : vector<1x32xf32> to vector<10000x32xf32>
    %add3A_20 = arith.addf %mul3A_16, %add3A_19 : vector<10000x32xf32>
    %max3A = arith.constant 0.000000e+00 : f32
    %max3A_21 = vector.broadcast %max3A : f32 to vector<10000x32xf32>
    %max3A_22 = arith.maximumf %add3A_20, %max3A_21 : vector<10000x32xf32>
    %get3A_23 = arith.constant 0 : index
    %get3A_24 = arith.constant 0 : index
    %get3A_25 = vector.load %arg4[%get3A_23, %get3A_24] : memref<32x16xf32, #tpu.memory_space<vmem>>, vector<32x16xf32>
    %dot_general3A = arith.constant dense<0.000000e+00> : vector<10000x16xf32>
    %dot_general3A_26 = tpu.matmul %max3A_22, %get3A_25, %dot_general3A {dimension_numbers = #tpu.dot_dimension_numbers<[1], [0], [0], [1], [0, 0, 1, 1], [], []>, transpose_lhs_hint = false} : vector<10000x32xf32>, vector<32x16xf32>, vector<10000x16xf32> -> vector<10000x16xf32>
    %mul3A_27 = vector.broadcast %get3A_1 : vector<10000x1xf32> to vector<10000x16xf32>
    %mul3A_28 = arith.mulf %dot_general3A_26, %mul3A_27 : vector<10000x16xf32>
    %swap3A = arith.constant 0 : index
    %swap3A_29 = arith.constant 0 : index
    %swap3A_30 = vector.load %arg5[%swap3A, %swap3A_29] : memref<10000x16xf32, #tpu.memory_space<vmem>>, vector<10000x16xf32>
    tpu.vector_store %arg5[%swap3A, %swap3A_29], %mul3A_28 {strides = array<i32>} : memref<10000x16xf32, #tpu.memory_space<vmem>>, vector<10000x16xf32>,
    return
  }
}

module attributes {stable_mosaic.version = 14 : i64} {
  func.func @_tc_final_body(%arg0: memref<2x10112x16xf32, #tpu.memory_space<vmem>>, %arg1: memref<10000x16xf32, #tpu.memory_space<vmem>>, %arg2: memref<10000x1xf32, #tpu.memory_space<vmem>>, %arg3: memref<16xf32, #tpu.memory_space<vmem>>, %arg4: memref<1x10000xi32, #tpu.memory_space<vmem>>, %arg5: memref<16x8xf32, #tpu.memory_space<vmem>>, %arg6: memref<8xf32, #tpu.memory_space<vmem>>, %arg7: memref<8x1xf32, #tpu.memory_space<vmem>>, %arg8: memref<1xf32, #tpu.memory_space<vmem>>, %arg9: memref<128x1xf32, #tpu.memory_space<vmem>>) attributes {dimension_semantics = [], scalar_prefetch = 0 : i64, scratch_operands = 0 : i64, tpu.core_type = #tpu.core_type<tc>} {
    %get3A = arith.constant 0 : index
    %get3A_0 = arith.constant 0 : index
    %get3A_1 = vector.load %arg2[%get3A, %get3A_0] : memref<10000x1xf32, #tpu.memory_space<vmem>>, vector<10000x1xf32>
    %get3A_2 = arith.constant 0 : index
    %get3A_3 = arith.constant 0 : index
    %get3A_4 = arith.constant 0 : index
    %get3A_5 = vector.load %arg0[%get3A_2, %get3A_3, %get3A_4] : memref<2x10112x16xf32, #tpu.memory_space<vmem>>, vector<1x10000x16xf32>
    %get3A_6 = vector.shape_cast %get3A_5 : vector<1x10000x16xf32> to vector<10000x16xf32>
    %get3A_7 = arith.constant 1 : index
    %get3A_8 = arith.constant 0 : index
    %get3A_9 = arith.constant 0 : index
    %get3A_10 = vector.load %arg0[%get3A_7, %get3A_8, %get3A_9] : memref<2x10112x16xf32, #tpu.memory_space<vmem>>, vector<1x10000x16xf32>
    %get3A_11 = vector.shape_cast %get3A_10 : vector<1x10000x16xf32> to vector<10000x16xf32>
    %add3A = arith.addf %get3A_6, %get3A_11 : vector<10000x16xf32>
    %get3A_12 = arith.constant 0 : index
    %get3A_13 = arith.constant 0 : index
    %get3A_14 = vector.load %arg1[%get3A_12, %get3A_13] : memref<10000x16xf32, #tpu.memory_space<vmem>>, vector<10000x16xf32>
    %add3A_15 = arith.addf %add3A, %get3A_14 : vector<10000x16xf32>
    %mul3A = vector.broadcast %get3A_1 : vector<10000x1xf32> to vector<10000x16xf32>
    %mul3A_16 = arith.mulf %mul3A, %add3A_15 : vector<10000x16xf32>
    %get3A_17 = arith.constant 0 : index
    %get3A_18 = vector.load %arg3[%get3A_17] : memref<16xf32, #tpu.memory_space<vmem>>, vector<16xf32>
    %broadcast_in_dim3A = vector.shape_cast %get3A_18 : vector<16xf32> to vector<1x16xf32>
    %add3A_19 = vector.broadcast %broadcast_in_dim3A : vector<1x16xf32> to vector<10000x16xf32>
    %add3A_20 = arith.addf %mul3A_16, %add3A_19 : vector<10000x16xf32>
    %iota3A = tpu.iota {dimensions = array<i32: 0>} : vector<128x10000xi32>
    %get3A_21 = arith.constant 0 : index
    %get3A_22 = arith.constant 0 : index
    %get3A_23 = vector.load %arg4[%get3A_21, %get3A_22] : memref<1x10000xi32, #tpu.memory_space<vmem>>, vector<1x10000xi32>
    %eq3A = vector.broadcast %get3A_23 : vector<1x10000xi32> to vector<128x10000xi32>
    %eq3A_24 = arith.cmpi eq, %eq3A, %iota3A : vector<128x10000xi32>
    %convert_element_type3A = arith.extui %eq3A_24 : vector<128x10000xi1> to vector<128x10000xi32>
    %convert_element_type3A_25 = arith.sitofp %convert_element_type3A : vector<128x10000xi32> to vector<128x10000xf32>
    %dot_general3A = arith.constant dense<0.000000e+00> : vector<128x16xf32>
    %dot_general3A_26 = tpu.matmul %convert_element_type3A_25, %add3A_20, %dot_general3A {dimension_numbers = #tpu.dot_dimension_numbers<[1], [0], [0], [1], [0, 0, 1, 1], [], []>, transpose_lhs_hint = false} : vector<128x10000xf32>, vector<10000x16xf32>, vector<128x16xf32> -> vector<128x16xf32>
    %reduce_sum3A = arith.constant dense<0.000000e+00> : vector<128xf32>
    %reduce_sum3A_27 = vector.multi_reduction <add>, %convert_element_type3A_25, %reduce_sum3A [1] : vector<128x10000xf32> to vector<128xf32>
    %broadcast_in_dim3A_28 = vector.shape_cast %reduce_sum3A_27 : vector<128xf32> to vector<128x1xf32>
    %max3A = arith.constant 1.000000e+00 : f32
    %max3A_29 = vector.broadcast %max3A : f32 to vector<128x1xf32>
    %max3A_30 = arith.maximumf %broadcast_in_dim3A_28, %max3A_29 : vector<128x1xf32>
    %div3A = vector.broadcast %max3A_30 : vector<128x1xf32> to vector<128x16xf32>
    %div3A_31 = arith.divf %dot_general3A_26, %div3A : vector<128x16xf32>
    %get3A_32 = arith.constant 0 : index
    %get3A_33 = arith.constant 0 : index
    %get3A_34 = vector.load %arg5[%get3A_32, %get3A_33] : memref<16x8xf32, #tpu.memory_space<vmem>>, vector<16x8xf32>
    %dot_general3A_35 = arith.constant dense<0.000000e+00> : vector<128x8xf32>
    %dot_general3A_36 = tpu.matmul %div3A_31, %get3A_34, %dot_general3A_35 {dimension_numbers = #tpu.dot_dimension_numbers<[1], [0], [0], [1], [0, 0, 1, 1], [], []>, transpose_lhs_hint = false} : vector<128x16xf32>, vector<16x8xf32>, vector<128x8xf32> -> vector<128x8xf32>
    %get3A_37 = arith.constant 0 : index
    %get3A_38 = vector.load %arg6[%get3A_37] : memref<8xf32, #tpu.memory_space<vmem>>, vector<8xf32>
    %broadcast_in_dim3A_39 = vector.shape_cast %get3A_38 : vector<8xf32> to vector<1x8xf32>
    %add3A_40 = vector.broadcast %broadcast_in_dim3A_39 : vector<1x8xf32> to vector<128x8xf32>
    %add3A_41 = arith.addf %dot_general3A_36, %add3A_40 : vector<128x8xf32>
    %max3A_42 = arith.constant 0.000000e+00 : f32
    %max3A_43 = vector.broadcast %max3A_42 : f32 to vector<128x8xf32>
    %max3A_44 = arith.maximumf %add3A_41, %max3A_43 : vector<128x8xf32>
    %get3A_45 = arith.constant 0 : index
    %get3A_46 = arith.constant 0 : index
    %get3A_47 = vector.load %arg7[%get3A_45, %get3A_46] : memref<8x1xf32, #tpu.memory_space<vmem>>, vector<8x1xf32>
    %dot_general3A_48 = arith.constant dense<0.000000e+00> : vector<128x1xf32>
    %dot_general3A_49 = tpu.matmul %max3A_44, %get3A_47, %dot_general3A_48 {dimension_numbers = #tpu.dot_dimension_numbers<[1], [0], [0], [1], [0, 0, 1, 1], [], []>, transpose_lhs_hint = false} : vector<128x8xf32>, vector<8x1xf32>, vector<128x1xf32> -> vector<128x1xf32>
    %get3A_50 = arith.constant 0 : index
    %get3A_51 = vector.load %arg8[%get3A_50] : memref<1xf32, #tpu.memory_space<vmem>>, vector<1xf32>
    %broadcast_in_dim3A_52 = vector.shape_cast %get3A_51 : vector<1xf32> to vector<1x1xf32>
    %add3A_53 = vector.broadcast %broadcast_in_dim3A_52 : vector<1x1xf32> to vector<128x1xf32>
    %add3A_54 = arith.addf %dot_general3A_49, %add3A_53 : vector<128x1xf32>
    %logistic3A = arith.negf %add3A_54 : vector<128x1xf32>
    %logistic3A_55 = math.exp %logistic3A : vector<128x1xf32>
    %logistic3A_56 = arith.constant 1.000000e+00 : f32
    %logistic3A_57 = vector.broadcast %logistic3A_56 : f32 to vector<128x1xf32>
    %logistic3A_58 = arith.addf %logistic3A_57, %logistic3A_55 : vector<128x1xf32>
    %logistic3A_59 = arith.divf %logistic3A_57, %logistic3A_58 : vector<128x1xf32>
    %swap3A = arith.constant 0 : index
    %swap3A_60 = arith.constant 0 : index
    %swap3A_61 = vector.load %arg9[%swap3A, %swap3A_60] : memref<128x1xf32, #tpu.memory_space<vmem>>, vector<128x1xf32>
    tpu.vector_store %arg9[%swap3A, %swap3A_60], %logistic3A_59 {strides = array<i32>} : memref<128x1xf32, #tpu.memory_space<vmem>>, vector<128x1xf32>,
    return
  }
}

</mosaic_0001>

<sc_bundles>
// kernel: kernel.10.cloned.1.call-start
scs
__scs_entry_jumppad:
0x0: {  	(pc) =	sbr.rel $0x88, $3  }
0x1: {  	(tag) =	ssettag $0x0;
	lr =	simm.s32 $0x1  }
0x2: {  	[smem:$0x3F94] =	sst lr;
	_ =	strace $0xD0000000  }
0x3: {  	_ = 	snop  }
0x4: {  	_ = 	snop  }
0x5: {  	_ = 	snop  }
0x6: {  	_ = 	snop  }
0x7: {  	_ = 	snop  }
__scs_overlays_trampoline_lowered:
0x8: {  	[smem:$0x3FA3] =	sst s0  }
0x9: {  	[smem:$0x3FA4] =	sst s1  }
0xa: {  	[smem:$0x3FA5] =	sst s2  }
0xb: {  	[smem:$0x3FA6] =	sst s3  }
0xc: {  	[smem:$0x3FA7] =	sst s4  }
0xd: {  	[smem:$0x3FA8] =	sst s5  }
0xe: {  	[smem:$0x3FA9] =	sst s6  }
0xf: {  	[smem:$0x3FAA] =	sst s7  }
0x10: {  	[smem:$0x3FAB] =	sst s8  }
0x11: {  	[smem:$0x3FAC] =	sst s9;
	s0 =	simm.s32 @!p0 $0x0  }
0x12: {  	s1 =	sld [smem:$0x3F92];
	s0 =	simm.s32 @p0 $0x1  }
0x13: {  	[smem:$0x3FAD] =	sst s0;
	s0 =	simm.s32 @!p1 $0x0  }
0x14: {  	s2 =	sld [smem:$0x3F91];
	s0 =	simm.s32 @p1 $0x1  }
0x15: {  	[smem:$0x3FAE] =	sst s0;
	s0 =	simm.s32 @!p2 $0x0  }
0x16: {  	s3 =	sld [smem:$0x3FDB];
	s0 =	simm.s32 @p2 $0x1  }
0x17: {  	s4 =	simm.s32 $0x1BF5;
	[smem:$0x3FB0] =	sst s0  }
0x18: {  	s0 =	sld [smem:$0x3F93];
	_ =	swait.ge [sflag:s4], $0x0  }
0x19: {  	s7 =	sld [smem:$0x3F94]  }
0x1a: {  	s8 =	sadd.s32 $0xFFFFE003, lr  }
0x1b: {  	s9 =	sadd.s32 $0xFFFFFEF7, lr;
	s5 =	simm.s32 $0xFFFFFFFF;
	p2 =	slt.u32 s8, $0xFFFFF086  }
0x1c: {  	p1 =	slt.u32 s9, $0xF7A;
	s5 =	simm.s32 @!p2 $0x0  }
0x1d: {  	s5 =	simm.s32 @p1 $0x1;
	p0 =	seq.s32 s7, s2  }
0x1e: {  	s7 =	smul.u32 @!p0 $0xF7A, s2;
	p2 =	seq.s32 @!p0 s5, $0x0  }
0x1f: {  	s9 =	smul.u32 $0xF7A, s1;
	s8 =	simm.s32 @!p0 $0x1BF5;
	p2 =	por !p2, p0  }
0x20: {  	[sflag:s8] =	ssyncset.s32 @!p0 $0xFFFFF086;
	s6 =	sadd.s32 @!p0 s3, s7;
	s7 =	simm.s32 @!p0 $0x108  }
0x21: {  	s3 =	sadd.s32 s3, s9;
	s6 =	sadd.s32 @!p0 $0x88, s6;
	s7 =	simm.s32 @p2 $0x1082  }
0x22: {  	[simem:s7], [sflag:s8] =	dma.local @!p0 [hbm:s6], $0xF7A  }
0x23: {  	s9 =	sor.u32 $0xD0000000, s2;
	s6 =	simm.s32 $0x108;
	_ =	swait.ge @!p0 [sflag:s8], $0x0  }
0x24: {  	s3 =	sadd.s32 $0x88, s3;
	s6 =	simm.s32 @!p1 $0x1082;
	[sflag:s4] =	ssyncset.s32 $0xFFFFF086  }
0x25: {  	[simem:s6], [sflag:s4] =	dma.local [hbm:s3], $0xF7A  }
0x26: {  	[smem:$0x3F94] =	sst s1;
	(tag) =	ssettag s2;
	_ =	strace s9  }
0x27: {  	s1 =	sld [smem:$0x3FA4]  }
0x28: {  	s2 =	sld [smem:$0x3FA5]  }
0x29: {  	s4 =	sld [smem:$0x3FA7]  }
0x2a: {  	p0 =	seq.s32 s5, $0x0;
	s5 =	sld [smem:$0x3FA8]  }
0x2b: {  	s6 =	sld [smem:$0x3FA9]  }
0x2c: {  	s7 =	sld [smem:$0x3FAA]  }
0x2d: {  	s3 =	simm.s32 $0x108;
	s8 =	sld [smem:$0x3FAB]  }
0x2e: {  	s3 =	simm.s32 @!p0 $0x1082;
	s9 =	sld [smem:$0x3FAC]  }
0x2f: {  	lr =	sadd.s32 s0, s3;
	s0 =	sld [smem:$0x3FA3]  }
0x30: {  	s3 =	sld [smem:$0x3FA6]  }
0x31: {  	[smem:$0x3FAF] =	sst s10  }
0x32: {  	s10 =	sld [smem:$0x3FAD];
	_ =	sdelay $0x3  }
0x33: {  	p0 =	seq.s32 s10, $0x1;
	s10 =	sld [smem:$0x3FAF];
	_ =	sdelay $0x3  }
0x34: {  	[smem:$0x3FAF] =	sst s10  }
0x35: {  	s10 =	sld [smem:$0x3FAE];
	_ =	sdelay $0x3  }
0x36: {  	p1 =	seq.s32 s10, $0x1;
	s10 =	sld [smem:$0x3FAF];
	_ =	sdelay $0x3  }
0x37: {  	[smem:$0x3FAF] =	sst s10  }
0x38: {  	s10 =	sld [smem:$0x3FB0]  }
0x39: {  	_ = 	snop;
	(pc) =	sbr.ind lr, $3  }
0x3a: {  	_ = 	snop  }
0x3b: {  	_ = 	snop  }
0x3c: {  	p2 =	seq.s32 s10, $0x1;
	s10 =	sld [smem:$0x3FAF]  }
0x3d: {  	_ =	shalt  }
0x3e: {  	_ =	shalt  }
0x3f: {  	_ =	shalt  }
0x40: {  	_ =	shalt  }
0x41: {  	_ =	shalt  }
0x42: {  	_ =	shalt  }
0x43: {  	_ =	shalt  }
0x44: {  	_ =	shalt  }
0x45: {  	_ =	shalt  }
0x46: {  	_ =	shalt  }
0x47: {  	_ =	shalt  }
0x48: {  	_ =	shalt  }
0x49: {  	_ =	shalt  }
0x4a: {  	_ =	shalt  }
0x4b: {  	_ =	shalt  }
0x4c: {  	_ =	shalt  }
0x4d: {  	_ =	shalt  }
0x4e: {  	_ =	shalt  }
0x4f: {  	_ =	shalt  }
0x50: {  	_ =	shalt  }
0x51: {  	_ =	shalt  }
0x52: {  	_ =	shalt  }
0x53: {  	_ =	shalt  }
0x54: {  	_ =	shalt  }
0x55: {  	_ =	shalt  }
0x56: {  	_ =	shalt  }
0x57: {  	_ =	shalt  }
0x58: {  	_ =	shalt  }
0x59: {  	_ =	shalt  }
0x5a: {  	_ =	shalt  }
0x5b: {  	_ =	shalt  }
0x5c: {  	_ =	shalt  }
0x5d: {  	_ =	shalt  }
0x5e: {  	_ =	shalt  }
0x5f: {  	_ =	shalt  }
0x60: {  	_ =	shalt  }
0x61: {  	_ =	shalt  }
0x62: {  	_ =	shalt  }
0x63: {  	_ =	shalt  }
0x64: {  	_ =	shalt  }
0x65: {  	_ =	shalt  }
0x66: {  	_ =	shalt  }
0x67: {  	_ =	shalt  }
0x68: {  	_ =	shalt  }
0x69: {  	_ =	shalt  }
0x6a: {  	_ =	shalt  }
0x6b: {  	_ =	shalt  }
0x6c: {  	_ =	shalt  }
0x6d: {  	_ =	shalt  }
0x6e: {  	_ =	shalt  }
0x6f: {  	_ =	shalt  }
0x70: {  	_ =	shalt  }
0x71: {  	_ =	shalt  }
0x72: {  	_ =	shalt  }
0x73: {  	_ =	shalt  }
0x74: {  	_ =	shalt  }
0x75: {  	_ =	shalt  }
0x76: {  	_ =	shalt  }
0x77: {  	_ =	shalt  }
0x78: {  	_ =	shalt  }
0x79: {  	_ =	shalt  }
0x7a: {  	_ =	shalt  }
0x7b: {  	_ =	shalt  }
0x7c: {  	_ =	shalt  }
0x7d: {  	_ =	shalt  }
0x7e: {  	_ =	shalt  }
0x7f: {  	_ =	shalt  }
0x80: {  	_ =	shalt  }
0x81: {  	_ =	shalt  }
0x82: {  	_ =	shalt  }
0x83: {  	_ =	shalt  }
0x84: {  	_ =	shalt  }
0x85: {  	_ =	shalt  }
0x86: {  	_ =	shalt  }
0x87: {  	_ =	shalt  }
.Lfunc_end0:
.L_simem_size_0:
called_computation_lowered:
.L_overlay_start_0:
0x88: {  	s2 =	sld [smem:$0x3FD9]  }
0x89: {  	s3 =	sld [smem:$0x3FFE];
	_ =	sdelay $0x1  }
0x8a: {  	s1 =	srdreg.scid  }
0x8b: {  	s0 =	sand.u32 $0x1, s1  }
0x8c: {  	s16 =	sshll.u32 s0, $0xA;
	s2 =	sadd.s32 s3, s2  }
0x8d: {  	s2 =	sadd.s32 s2, s16  }
0x8e: {  	[smem:$0x3FBB] =	sst s2  }
0x8f: {  	_ = 	snop  }
0x90: {  	(tm) =	ssettm $0x1  }
0x91: {  	s17 =	sld [smem:$0x3FFB];
	_ =	sdelay $0x3  }
0x92: {  	_ =	strace s17  }
0x93: {  	s2 =	sld [smem:$0x3FFC];
	_ =	sdelay $0x3  }
0x94: {  	_ =	strace s2  }
0x95: {  	s2 =	sld [smem:$0x3FFD];
	_ =	sdelay $0x3  }
0x96: {  	_ =	strace s2  }
0x97: {  	_ =	strace $0x8FFFFFFF  }
0x98: {  	s18 =	sld [smem:$0x3FDB];
	_ =	sdelay $0x1  }
0x99: {  	s19 =	simm.s32 $_scs_section_size  }
0x9a: {  	s4 =	simm.s32 $_size__tile_overlayer_lowered;
	s5 =	simm.s32 $_tile_overlayer_lowered  }
0x9b: {  	s22 =	simm.s32 $0x1BFF;
	s21 =	sshll.u32 s5, $0x1;
	s2 =	sadd.s32 s19, s18  }
0x9c: {  	s6 =	simm.s32 $0x0;
	s20 =	sshll.u32 s4, $0x1;
	s4 =	sadd.s32 s21, s2  }
0x9d: {  	[timem:s6], [sflag:s22] =	dma.local [hbm:s4], s20  }
0x9e: {  	_ =	swait.ge [sflag:s22], s20  }
0x9f: {  	s3 =	ssub.s32 $0x0, s20;
	[sflag:s22] =	ssyncset.done $0x0  }
0xa0: {  	[sflag:s22] =	ssyncadd.s32 s3;
	_ =	sdelay $0x1  }
0xa1: {  	s23 =	simm.s32 $0x1B8B  }
0xa2: {  	_ =	swait.ge [sflag:s23], $0x1  }
0xa3: {  	[sflag:s23] =	ssyncset.done $0x0  }
0xa4: {  	s25 =	simm.s32 $0x1B8E;
	s24 =	sld [smem:$0x3FFE];
	[sflag:s23] =	ssyncadd.s32 $0xFFFFFFFF  }
0xa5: {  	s26 =	simm.s32 $execute0_lowered;
	[smem:$0x3FD2] =	sst s25  }
0xa6: {  	s4 =	sshll.u32 s26, $0x1;
	_ =	strace $0x80000046;
	[dreg:$0x1] =	wrdreg $0xFFFFFFFF  }
0xa7: {  	s28 =	simm.s32 $_size_execute0_lowered;
	s2 =	sadd.s32 s2, s4;
	[dreg:$0x0] =	wrdreg $0x0  }
0xa8: {  	s4 =	sshll.u32 s28, $0x1;
	[dreg:$0x2] =	wrdreg s2  }
0xa9: {  	[dreg:$0x3] =	wrdreg s4  }
0xaa: {  	[dreg:$0x4] =	wrdreg $0xC0  }
0xab: {  	_ =	task [dreg:s6], $0x5FFFF  }
0xac: {  	[dreg:$0x1] =	wrdreg $0xFFFFFFFF  }
0xad: {  	[dreg:$0x0] =	wrdreg $0x60  }
0xae: {  	[dreg:$0x2] =	wrdreg s24  }
0xaf: {  	[dreg:$0x3] =	wrdreg $0x9  }
0xb0: {  	_ =	task.clear_ibuf [dreg:s6], $0x4FFFF;
	_ =	strace $0x90000046  }
0xb1: {  	s29 =	simm.s32 $0x9;
	_ =	strace $0x80000048  }
0xb2: {  	_ =	swait.ge [sflag:s29], $0x1  }
0xb3: {  	[sflag:s29] =	ssyncadd.s32 $0xFFFFFFFF  }
0xb4: {  	_ =	strace $0x90000048  }
0xb5: {  	_ =	sfence  }
0xb6: {  	s30 =	sld [smem:$0x0];
	_ =	sdelay $0x2  }
0xb7: {  	s31 =	sshll.u32 s1, $0xD;
	s1 =	sshrl.u32 s1, $0x2  }
0xb8: {  	s3 =	sand.u32 $0x4000, s31;
	s1 =	sadd.s32 s1, s30  }
0xb9: {  	s0 =	sor.u32 s3, s0;
	s1 =	sshll.u32 s1, $0x11  }
0xba: {  	s0 =	sor.u32 s1, s0  }
0xbb: {  	s0 =	sadd.s32 $0x8F2B, s0  }
0xbc: {  	[sflag:s0] =	ssyncadd.remote.s32 $0x1  }
0xbd: {  	_ =	sfence.sel $0xFFFF  }
0xbe: {  	[dreg:$0x0] =	wrdreg $0xFFFFFFFF;
	(pc) =	sbr.abs _section_cstart, $3  }
0xbf: {  	[dreg:$0x1] =	wrdreg $0xFFFFFFFF  }
0xc0: {  	_ =	task.clear_ibuf [dreg:s6], $0x2FFFF;
	_ =	strace $0x9FFFFFFF  }
0xc1: {  	(tm) =	ssettm $0x7FFFFFFF  }
tec
execute0_lowered:
.L_overlay_start_1:
0x0: {  	(tag) =	ssettag $0x1  }
0x1: {  	s1 =	srdreg.scid  }
0x2: {  	s0 =	stileid.u32;
	s4 =	rddreg [dreg:$0x0]  }
0x3: {  	s2 =	simm.s32 $0x0;
	s3 =	sand.u32 $0x1, s1;
	s31 =	sshll.u32 s0, $0x1  }
0x4: {  	s9 =	simm.s32 $0x0;
	s1 =	rddreg [dreg:$0x1];
	s5 =	sor.u32 s3, s31  }
0x5: {  	[smem:$0x7FF] =	sst s2;
	s7 =	ssub.s32 $0x2, s3;
	s6 =	smul.u32 $0x500, s5  }
0x6: {  	_ =	strace $0x80000047;
	s5 =	smul.u32 $0x4F0, s5;
	s8 =	sshrl.u32 s7, $0x1  }
0x7: {  	s3 =	sadd.s32 $0xC600, s4;
	s7 =	ssub.s32 s7, s8;
	s6 =	sadd.s32 s6, s4  }
0x8: {  	s8 =	simm.s32 $0x2800;
	s5 =	sadd.s32 s5, s4;
	s4 =	sadd.s32 $0x2600, s6  }
0x9: {  	v0 =	vimm.f32 $1.000000000e+00;
	s5 =	sadd.s32 $0xCC00, s5;
	s6 =	smax.u32 s7, $0x1;
	s7 =	simm.s32 $0x1  }
.LBB2_1:
0xa: {  	[tilespmem:s2], [sflag:$0x1] =	stream.linear.gather [hbm4b:s4+s2], $0x2800, $0x38;
	[tilespmem:$0x4F80] =	vst v63  }
0xb: {  	_ =	swait.ge [sflag:s7], $0x2800  }
0xc: {  	[sflag:s7] =	ssyncset.done $0x0  }
0xd: {  	[sflag:s7] =	ssyncadd.s32 $0xFFFFD800  }
0xe: {  	[tilespmem:s8], [sflag:$0x1] =	stream.linear.gather [hbm4b:s3+s2], $0x2780, $0x38;
	[tilespmem:$0x4F80] =	vst v63  }
0xf: {  	_ =	swait.ge [sflag:s7], $0x2780  }
0x10: {  	[sflag:s7] =	ssyncset.done $0x0  }
0x11: {  	s11 =	simm.s32 $0x0;
	s10 =	simm.s32 $0x40;
	[sflag:s7] =	ssyncadd.s32 $0xFFFFD880  }
.LBB2_2:
0x12: {  	p0 =	sne.s32 s10, $0x9FC0;
	v1 =	vld [tilespmem:s11+$0x0];
	_ =	sdelay $0x3  }
.Ltmp0:
0x13: {  	(pc) =	sbr.rel @p0 .LBB2_2-.Ltmp0, $2  }
0x14: {  	_ =	sdelay $0x2  }
0x15: {  	s11 =	sshra.s32 s10, $0x2;
	s10 =	sadd.s32 $0x40, s10;
	[tilespmem:v1+s8+$0x0] =	vst.idx.add.f32.msk $0xffff, v0  }
0x16: {  	v1 =	vld [tilespmem:s11+$0x0];
	_ =	sdelay $0x5  }
0x17: {  	s9 =	sadd.s32 $0x1, s9  }
0x18: {  	p0 =	sne.s32 s9, s6  }
.Ltmp1:
0x19: {  	[tilespmem:v1+s8+$0x0] =	vst.idx.add.f32.msk $0xffff, v0;
	(pc) =	sbr.rel @p0 .LBB2_1-.Ltmp1, $4  }
0x1a: {  	[hbm4b:s5+s2] =	stream.linear.scatter [tilespmem:s8], [sflag:$0x1], $0x2780, $0x38;
	[tilespmem:$0x4F80] =	vst v63  }
0x1b: {  	_ =	swait.ge [sflag:s7], $0x2780  }
0x1c: {  	[sflag:s7] =	ssyncset.done $0x0  }
0x1d: {  	[sflag:s7] =	ssyncadd.s32 $0xFFFFD880  }
0x1e: {  	_ =	sfence.sel $0x180000  }
0x1f: {  	[bflag:$0x0] =	sbarrier.arrive $0xFFFF  }
0x20: {  	p0 =	sne.s32 s0, $0x0;
	_ =	strace $0x90000047  }
0x21: {  	s0 =	sadd.s32 @!p0 $0x100000, s1;
	[bflag:$0x2] =	sbarrier.arrive $0xFFFF  }
0x22: {  	[sflag:s0] =	ssyncadd.tile.s32 @!p0 $0x1;
	_ =	shalt  }
.Lfunc_end2:
_tile_overlayer_lowered:
.L_overlay_start_2:
0x23: {  	(tag) =	ssettag $0x2  }
0x24: {  	s0 =	rddreg [dreg:$0x0];
	s2 =	stileid.u32  }
0x25: {  	s1 =	rddreg [dreg:$0x1];
	p0 =	sne.s32 s2, $0x0  }
0x26: {  	s3 =	rddreg [dreg:$0x2];
	[bflag:$0x3] =	sbarrier.arrive $0xFFFF;
	s2 =	simm.s32 @!p0 $0x1C01  }
0x27: {  	[timem:s3], [sflag:s2] =	dma.local @!p0 [hbm:s0], s1  }
0x28: {  	s0 =	simm.s32 @!p0 $0x1  }
0x29: {  	_ =	swait.ge @!p0 [sflag:s0], s1  }
0x2a: {  	s1 =	ssub.s32 @!p0 $0x0, s1;
	[sflag:s0] =	ssyncset.done @!p0 $0x0  }
0x2b: {  	[sflag:s0] =	ssyncadd.s32 @!p0 s1  }
0x2c: {  	[bflag:$0x3] =	sbarrier.arrive $0xFFFF  }
0x2d: {  	_ =	shalt  }

// kernel: kernel.13.cloned.1.call-start
scs
__scs_entry_jumppad:
0x0: {  	(pc) =	sbr.rel $0x88, $3  }
0x1: {  	(tag) =	ssettag $0x0;
	lr =	simm.s32 $0x1  }
0x2: {  	[smem:$0x3F94] =	sst lr;
	_ =	strace $0xD0000000  }
0x3: {  	_ = 	snop  }
0x4: {  	_ = 	snop  }
0x5: {  	_ = 	snop  }
0x6: {  	_ = 	snop  }
0x7: {  	_ = 	snop  }
__scs_overlays_trampoline_lowered:
0x8: {  	[smem:$0x3FA3] =	sst s0  }
0x9: {  	[smem:$0x3FA4] =	sst s1  }
0xa: {  	[smem:$0x3FA5] =	sst s2  }
0xb: {  	[smem:$0x3FA6] =	sst s3  }
0xc: {  	[smem:$0x3FA7] =	sst s4  }
0xd: {  	[smem:$0x3FA8] =	sst s5  }
0xe: {  	[smem:$0x3FA9] =	sst s6  }
0xf: {  	[smem:$0x3FAA] =	sst s7  }
0x10: {  	[smem:$0x3FAB] =	sst s8  }
0x11: {  	[smem:$0x3FAC] =	sst s9;
	s0 =	simm.s32 @!p0 $0x0  }
0x12: {  	s1 =	sld [smem:$0x3F92];
	s0 =	simm.s32 @p0 $0x1  }
0x13: {  	[smem:$0x3FAD] =	sst s0;
	s0 =	simm.s32 @!p1 $0x0  }
0x14: {  	s2 =	sld [smem:$0x3F91];
	s0 =	simm.s32 @p1 $0x1  }
0x15: {  	[smem:$0x3FAE] =	sst s0;
	s0 =	simm.s32 @!p2 $0x0  }
0x16: {  	s3 =	sld [smem:$0x3FDB];
	s0 =	simm.s32 @p2 $0x1  }
0x17: {  	s4 =	simm.s32 $0x1BF5;
	[smem:$0x3FB0] =	sst s0  }
0x18: {  	s0 =	sld [smem:$0x3F93];
	_ =	swait.ge [sflag:s4], $0x0  }
0x19: {  	s7 =	sld [smem:$0x3F94]  }
0x1a: {  	s8 =	sadd.s32 $0xFFFFE003, lr  }
0x1b: {  	s9 =	sadd.s32 $0xFFFFFEF7, lr;
	s5 =	simm.s32 $0xFFFFFFFF;
	p2 =	slt.u32 s8, $0xFFFFF086  }
0x1c: {  	p1 =	slt.u32 s9, $0xF7A;
	s5 =	simm.s32 @!p2 $0x0  }
0x1d: {  	s5 =	simm.s32 @p1 $0x1;
	p0 =	seq.s32 s7, s2  }
0x1e: {  	s7 =	smul.u32 @!p0 $0xF7A, s2;
	p2 =	seq.s32 @!p0 s5, $0x0  }
0x1f: {  	s9 =	smul.u32 $0xF7A, s1;
	s8 =	simm.s32 @!p0 $0x1BF5;
	p2 =	por !p2, p0  }
0x20: {  	[sflag:s8] =	ssyncset.s32 @!p0 $0xFFFFF086;
	s6 =	sadd.s32 @!p0 s3, s7;
	s7 =	simm.s32 @!p0 $0x108  }
0x21: {  	s3 =	sadd.s32 s3, s9;
	s6 =	sadd.s32 @!p0 $0x88, s6;
	s7 =	simm.s32 @p2 $0x1082  }
0x22: {  	[simem:s7], [sflag:s8] =	dma.local @!p0 [hbm:s6], $0xF7A  }
0x23: {  	s9 =	sor.u32 $0xD0000000, s2;
	s6 =	simm.s32 $0x108;
	_ =	swait.ge @!p0 [sflag:s8], $0x0  }
0x24: {  	s3 =	sadd.s32 $0x88, s3;
	s6 =	simm.s32 @!p1 $0x1082;
	[sflag:s4] =	ssyncset.s32 $0xFFFFF086  }
0x25: {  	[simem:s6], [sflag:s4] =	dma.local [hbm:s3], $0xF7A  }
0x26: {  	[smem:$0x3F94] =	sst s1;
	(tag) =	ssettag s2;
	_ =	strace s9  }
0x27: {  	s1 =	sld [smem:$0x3FA4]  }
0x28: {  	s2 =	sld [smem:$0x3FA5]  }
0x29: {  	s4 =	sld [smem:$0x3FA7]  }
0x2a: {  	p0 =	seq.s32 s5, $0x0;
	s5 =	sld [smem:$0x3FA8]  }
0x2b: {  	s6 =	sld [smem:$0x3FA9]  }
0x2c: {  	s7 =	sld [smem:$0x3FAA]  }
0x2d: {  	s3 =	simm.s32 $0x108;
	s8 =	sld [smem:$0x3FAB]  }
0x2e: {  	s3 =	simm.s32 @!p0 $0x1082;
	s9 =	sld [smem:$0x3FAC]  }
0x2f: {  	lr =	sadd.s32 s0, s3;
	s0 =	sld [smem:$0x3FA3]  }
0x30: {  	s3 =	sld [smem:$0x3FA6]  }
0x31: {  	[smem:$0x3FAF] =	sst s10  }
0x32: {  	s10 =	sld [smem:$0x3FAD];
	_ =	sdelay $0x3  }
0x33: {  	p0 =	seq.s32 s10, $0x1;
	s10 =	sld [smem:$0x3FAF];
	_ =	sdelay $0x3  }
0x34: {  	[smem:$0x3FAF] =	sst s10  }
0x35: {  	s10 =	sld [smem:$0x3FAE];
	_ =	sdelay $0x3  }
0x36: {  	p1 =	seq.s32 s10, $0x1;
	s10 =	sld [smem:$0x3FAF];
	_ =	sdelay $0x3  }
0x37: {  	[smem:$0x3FAF] =	sst s10  }
0x38: {  	s10 =	sld [smem:$0x3FB0]  }
0x39: {  	_ = 	snop;
	(pc) =	sbr.ind lr, $3  }
0x3a: {  	_ = 	snop  }
0x3b: {  	_ = 	snop  }
0x3c: {  	p2 =	seq.s32 s10, $0x1;
	s10 =	sld [smem:$0x3FAF]  }
0x3d: {  	_ =	shalt  }
0x3e: {  	_ =	shalt  }
0x3f: {  	_ =	shalt  }
0x40: {  	_ =	shalt  }
0x41: {  	_ =	shalt  }
0x42: {  	_ =	shalt  }
0x43: {  	_ =	shalt  }
0x44: {  	_ =	shalt  }
0x45: {  	_ =	shalt  }
0x46: {  	_ =	shalt  }
0x47: {  	_ =	shalt  }
0x48: {  	_ =	shalt  }
0x49: {  	_ =	shalt  }
0x4a: {  	_ =	shalt  }
0x4b: {  	_ =	shalt  }
0x4c: {  	_ =	shalt  }
0x4d: {  	_ =	shalt  }
0x4e: {  	_ =	shalt  }
0x4f: {  	_ =	shalt  }
0x50: {  	_ =	shalt  }
0x51: {  	_ =	shalt  }
0x52: {  	_ =	shalt  }
0x53: {  	_ =	shalt  }
0x54: {  	_ =	shalt  }
0x55: {  	_ =	shalt  }
0x56: {  	_ =	shalt  }
0x57: {  	_ =	shalt  }
0x58: {  	_ =	shalt  }
0x59: {  	_ =	shalt  }
0x5a: {  	_ =	shalt  }
0x5b: {  	_ =	shalt  }
0x5c: {  	_ =	shalt  }
0x5d: {  	_ =	shalt  }
0x5e: {  	_ =	shalt  }
0x5f: {  	_ =	shalt  }
0x60: {  	_ =	shalt  }
0x61: {  	_ =	shalt  }
0x62: {  	_ =	shalt  }
0x63: {  	_ =	shalt  }
0x64: {  	_ =	shalt  }
0x65: {  	_ =	shalt  }
0x66: {  	_ =	shalt  }
0x67: {  	_ =	shalt  }
0x68: {  	_ =	shalt  }
0x69: {  	_ =	shalt  }
0x6a: {  	_ =	shalt  }
0x6b: {  	_ =	shalt  }
0x6c: {  	_ =	shalt  }
0x6d: {  	_ =	shalt  }
0x6e: {  	_ =	shalt  }
0x6f: {  	_ =	shalt  }
0x70: {  	_ =	shalt  }
0x71: {  	_ =	shalt  }
0x72: {  	_ =	shalt  }
0x73: {  	_ =	shalt  }
0x74: {  	_ =	shalt  }
0x75: {  	_ =	shalt  }
0x76: {  	_ =	shalt  }
0x77: {  	_ =	shalt  }
0x78: {  	_ =	shalt  }
0x79: {  	_ =	shalt  }
0x7a: {  	_ =	shalt  }
0x7b: {  	_ =	shalt  }
0x7c: {  	_ =	shalt  }
0x7d: {  	_ =	shalt  }
0x7e: {  	_ =	shalt  }
0x7f: {  	_ =	shalt  }
0x80: {  	_ =	shalt  }
0x81: {  	_ =	shalt  }
0x82: {  	_ =	shalt  }
0x83: {  	_ =	shalt  }
0x84: {  	_ =	shalt  }
0x85: {  	_ =	shalt  }
0x86: {  	_ =	shalt  }
0x87: {  	_ =	shalt  }
.Lfunc_end0:
.L_simem_size_0:
called_computation.1_lowered:
.L_overlay_start_0:
0x88: {  	s2 =	sld [smem:$0x3FD9]  }
0x89: {  	s3 =	sld [smem:$0x3FFE];
	_ =	sdelay $0x1  }
0x8a: {  	s1 =	srdreg.scid  }
0x8b: {  	s0 =	sand.u32 $0x1, s1  }
0x8c: {  	s16 =	sshll.u32 s0, $0xA;
	s2 =	sadd.s32 s3, s2  }
0x8d: {  	s2 =	sadd.s32 s2, s16  }
0x8e: {  	[smem:$0x3FBB] =	sst s2  }
0x8f: {  	_ = 	snop  }
0x90: {  	(tm) =	ssettm $0x1  }
0x91: {  	s17 =	sld [smem:$0x3FFB];
	_ =	sdelay $0x3  }
0x92: {  	_ =	strace s17  }
0x93: {  	s2 =	sld [smem:$0x3FFC];
	_ =	sdelay $0x3  }
0x94: {  	_ =	strace s2  }
0x95: {  	s2 =	sld [smem:$0x3FFD];
	_ =	sdelay $0x3  }
0x96: {  	_ =	strace s2  }
0x97: {  	_ =	strace $0x8FFFFFFF  }
0x98: {  	s18 =	sld [smem:$0x3FDB];
	_ =	sdelay $0x1  }
0x99: {  	s19 =	simm.s32 $_scs_section_size  }
0x9a: {  	s4 =	simm.s32 $_size__tile_overlayer_lowered;
	s5 =	simm.s32 $_tile_overlayer_lowered  }
0x9b: {  	s22 =	simm.s32 $0x1BFF;
	s21 =	sshll.u32 s5, $0x1;
	s2 =	sadd.s32 s19, s18  }
0x9c: {  	s6 =	simm.s32 $0x0;
	s20 =	sshll.u32 s4, $0x1;
	s4 =	sadd.s32 s21, s2  }
0x9d: {  	[timem:s6], [sflag:s22] =	dma.local [hbm:s4], s20  }
0x9e: {  	_ =	swait.ge [sflag:s22], s20  }
0x9f: {  	s3 =	ssub.s32 $0x0, s20;
	[sflag:s22] =	ssyncset.done $0x0  }
0xa0: {  	[sflag:s22] =	ssyncadd.s32 s3;
	_ =	sdelay $0x1  }
0xa1: {  	s23 =	simm.s32 $0x1B8B  }
0xa2: {  	_ =	swait.ge [sflag:s23], $0x1  }
0xa3: {  	[sflag:s23] =	ssyncset.done $0x0  }
0xa4: {  	s25 =	simm.s32 $0x1B8E;
	s24 =	sld [smem:$0x3FFE];
	[sflag:s23] =	ssyncadd.s32 $0xFFFFFFFF  }
0xa5: {  	s26 =	simm.s32 $execute0_lowered;
	[smem:$0x3FD2] =	sst s25  }
0xa6: {  	s4 =	sshll.u32 s26, $0x1;
	_ =	strace $0x80000049;
	[dreg:$0x1] =	wrdreg $0xFFFFFFFF  }
0xa7: {  	s28 =	simm.s32 $_size_execute0_lowered;
	s2 =	sadd.s32 s2, s4;
	[dreg:$0x0] =	wrdreg $0x0  }
0xa8: {  	s4 =	sshll.u32 s28, $0x1;
	[dreg:$0x2] =	wrdreg s2  }
0xa9: {  	[dreg:$0x3] =	wrdreg s4  }
0xaa: {  	[dreg:$0x4] =	wrdreg $0xC0  }
0xab: {  	_ =	task [dreg:s6], $0x5FFFF  }
0xac: {  	[dreg:$0x1] =	wrdreg $0xFFFFFFFF  }
0xad: {  	[dreg:$0x0] =	wrdreg $0x60  }
0xae: {  	[dreg:$0x2] =	wrdreg s24  }
0xaf: {  	[dreg:$0x3] =	wrdreg $0xD0000  }
0xb0: {  	[dreg:$0x4] =	wrdreg $0x9  }
0xb1: {  	_ =	task.clear_ibuf [dreg:s6], $0x5FFFF;
	_ =	strace $0x90000049  }
0xb2: {  	s29 =	simm.s32 $0x9;
	_ =	strace $0x8000004B  }
0xb3: {  	_ =	swait.ge [sflag:s29], $0x1  }
0xb4: {  	[sflag:s29] =	ssyncadd.s32 $0xFFFFFFFF  }
0xb5: {  	_ =	strace $0x9000004B  }
0xb6: {  	_ =	sfence  }
0xb7: {  	s30 =	sld [smem:$0x0];
	_ =	sdelay $0x2  }
0xb8: {  	s31 =	sshll.u32 s1, $0xD;
	s1 =	sshrl.u32 s1, $0x2  }
0xb9: {  	s3 =	sand.u32 $0x4000, s31;
	s1 =	sadd.s32 s1, s30  }
0xba: {  	s0 =	sor.u32 s3, s0;
	s1 =	sshll.u32 s1, $0x11  }
0xbb: {  	s0 =	sor.u32 s1, s0  }
0xbc: {  	s0 =	sadd.s32 $0x8F2B, s0  }
0xbd: {  	[sflag:s0] =	ssyncadd.remote.s32 $0x1  }
0xbe: {  	_ =	sfence.sel $0xFFFF  }
0xbf: {  	[dreg:$0x0] =	wrdreg $0xFFFFFFFF;
	(pc) =	sbr.abs _section_cstart, $3  }
0xc0: {  	[dreg:$0x1] =	wrdreg $0xFFFFFFFF  }
0xc1: {  	_ =	task.clear_ibuf [dreg:s6], $0x2FFFF;
	_ =	strace $0x9FFFFFFF  }
0xc2: {  	(tm) =	ssettm $0x7FFFFFFF  }
0xc3: {  	_ =	shalt  }
tec
execute0_lowered:
.L_overlay_start_1:
0x0: {  	(tag) =	ssettag $0x1  }
0x1: {  	s0 =	srdreg.scid;
	s5 =	rddreg [dreg:$0x0]  }
0x2: {  	s11 =	stileid.u32;
	s2 =	rddreg [dreg:$0x1];
	s3 =	simm.s32 $0x0  }
0x3: {  	s12 =	simm.s32 $0x9;
	s14 =	simm.s32 $0x80;
	s15 =	simm.s32 $0x5000  }
0x4: {  	s16 =	simm.s32 $0x7000;
	s18 =	simm.s32 $0x9000;
	s20 =	simm.s32 $0xB000  }
0x5: {  	s21 =	simm.s32 $0x1;
	s22 =	simm.s32 $0x2;
	s23 =	simm.s32 $0x3  }
0x6: {  	s24 =	simm.s32 $0x4;
	s25 =	simm.s32 $0x5;
	s28 =	simm.s32 $0x7  }
0x7: {  	s29 =	simm.s32 $0x8;
	s31 =	simm.s32 $0x4E80;
	s13 =	simm.s32 $0x0  }
0x8: {  	s0 =	sand.u32 $0x1, s0;
	s1 =	sshll.u32 s11, $0x1;
	s6 =	smul.u32 $0x9E00, s11  }
0x9: {  	[smem:$0x7FF] =	sst s3;
	s4 =	sadd.s32 $0x20A00, s5;
	s26 =	sshll.u32 s11, $0x6  }
0xa: {  	s1 =	sor.u32 s0, s1;
	s7 =	smul.u32 $0x9E000, s0;
	_ =	strace $0x8000004A  }
0xb: {  	s0 =	ssub.s32 $0x2, s0;
	s1 =	smul.u32 $0x500, s1;
	s8 =	sshrl.u32 s6, $0x3  }
0xc: {  	s9 =	sshrl.u32 s0, $0x1;
	s30 =	sadd.s32 s6, s2;
	s7 =	sadd.s32 s6, s7  }
0xd: {  	s8 =	sadd.s32 s8, s5;
	s0 =	ssub.s32 s0, s9;
	s6 =	sor.u32 $0x1C09, s26  }
0xe: {  	s11 =	sshrl.u32 s30, $0x3;
	s26 =	simm.s32 $0x6;
	s7 =	sshrl.u32 s7, $0x3  }
0xf: {  	s1 =	sadd.s32 s1, s5;
	s10 =	sadd.s32 s7, s5;
	s5 =	sadd.s32 $0x34400, s8  }
0x10: {  	s7 =	sadd.s32 $0x16A00, s1;
	s8 =	sadd.s32 $0x2600, s1;
	s1 =	simm.s32 $0x4F00  }
0x11: {  	s9 =	sadd.s32 $0x48000, s10;
	s10 =	smax.u32 s0, $0x1;
	s0 =	simm.s32 $0x4F80  }
.LBB2_1:
0x12: {  	[spmem:s11], [sflag:s6] =	dma.local [hbm:s5], $0x13C0  }
0x13: {  	_ =	swait.ge [sflag:s12], $0x13C0  }
0x14: {  	[sflag:s12] =	ssyncset.done $0x0  }
0x15: {  	[sflag:s12] =	ssyncadd.s32 $0xFFFFEC40  }
0x16: {  	[tilespmem:s3], [sflag:$0x9] =	stream.linear.gather [hbm4b:s7+s3], $0x2800, $0x38;
	[tilespmem:$0x16E00] =	vst v63  }
0x17: {  	_ =	swait.ge [sflag:s12], $0x2800  }
0x18: {  	[sflag:s12] =	ssyncset.done $0x0  }
0x19: {  	s17 =	simm.s32 $0x2800;
	[sflag:s12] =	ssyncadd.s32 $0xFFFFD800  }
0x1a: {  	[tilespmem:s17], [sflag:$0x9] =	stream.linear.gather [hbm4b:s8+s3], $0x2800, $0x38;
	[tilespmem:$0x16E00] =	vst v63  }
0x1b: {  	_ =	swait.ge [sflag:s12], $0x2800  }
0x1c: {  	[sflag:s12] =	ssyncset.done $0x0  }
0x1d: {  	[sflag:s12] =	ssyncadd.s32 $0xFFFFD800  }
0x1e: {  	[bflag:$0x0] =	sbarrier.arrive $0xFFFF  }
0x1f: {  	[tilespmem:s15], [sflag:$0x1] =	stream.indirect.gather [hbm4b:s4+s14], $0x40, s3, s14, $0xb8;
	[tilespmem:$0x16E00] =	vst v63  }
0x20: {  	_ = 	snop  }
0x21: {  	[tilespmem:s16], [sflag:$0x2] =	stream.indirect.gather [hbm4b:s4+s14], $0x40, s14, s14, $0xb8;
	[tilespmem:$0x16E00] =	vst v63  }
0x22: {  	s30 =	simm.s32 $0x100  }
0x23: {  	[tilespmem:s18], [sflag:$0x3] =	stream.indirect.gather [hbm4b:s4+s14], $0x40, s30, s14, $0xb8;
	[tilespmem:$0x16E00] =	vst v63  }
0x24: {  	s19 =	simm.s32 $0x180  }
0x25: {  	[tilespmem:s20], [sflag:$0x4] =	stream.indirect.gather [hbm4b:s4+s14], $0x40, s19, s14, $0xb8;
	[tilespmem:$0x16E00] =	vst v63  }
0x26: {  	_ =	swait.ge [sflag:s21], $0x2000  }
0x27: {  	[sflag:s21] =	ssyncset.done $0x0  }
0x28: {  	s30 =	simm.s32 $0x2800;
	[sflag:s21] =	ssyncadd.s32 $0xFFFFE000  }
0x29: {  	[spmem:s2] =	stream.indirect.scatter.add.f32 [tilespmem:s15], [sflag:$0x5], $0x40, s30, s14, $0xb8;
	[tilespmem:$0x16E00] =	vst v63  }
0x2a: {  	_ =	swait.ge [sflag:s22], $0x2000  }
0x2b: {  	[sflag:s22] =	ssyncset.done $0x0  }
0x2c: {  	s19 =	simm.s32 $0x2880;
	[sflag:s22] =	ssyncadd.s32 $0xFFFFE000  }
0x2d: {  	[spmem:s2] =	stream.indirect.scatter.add.f32 [tilespmem:s16], [sflag:$0x6], $0x40, s19, s14, $0xb8;
	[tilespmem:$0x16E00] =	vst v63  }
0x2e: {  	_ =	swait.ge [sflag:s23], $0x2000  }
0x2f: {  	[sflag:s23] =	ssyncset.done $0x0  }
0x30: {  	s30 =	simm.s32 $0x2900;
	[sflag:s23] =	ssyncadd.s32 $0xFFFFE000  }
0x31: {  	[spmem:s2] =	stream.indirect.scatter.add.f32 [tilespmem:s18], [sflag:$0x7], $0x40, s30, s14, $0xb8;
	[tilespmem:$0x16E00] =	vst v63  }
0x32: {  	_ =	swait.ge [sflag:s24], $0x2000  }
0x33: {  	[sflag:s24] =	ssyncset.done $0x0  }
0x34: {  	s19 =	simm.s32 $0x2980;
	[sflag:s24] =	ssyncadd.s32 $0xFFFFE000  }
0x35: {  	[spmem:s2] =	stream.indirect.scatter.add.f32 [tilespmem:s20], [sflag:$0x8], $0x40, s19, s14, $0xb8;
	[tilespmem:$0x16E00] =	vst v63  }
0x36: {  	_ =	swait.ge [sflag:s25], $0x2000  }
0x37: {  	[sflag:s25] =	ssyncset.done $0x0  }
0x38: {  	s30 =	simm.s32 $0x200;
	[sflag:s25] =	ssyncadd.s32 $0xFFFFE000  }
0x39: {  	[tilespmem:s15], [sflag:$0x1] =	stream.indirect.gather [hbm4b:s4+s14], $0x40, s30, s14, $0xb8;
	[tilespmem:$0x16E00] =	vst v63  }
0x3a: {  	_ =	swait.ge [sflag:s26], $0x2000  }
0x3b: {  	[sflag:s26] =	ssyncset.done $0x0  }
0x3c: {  	s19 =	simm.s32 $0x280;
	[sflag:s26] =	ssyncadd.s32 $0xFFFFE000  }
0x3d: {  	[tilespmem:s16], [sflag:$0x2] =	stream.indirect.gather [hbm4b:s4+s14], $0x40, s19, s14, $0xb8;
	[tilespmem:$0x16E00] =	vst v63  }
0x3e: {  	_ =	swait.ge [sflag:s28], $0x2000  }
0x3f: {  	[sflag:s28] =	ssyncset.done $0x0  }
0x40: {  	s30 =	simm.s32 $0x300;
	[sflag:s28] =	ssyncadd.s32 $0xFFFFE000  }
0x41: {  	[tilespmem:s18], [sflag:$0x3] =	stream.indirect.gather [hbm4b:s4+s14], $0x40, s30, s14, $0xb8;
	[tilespmem:$0x16E00] =	vst v63  }
0x42: {  	_ =	swait.ge [sflag:s29], $0x2000  }
0x43: {  	[sflag:s29] =	ssyncset.done $0x0  }
0x44: {  	s17 =	simm.s32 $0x800;
	s19 =	simm.s32 $0x380;
	[sflag:s29] =	ssyncadd.s32 $0xFFFFE000  }
.LBB2_2:
0x45: {  	[tilespmem:s20], [sflag:$0x4] =	stream.indirect.gather [hbm4b:s4+s14], $0x40, s19, s14, $0xb8;
	[tilespmem:$0x16E00] =	vst v63  }
0x46: {  	s19 =	smov.u32 s17  }
0x47: {  	p0 =	sne.s32 s17, $0x9000;
	s17 =	sadd.s32 $0x800, s17;
	_ =	swait.ge [sflag:s21], $0x2000  }
0x48: {  	s19 =	sshra.s32 s19, $0x2;
	[sflag:s21] =	ssyncset.done $0x0  }
0x49: {  	s30 =	sadd.s32 $0x2800, s19;
	[sflag:s21] =	ssyncadd.s32 $0xFFFFE000  }
0x4a: {  	[spmem:s2] =	stream.indirect.scatter.add.f32 [tilespmem:s15], [sflag:$0x5], $0x40, s30, s14, $0xb8;
	[tilespmem:$0x16E00] =	vst v63  }
0x4b: {  	_ =	swait.ge [sflag:s22], $0x2000  }
0x4c: {  	[sflag:s22] =	ssyncset.done $0x0  }
0x4d: {  	s30 =	sadd.s32 $0x2880, s19;
	[sflag:s22] =	ssyncadd.s32 $0xFFFFE000  }
0x4e: {  	[spmem:s2] =	stream.indirect.scatter.add.f32 [tilespmem:s16], [sflag:$0x6], $0x40, s30, s14, $0xb8;
	[tilespmem:$0x16E00] =	vst v63  }
0x4f: {  	_ =	swait.ge [sflag:s23], $0x2000  }
0x50: {  	[sflag:s23] =	ssyncset.done $0x0  }
0x51: {  	s30 =	sadd.s32 $0x2900, s19;
	[sflag:s23] =	ssyncadd.s32 $0xFFFFE000  }
0x52: {  	[spmem:s2] =	stream.indirect.scatter.add.f32 [tilespmem:s18], [sflag:$0x7], $0x40, s30, s14, $0xb8;
	[tilespmem:$0x16E00] =	vst v63  }
0x53: {  	_ =	swait.ge [sflag:s24], $0x2000  }
0x54: {  	[sflag:s24] =	ssyncset.done $0x0  }
0x55: {  	s30 =	sadd.s32 $0x2980, s19;
	[sflag:s24] =	ssyncadd.s32 $0xFFFFE000  }
0x56: {  	[spmem:s2] =	stream.indirect.scatter.add.f32 [tilespmem:s20], [sflag:$0x8], $0x40, s30, s14, $0xb8;
	[tilespmem:$0x16E00] =	vst v63  }
0x57: {  	_ =	swait.ge [sflag:s25], $0x2000  }
0x58: {  	[sflag:s25] =	ssyncset.done $0x0  }
0x59: {  	s30 =	sadd.s32 $0x200, s19;
	[sflag:s25] =	ssyncadd.s32 $0xFFFFE000  }
0x5a: {  	[tilespmem:s15], [sflag:$0x1] =	stream.indirect.gather [hbm4b:s4+s14], $0x40, s30, s14, $0xb8;
	[tilespmem:$0x16E00] =	vst v63  }
0x5b: {  	_ =	swait.ge [sflag:s26], $0x2000  }
0x5c: {  	[sflag:s26] =	ssyncset.done $0x0  }
0x5d: {  	s30 =	sadd.s32 $0x280, s19;
	[sflag:s26] =	ssyncadd.s32 $0xFFFFE000  }
0x5e: {  	[tilespmem:s16], [sflag:$0x2] =	stream.indirect.gather [hbm4b:s4+s14], $0x40, s30, s14, $0xb8;
	[tilespmem:$0x16E00] =	vst v63  }
0x5f: {  	_ =	swait.ge [sflag:s28], $0x2000  }
0x60: {  	[sflag:s28] =	ssyncset.done $0x0  }
.Ltmp0:
0x61: {  	s30 =	sadd.s32 $0x300, s19;
	[sflag:s28] =	ssyncadd.s32 $0xFFFFE000;
	(pc) =	sbr.rel @p0 .LBB2_2-.Ltmp0, $4  }
0x62: {  	[tilespmem:s18], [sflag:$0x3] =	stream.indirect.gather [hbm4b:s4+s14], $0x40, s30, s14, $0xb8;
	[tilespmem:$0x16E00] =	vst v63  }
0x63: {  	_ =	swait.ge [sflag:s29], $0x2000  }
0x64: {  	[sflag:s29] =	ssyncset.done $0x0  }
0x65: {  	s19 =	sadd.s32 $0x380, s19;
	[sflag:s29] =	ssyncadd.s32 $0xFFFFE000  }
0x66: {  	[tilespmem:s20], [sflag:$0x4] =	stream.indirect.gather [hbm4b:s4+s14], $0x40, s19, s14, $0xb8;
	[tilespmem:$0x16E00] =	vst v63  }
0x67: {  	_ =	swait.ge [sflag:s21], $0x2000  }
0x68: {  	[sflag:s21] =	ssyncset.done $0x0  }
0x69: {  	s17 =	simm.s32 $0x4E00;
	[sflag:s21] =	ssyncadd.s32 $0xFFFFE000  }
0x6a: {  	[spmem:s2] =	stream.indirect.scatter.add.f32 [tilespmem:s15], [sflag:$0x5], $0x40, s17, s14, $0xb8;
	[tilespmem:$0x16E00] =	vst v63  }
0x6b: {  	_ =	swait.ge [sflag:s22], $0x2000  }
0x6c: {  	[sflag:s22] =	ssyncset.done $0x0  }
0x6d: {  	[sflag:s22] =	ssyncadd.s32 $0xFFFFE000  }
0x6e: {  	[spmem:s2] =	stream.indirect.scatter.add.f32 [tilespmem:s16], [sflag:$0x6], $0x40, s31, s14, $0xb8;
	[tilespmem:$0x16E00] =	vst v63  }
0x6f: {  	_ =	swait.ge [sflag:s23], $0x2000  }
0x70: {  	[sflag:s23] =	ssyncset.done $0x0  }
0x71: {  	[sflag:s23] =	ssyncadd.s32 $0xFFFFE000  }
0x72: {  	[spmem:s2] =	stream.indirect.scatter.add.f32 [tilespmem:s18], [sflag:$0x7], $0x40, s1, s14, $0xb8;
	[tilespmem:$0x16E00] =	vst v63  }
0x73: {  	_ =	swait.ge [sflag:s24], $0x2000  }
0x74: {  	[sflag:s24] =	ssyncset.done $0x0  }
0x75: {  	[sflag:s24] =	ssyncadd.s32 $0xFFFFE000  }
0x76: {  	[spmem:s2] =	stream.indirect.scatter.add.f32 [tilespmem:s20], [sflag:$0x8], $0x40, s0, s14, $0xb8;
	[tilespmem:$0x16E00] =	vst v63  }
0x77: {  	_ =	swait.ge [sflag:s25], $0x2000  }
0x78: {  	[sflag:s25] =	ssyncset.done $0x0  }
0x79: {  	[sflag:s25] =	ssyncadd.s32 $0xFFFFE000  }
0x7a: {  	_ =	swait.ge [sflag:s26], $0x2000  }
0x7b: {  	[sflag:s26] =	ssyncset.done $0x0  }
0x7c: {  	[sflag:s26] =	ssyncadd.s32 $0xFFFFE000  }
0x7d: {  	_ =	swait.ge [sflag:s28], $0x2000  }
0x7e: {  	[sflag:s28] =	ssyncset.done $0x0  }
0x7f: {  	[sflag:s28] =	ssyncadd.s32 $0xFFFFE000  }
0x80: {  	_ =	swait.ge [sflag:s29], $0x2000  }
0x81: {  	s13 =	sadd.s32 $0x1, s13;
	[sflag:s29] =	ssyncset.done $0x0  }
0x82: {  	p0 =	sne.s32 s13, s10;
	[sflag:s29] =	ssyncadd.s32 $0xFFFFE000  }
.Ltmp1:
0x83: {  	[bflag:$0x0] =	sbarrier.arrive $0xFFFF;
	(pc) =	sbr.rel @p0 .LBB2_1-.Ltmp1, $4  }
0x84: {  	[hbm:s9], [sflag:s6] =	dma.local [spmem:s11], $0x13C0  }
0x85: {  	_ =	swait.ge [sflag:s12], $0x13C0  }
0x86: {  	[sflag:s12] =	ssyncset.done $0x0  }
0x87: {  	[sflag:s12] =	ssyncadd.s32 $0xFFFFEC40  }
0x88: {  	_ =	sfence.sel $0x180000  }
0x89: {  	[bflag:$0x0] =	sbarrier.arrive $0xFFFF  }
0x8a: {  	_ =	strace $0x9000004A  }
0x8b: {  	s0 =	stileid.u32;
	[bflag:$0x2] =	sbarrier.arrive $0xFFFF  }
0x8c: {  	p0 =	sne.s32 s0, $0x0;
	s0 =	rddreg [dreg:$0x2]  }
0x8d: {  	s0 =	sadd.s32 @!p0 $0x100000, s0  }
0x8e: {  	[sflag:s0] =	ssyncadd.tile.s32 @!p0 $0x1;
	_ =	shalt  }
.Lfunc_end2:
_tile_overlayer_lowered:
.L_overlay_start_2:
0x8f: {  	(tag) =	ssettag $0x2  }
0x90: {  	s0 =	rddreg [dreg:$0x0];
	s2 =	stileid.u32  }
0x91: {  	s1 =	rddreg [dreg:$0x1];
	p0 =	sne.s32 s2, $0x0  }
0x92: {  	s3 =	rddreg [dreg:$0x2];
	[bflag:$0x3] =	sbarrier.arrive $0xFFFF;
	s2 =	simm.s32 @!p0 $0x1C09  }
0x93: {  	[timem:s3], [sflag:s2] =	dma.local @!p0 [hbm:s0], s1  }
0x94: {  	s0 =	simm.s32 @!p0 $0x9  }
0x95: {  	_ =	swait.ge @!p0 [sflag:s0], s1  }
0x96: {  	s1 =	ssub.s32 @!p0 $0x0, s1;
	[sflag:s0] =	ssyncset.done @!p0 $0x0  }
0x97: {  	[sflag:s0] =	ssyncadd.s32 @!p0 s1  }
0x98: {  	[bflag:$0x3] =	sbarrier.arrive $0xFFFF  }
0x99: {  	_ =	shalt  }

// kernel: kernel.16.cloned.1.call-start
scs
__scs_entry_jumppad:
0x0: {  	(pc) =	sbr.rel $0x88, $3  }
0x1: {  	(tag) =	ssettag $0x0;
	lr =	simm.s32 $0x1  }
0x2: {  	[smem:$0x3F94] =	sst lr;
	_ =	strace $0xD0000000  }
0x3: {  	_ = 	snop  }
0x4: {  	_ = 	snop  }
0x5: {  	_ = 	snop  }
0x6: {  	_ = 	snop  }
0x7: {  	_ = 	snop  }
__scs_overlays_trampoline_lowered:
0x8: {  	[smem:$0x3FA3] =	sst s0  }
0x9: {  	[smem:$0x3FA4] =	sst s1  }
0xa: {  	[smem:$0x3FA5] =	sst s2  }
0xb: {  	[smem:$0x3FA6] =	sst s3  }
0xc: {  	[smem:$0x3FA7] =	sst s4  }
0xd: {  	[smem:$0x3FA8] =	sst s5  }
0xe: {  	[smem:$0x3FA9] =	sst s6  }
0xf: {  	[smem:$0x3FAA] =	sst s7  }
0x10: {  	[smem:$0x3FAB] =	sst s8  }
0x11: {  	[smem:$0x3FAC] =	sst s9;
	s0 =	simm.s32 @!p0 $0x0  }
0x12: {  	s1 =	sld [smem:$0x3F92];
	s0 =	simm.s32 @p0 $0x1  }
0x13: {  	[smem:$0x3FAD] =	sst s0;
	s0 =	simm.s32 @!p1 $0x0  }
0x14: {  	s2 =	sld [smem:$0x3F91];
	s0 =	simm.s32 @p1 $0x1  }
0x15: {  	[smem:$0x3FAE] =	sst s0;
	s0 =	simm.s32 @!p2 $0x0  }
0x16: {  	s3 =	sld [smem:$0x3FDB];
	s0 =	simm.s32 @p2 $0x1  }
0x17: {  	s4 =	simm.s32 $0x1BF5;
	[smem:$0x3FB0] =	sst s0  }
0x18: {  	s0 =	sld [smem:$0x3F93];
	_ =	swait.ge [sflag:s4], $0x0  }
0x19: {  	s7 =	sld [smem:$0x3F94]  }
0x1a: {  	s8 =	sadd.s32 $0xFFFFE003, lr  }
0x1b: {  	s9 =	sadd.s32 $0xFFFFFEF7, lr;
	s5 =	simm.s32 $0xFFFFFFFF;
	p2 =	slt.u32 s8, $0xFFFFF086  }
0x1c: {  	p1 =	slt.u32 s9, $0xF7A;
	s5 =	simm.s32 @!p2 $0x0  }
0x1d: {  	s5 =	simm.s32 @p1 $0x1;
	p0 =	seq.s32 s7, s2  }
0x1e: {  	s7 =	smul.u32 @!p0 $0xF7A, s2;
	p2 =	seq.s32 @!p0 s5, $0x0  }
0x1f: {  	s9 =	smul.u32 $0xF7A, s1;
	s8 =	simm.s32 @!p0 $0x1BF5;
	p2 =	por !p2, p0  }
0x20: {  	[sflag:s8] =	ssyncset.s32 @!p0 $0xFFFFF086;
	s6 =	sadd.s32 @!p0 s3, s7;
	s7 =	simm.s32 @!p0 $0x108  }
0x21: {  	s3 =	sadd.s32 s3, s9;
	s6 =	sadd.s32 @!p0 $0x88, s6;
	s7 =	simm.s32 @p2 $0x1082  }
0x22: {  	[simem:s7], [sflag:s8] =	dma.local @!p0 [hbm:s6], $0xF7A  }
0x23: {  	s9 =	sor.u32 $0xD0000000, s2;
	s6 =	simm.s32 $0x108;
	_ =	swait.ge @!p0 [sflag:s8], $0x0  }
0x24: {  	s3 =	sadd.s32 $0x88, s3;
	s6 =	simm.s32 @!p1 $0x1082;
	[sflag:s4] =	ssyncset.s32 $0xFFFFF086  }
0x25: {  	[simem:s6], [sflag:s4] =	dma.local [hbm:s3], $0xF7A  }
0x26: {  	[smem:$0x3F94] =	sst s1;
	(tag) =	ssettag s2;
	_ =	strace s9  }
0x27: {  	s1 =	sld [smem:$0x3FA4]  }
0x28: {  	s2 =	sld [smem:$0x3FA5]  }
0x29: {  	s4 =	sld [smem:$0x3FA7]  }
0x2a: {  	p0 =	seq.s32 s5, $0x0;
	s5 =	sld [smem:$0x3FA8]  }
0x2b: {  	s6 =	sld [smem:$0x3FA9]  }
0x2c: {  	s7 =	sld [smem:$0x3FAA]  }
0x2d: {  	s3 =	simm.s32 $0x108;
	s8 =	sld [smem:$0x3FAB]  }
0x2e: {  	s3 =	simm.s32 @!p0 $0x1082;
	s9 =	sld [smem:$0x3FAC]  }
0x2f: {  	lr =	sadd.s32 s0, s3;
	s0 =	sld [smem:$0x3FA3]  }
0x30: {  	s3 =	sld [smem:$0x3FA6]  }
0x31: {  	[smem:$0x3FAF] =	sst s10  }
0x32: {  	s10 =	sld [smem:$0x3FAD];
	_ =	sdelay $0x3  }
0x33: {  	p0 =	seq.s32 s10, $0x1;
	s10 =	sld [smem:$0x3FAF];
	_ =	sdelay $0x3  }
0x34: {  	[smem:$0x3FAF] =	sst s10  }
0x35: {  	s10 =	sld [smem:$0x3FAE];
	_ =	sdelay $0x3  }
0x36: {  	p1 =	seq.s32 s10, $0x1;
	s10 =	sld [smem:$0x3FAF];
	_ =	sdelay $0x3  }
0x37: {  	[smem:$0x3FAF] =	sst s10  }
0x38: {  	s10 =	sld [smem:$0x3FB0]  }
0x39: {  	_ = 	snop;
	(pc) =	sbr.ind lr, $3  }
0x3a: {  	_ = 	snop  }
0x3b: {  	_ = 	snop  }
0x3c: {  	p2 =	seq.s32 s10, $0x1;
	s10 =	sld [smem:$0x3FAF]  }
0x3d: {  	_ =	shalt  }
0x3e: {  	_ =	shalt  }
0x3f: {  	_ =	shalt  }
0x40: {  	_ =	shalt  }
0x41: {  	_ =	shalt  }
0x42: {  	_ =	shalt  }
0x43: {  	_ =	shalt  }
0x44: {  	_ =	shalt  }
0x45: {  	_ =	shalt  }
0x46: {  	_ =	shalt  }
0x47: {  	_ =	shalt  }
0x48: {  	_ =	shalt  }
0x49: {  	_ =	shalt  }
0x4a: {  	_ =	shalt  }
0x4b: {  	_ =	shalt  }
0x4c: {  	_ =	shalt  }
0x4d: {  	_ =	shalt  }
0x4e: {  	_ =	shalt  }
0x4f: {  	_ =	shalt  }
0x50: {  	_ =	shalt  }
0x51: {  	_ =	shalt  }
0x52: {  	_ =	shalt  }
0x53: {  	_ =	shalt  }
0x54: {  	_ =	shalt  }
0x55: {  	_ =	shalt  }
0x56: {  	_ =	shalt  }
0x57: {  	_ =	shalt  }
0x58: {  	_ =	shalt  }
0x59: {  	_ =	shalt  }
0x5a: {  	_ =	shalt  }
0x5b: {  	_ =	shalt  }
0x5c: {  	_ =	shalt  }
0x5d: {  	_ =	shalt  }
0x5e: {  	_ =	shalt  }
0x5f: {  	_ =	shalt  }
0x60: {  	_ =	shalt  }
0x61: {  	_ =	shalt  }
0x62: {  	_ =	shalt  }
0x63: {  	_ =	shalt  }
0x64: {  	_ =	shalt  }
0x65: {  	_ =	shalt  }
0x66: {  	_ =	shalt  }
0x67: {  	_ =	shalt  }
0x68: {  	_ =	shalt  }
0x69: {  	_ =	shalt  }
0x6a: {  	_ =	shalt  }
0x6b: {  	_ =	shalt  }
0x6c: {  	_ =	shalt  }
0x6d: {  	_ =	shalt  }
0x6e: {  	_ =	shalt  }
0x6f: {  	_ =	shalt  }
0x70: {  	_ =	shalt  }
0x71: {  	_ =	shalt  }
0x72: {  	_ =	shalt  }
0x73: {  	_ =	shalt  }
0x74: {  	_ =	shalt  }
0x75: {  	_ =	shalt  }
0x76: {  	_ =	shalt  }
0x77: {  	_ =	shalt  }
0x78: {  	_ =	shalt  }
0x79: {  	_ =	shalt  }
0x7a: {  	_ =	shalt  }
0x7b: {  	_ =	shalt  }
0x7c: {  	_ =	shalt  }
0x7d: {  	_ =	shalt  }
0x7e: {  	_ =	shalt  }
0x7f: {  	_ =	shalt  }
0x80: {  	_ =	shalt  }
0x81: {  	_ =	shalt  }
0x82: {  	_ =	shalt  }
0x83: {  	_ =	shalt  }
0x84: {  	_ =	shalt  }
0x85: {  	_ =	shalt  }
0x86: {  	_ =	shalt  }
0x87: {  	_ =	shalt  }
.Lfunc_end0:
.L_simem_size_0:
called_computation.2_lowered:
.L_overlay_start_0:
0x88: {  	s2 =	sld [smem:$0x3FD9]  }
0x89: {  	s3 =	sld [smem:$0x3FFE];
	_ =	sdelay $0x1  }
0x8a: {  	s1 =	srdreg.scid  }
0x8b: {  	s0 =	sand.u32 $0x1, s1  }
0x8c: {  	s16 =	sshll.u32 s0, $0xA;
	s2 =	sadd.s32 s3, s2  }
0x8d: {  	s2 =	sadd.s32 s2, s16  }
0x8e: {  	[smem:$0x3FBB] =	sst s2  }
0x8f: {  	_ = 	snop  }
0x90: {  	(tm) =	ssettm $0x1  }
0x91: {  	s17 =	sld [smem:$0x3FFB];
	_ =	sdelay $0x3  }
0x92: {  	_ =	strace s17  }
0x93: {  	s2 =	sld [smem:$0x3FFC];
	_ =	sdelay $0x3  }
0x94: {  	_ =	strace s2  }
0x95: {  	s2 =	sld [smem:$0x3FFD];
	_ =	sdelay $0x3  }
0x96: {  	_ =	strace s2  }
0x97: {  	_ =	strace $0x8FFFFFFF  }
0x98: {  	s18 =	sld [smem:$0x3FDB];
	_ =	sdelay $0x1  }
0x99: {  	s19 =	simm.s32 $_scs_section_size  }
0x9a: {  	s4 =	simm.s32 $_size__tile_overlayer_lowered;
	s5 =	simm.s32 $_tile_overlayer_lowered  }
0x9b: {  	s22 =	simm.s32 $0x1BFF;
	s21 =	sshll.u32 s5, $0x1;
	s2 =	sadd.s32 s19, s18  }
0x9c: {  	s6 =	simm.s32 $0x0;
	s20 =	sshll.u32 s4, $0x1;
	s4 =	sadd.s32 s21, s2  }
0x9d: {  	[timem:s6], [sflag:s22] =	dma.local [hbm:s4], s20  }
0x9e: {  	_ =	swait.ge [sflag:s22], s20  }
0x9f: {  	s3 =	ssub.s32 $0x0, s20;
	[sflag:s22] =	ssyncset.done $0x0  }
0xa0: {  	[sflag:s22] =	ssyncadd.s32 s3;
	_ =	sdelay $0x1  }
0xa1: {  	s23 =	simm.s32 $0x1B8B  }
0xa2: {  	_ =	swait.ge [sflag:s23], $0x1  }
0xa3: {  	[sflag:s23] =	ssyncset.done $0x0  }
0xa4: {  	s25 =	simm.s32 $0x1B8E;
	s24 =	sld [smem:$0x3FFE];
	[sflag:s23] =	ssyncadd.s32 $0xFFFFFFFF  }
0xa5: {  	s26 =	simm.s32 $execute0_lowered;
	[smem:$0x3FD2] =	sst s25  }
0xa6: {  	s4 =	sshll.u32 s26, $0x1;
	_ =	strace $0x8000004C;
	[dreg:$0x1] =	wrdreg $0xFFFFFFFF  }
0xa7: {  	s28 =	simm.s32 $_size_execute0_lowered;
	s2 =	sadd.s32 s2, s4;
	[dreg:$0x0] =	wrdreg $0x0  }
0xa8: {  	s4 =	sshll.u32 s28, $0x1;
	[dreg:$0x2] =	wrdreg s2  }
0xa9: {  	[dreg:$0x3] =	wrdreg s4  }
0xaa: {  	[dreg:$0x4] =	wrdreg $0xC0  }
0xab: {  	_ =	task [dreg:s6], $0x5FFFF  }
0xac: {  	[dreg:$0x1] =	wrdreg $0xFFFFFFFF  }
0xad: {  	[dreg:$0x0] =	wrdreg $0x60  }
0xae: {  	[dreg:$0x2] =	wrdreg s24  }
0xaf: {  	[dreg:$0x3] =	wrdreg $0x90000  }
0xb0: {  	[dreg:$0x4] =	wrdreg $0x9  }
0xb1: {  	_ =	task.clear_ibuf [dreg:s6], $0x5FFFF;
	_ =	strace $0x9000004C  }
0xb2: {  	s29 =	simm.s32 $0x9;
	_ =	strace $0x8000004E  }
0xb3: {  	_ =	swait.ge [sflag:s29], $0x1  }
0xb4: {  	[sflag:s29] =	ssyncadd.s32 $0xFFFFFFFF  }
0xb5: {  	_ =	strace $0x9000004E  }
0xb6: {  	_ =	sfence  }
0xb7: {  	s30 =	sld [smem:$0x0];
	_ =	sdelay $0x2  }
0xb8: {  	s31 =	sshll.u32 s1, $0xD;
	s1 =	sshrl.u32 s1, $0x2  }
0xb9: {  	s3 =	sand.u32 $0x4000, s31;
	s1 =	sadd.s32 s1, s30  }
0xba: {  	s0 =	sor.u32 s3, s0;
	s1 =	sshll.u32 s1, $0x11  }
0xbb: {  	s0 =	sor.u32 s1, s0  }
0xbc: {  	s0 =	sadd.s32 $0x8F2B, s0  }
0xbd: {  	[sflag:s0] =	ssyncadd.remote.s32 $0x1  }
0xbe: {  	_ =	sfence.sel $0xFFFF  }
0xbf: {  	[dreg:$0x0] =	wrdreg $0xFFFFFFFF;
	(pc) =	sbr.abs _section_cstart, $3  }
0xc0: {  	[dreg:$0x1] =	wrdreg $0xFFFFFFFF  }
0xc1: {  	_ =	task.clear_ibuf [dreg:s6], $0x2FFFF;
	_ =	strace $0x9FFFFFFF  }
0xc2: {  	(tm) =	ssettm $0x7FFFFFFF  }
0xc3: {  	_ =	shalt  }
tec
execute0_lowered:
.L_overlay_start_1:
0x0: {  	(tag) =	ssettag $0x1  }
0x1: {  	s0 =	srdreg.scid;
	s5 =	rddreg [dreg:$0x0]  }
0x2: {  	s11 =	stileid.u32;
	s2 =	rddreg [dreg:$0x1];
	s3 =	simm.s32 $0x0  }
0x3: {  	s12 =	simm.s32 $0x9;
	s14 =	simm.s32 $0x80;
	s15 =	simm.s32 $0x5000  }
0x4: {  	s16 =	simm.s32 $0x6000;
	s18 =	simm.s32 $0x7000;
	s20 =	simm.s32 $0x8000  }
0x5: {  	s21 =	simm.s32 $0x1;
	s22 =	simm.s32 $0x2;
	s23 =	simm.s32 $0x3  }
0x6: {  	s24 =	simm.s32 $0x4;
	s25 =	simm.s32 $0x5;
	s28 =	simm.s32 $0x7  }
0x7: {  	s29 =	simm.s32 $0x8;
	s31 =	simm.s32 $0x4E80;
	s13 =	simm.s32 $0x0  }
0x8: {  	s0 =	sand.u32 $0x1, s0;
	s1 =	sshll.u32 s11, $0x1;
	s6 =	smul.u32 $0x4F00, s11  }
0x9: {  	[smem:$0x7FF] =	sst s3;
	s4 =	sadd.s32 $0xC600, s5;
	s26 =	sshll.u32 s11, $0x6  }
0xa: {  	s1 =	sor.u32 s0, s1;
	s7 =	smul.u32 $0x4F000, s0;
	_ =	strace $0x8000004D  }
0xb: {  	s0 =	ssub.s32 $0x2, s0;
	s1 =	smul.u32 $0x500, s1;
	s8 =	sshrl.u32 s6, $0x3  }
0xc: {  	s9 =	sshrl.u32 s0, $0x1;
	s30 =	sadd.s32 s6, s2;
	s7 =	sadd.s32 s6, s7  }
0xd: {  	s8 =	sadd.s32 s8, s5;
	s0 =	ssub.s32 s0, s9;
	s6 =	sor.u32 $0x1C09, s26  }
0xe: {  	s11 =	sshrl.u32 s30, $0x3;
	s26 =	simm.s32 $0x6;
	s7 =	sshrl.u32 s7, $0x3  }
0xf: {  	s1 =	sadd.s32 s1, s5;
	s10 =	sadd.s32 s7, s5;
	s5 =	sadd.s32 $0x20A00, s8  }
0x10: {  	s7 =	sadd.s32 $0x16A00, s1;
	s8 =	sadd.s32 $0x2600, s1;
	s1 =	simm.s32 $0x4F00  }
0x11: {  	s9 =	sadd.s32 $0x2A800, s10;
	s10 =	smax.u32 s0, $0x1;
	s0 =	simm.s32 $0x4F80  }
.LBB2_1:
0x12: {  	[spmem:s11], [sflag:s6] =	dma.local [hbm:s5], $0x9E0  }
0x13: {  	_ =	swait.ge [sflag:s12], $0x9E0  }
0x14: {  	[sflag:s12] =	ssyncset.done $0x0  }
0x15: {  	[sflag:s12] =	ssyncadd.s32 $0xFFFFF620  }
0x16: {  	[tilespmem:s3], [sflag:$0x9] =	stream.linear.gather [hbm4b:s7+s3], $0x2800, $0x38;
	[tilespmem:$0xDF00] =	vst v63  }
0x17: {  	_ =	swait.ge [sflag:s12], $0x2800  }
0x18: {  	[sflag:s12] =	ssyncset.done $0x0  }
0x19: {  	s17 =	simm.s32 $0x2800;
	[sflag:s12] =	ssyncadd.s32 $0xFFFFD800  }
0x1a: {  	[tilespmem:s17], [sflag:$0x9] =	stream.linear.gather [hbm4b:s8+s3], $0x2800, $0x38;
	[tilespmem:$0xDF00] =	vst v63  }
0x1b: {  	_ =	swait.ge [sflag:s12], $0x2800  }
0x1c: {  	[sflag:s12] =	ssyncset.done $0x0  }
0x1d: {  	[sflag:s12] =	ssyncadd.s32 $0xFFFFD800  }
0x1e: {  	[bflag:$0x0] =	sbarrier.arrive $0xFFFF  }
0x1f: {  	[tilespmem:s15], [sflag:$0x1] =	stream.indirect.gather [hbm4b:s4+s14], $0x20, s3, s14, $0xb8;
	[tilespmem:$0xDF00] =	vst v63  }
0x20: {  	_ = 	snop  }
0x21: {  	[tilespmem:s16], [sflag:$0x2] =	stream.indirect.gather [hbm4b:s4+s14], $0x20, s14, s14, $0xb8;
	[tilespmem:$0xDF00] =	vst v63  }
0x22: {  	s30 =	simm.s32 $0x100  }
0x23: {  	[tilespmem:s18], [sflag:$0x3] =	stream.indirect.gather [hbm4b:s4+s14], $0x20, s30, s14, $0xb8;
	[tilespmem:$0xDF00] =	vst v63  }
0x24: {  	s19 =	simm.s32 $0x180  }
0x25: {  	[tilespmem:s20], [sflag:$0x4] =	stream.indirect.gather [hbm4b:s4+s14], $0x20, s19, s14, $0xb8;
	[tilespmem:$0xDF00] =	vst v63  }
0x26: {  	_ =	swait.ge [sflag:s21], $0x1000  }
0x27: {  	[sflag:s21] =	ssyncset.done $0x0  }
0x28: {  	s30 =	simm.s32 $0x2800;
	[sflag:s21] =	ssyncadd.s32 $0xFFFFF000  }
0x29: {  	[spmem:s2] =	stream.indirect.scatter.add.f32 [tilespmem:s15], [sflag:$0x5], $0x20, s30, s14, $0xb8;
	[tilespmem:$0xDF00] =	vst v63  }
0x2a: {  	_ =	swait.ge [sflag:s22], $0x1000  }
0x2b: {  	[sflag:s22] =	ssyncset.done $0x0  }
0x2c: {  	s19 =	simm.s32 $0x2880;
	[sflag:s22] =	ssyncadd.s32 $0xFFFFF000  }
0x2d: {  	[spmem:s2] =	stream.indirect.scatter.add.f32 [tilespmem:s16], [sflag:$0x6], $0x20, s19, s14, $0xb8;
	[tilespmem:$0xDF00] =	vst v63  }
0x2e: {  	_ =	swait.ge [sflag:s23], $0x1000  }
0x2f: {  	[sflag:s23] =	ssyncset.done $0x0  }
0x30: {  	s30 =	simm.s32 $0x2900;
	[sflag:s23] =	ssyncadd.s32 $0xFFFFF000  }
0x31: {  	[spmem:s2] =	stream.indirect.scatter.add.f32 [tilespmem:s18], [sflag:$0x7], $0x20, s30, s14, $0xb8;
	[tilespmem:$0xDF00] =	vst v63  }
0x32: {  	_ =	swait.ge [sflag:s24], $0x1000  }
0x33: {  	[sflag:s24] =	ssyncset.done $0x0  }
0x34: {  	s19 =	simm.s32 $0x2980;
	[sflag:s24] =	ssyncadd.s32 $0xFFFFF000  }
0x35: {  	[spmem:s2] =	stream.indirect.scatter.add.f32 [tilespmem:s20], [sflag:$0x8], $0x20, s19, s14, $0xb8;
	[tilespmem:$0xDF00] =	vst v63  }
0x36: {  	_ =	swait.ge [sflag:s25], $0x1000  }
0x37: {  	[sflag:s25] =	ssyncset.done $0x0  }
0x38: {  	s30 =	simm.s32 $0x200;
	[sflag:s25] =	ssyncadd.s32 $0xFFFFF000  }
0x39: {  	[tilespmem:s15], [sflag:$0x1] =	stream.indirect.gather [hbm4b:s4+s14], $0x20, s30, s14, $0xb8;
	[tilespmem:$0xDF00] =	vst v63  }
0x3a: {  	_ =	swait.ge [sflag:s26], $0x1000  }
0x3b: {  	[sflag:s26] =	ssyncset.done $0x0  }
0x3c: {  	s19 =	simm.s32 $0x280;
	[sflag:s26] =	ssyncadd.s32 $0xFFFFF000  }
0x3d: {  	[tilespmem:s16], [sflag:$0x2] =	stream.indirect.gather [hbm4b:s4+s14], $0x20, s19, s14, $0xb8;
	[tilespmem:$0xDF00] =	vst v63  }
0x3e: {  	_ =	swait.ge [sflag:s28], $0x1000  }
0x3f: {  	[sflag:s28] =	ssyncset.done $0x0  }
0x40: {  	s30 =	simm.s32 $0x300;
	[sflag:s28] =	ssyncadd.s32 $0xFFFFF000  }
0x41: {  	[tilespmem:s18], [sflag:$0x3] =	stream.indirect.gather [hbm4b:s4+s14], $0x20, s30, s14, $0xb8;
	[tilespmem:$0xDF00] =	vst v63  }
0x42: {  	_ =	swait.ge [sflag:s29], $0x1000  }
0x43: {  	[sflag:s29] =	ssyncset.done $0x0  }
0x44: {  	s17 =	simm.s32 $0x800;
	s19 =	simm.s32 $0x380;
	[sflag:s29] =	ssyncadd.s32 $0xFFFFF000  }
.LBB2_2:
0x45: {  	[tilespmem:s20], [sflag:$0x4] =	stream.indirect.gather [hbm4b:s4+s14], $0x20, s19, s14, $0xb8;
	[tilespmem:$0xDF00] =	vst v63  }
0x46: {  	s19 =	smov.u32 s17  }
0x47: {  	p0 =	sne.s32 s17, $0x9000;
	s17 =	sadd.s32 $0x800, s17;
	_ =	swait.ge [sflag:s21], $0x1000  }
0x48: {  	s19 =	sshra.s32 s19, $0x2;
	[sflag:s21] =	ssyncset.done $0x0  }
0x49: {  	s30 =	sadd.s32 $0x2800, s19;
	[sflag:s21] =	ssyncadd.s32 $0xFFFFF000  }
0x4a: {  	[spmem:s2] =	stream.indirect.scatter.add.f32 [tilespmem:s15], [sflag:$0x5], $0x20, s30, s14, $0xb8;
	[tilespmem:$0xDF00] =	vst v63  }
0x4b: {  	_ =	swait.ge [sflag:s22], $0x1000  }
0x4c: {  	[sflag:s22] =	ssyncset.done $0x0  }
0x4d: {  	s30 =	sadd.s32 $0x2880, s19;
	[sflag:s22] =	ssyncadd.s32 $0xFFFFF000  }
0x4e: {  	[spmem:s2] =	stream.indirect.scatter.add.f32 [tilespmem:s16], [sflag:$0x6], $0x20, s30, s14, $0xb8;
	[tilespmem:$0xDF00] =	vst v63  }
0x4f: {  	_ =	swait.ge [sflag:s23], $0x1000  }
0x50: {  	[sflag:s23] =	ssyncset.done $0x0  }
0x51: {  	s30 =	sadd.s32 $0x2900, s19;
	[sflag:s23] =	ssyncadd.s32 $0xFFFFF000  }
0x52: {  	[spmem:s2] =	stream.indirect.scatter.add.f32 [tilespmem:s18], [sflag:$0x7], $0x20, s30, s14, $0xb8;
	[tilespmem:$0xDF00] =	vst v63  }
0x53: {  	_ =	swait.ge [sflag:s24], $0x1000  }
0x54: {  	[sflag:s24] =	ssyncset.done $0x0  }
0x55: {  	s30 =	sadd.s32 $0x2980, s19;
	[sflag:s24] =	ssyncadd.s32 $0xFFFFF000  }
0x56: {  	[spmem:s2] =	stream.indirect.scatter.add.f32 [tilespmem:s20], [sflag:$0x8], $0x20, s30, s14, $0xb8;
	[tilespmem:$0xDF00] =	vst v63  }
0x57: {  	_ =	swait.ge [sflag:s25], $0x1000  }
0x58: {  	[sflag:s25] =	ssyncset.done $0x0  }
0x59: {  	s30 =	sadd.s32 $0x200, s19;
	[sflag:s25] =	ssyncadd.s32 $0xFFFFF000  }
0x5a: {  	[tilespmem:s15], [sflag:$0x1] =	stream.indirect.gather [hbm4b:s4+s14], $0x20, s30, s14, $0xb8;
	[tilespmem:$0xDF00] =	vst v63  }
0x5b: {  	_ =	swait.ge [sflag:s26], $0x1000  }
0x5c: {  	[sflag:s26] =	ssyncset.done $0x0  }
0x5d: {  	s30 =	sadd.s32 $0x280, s19;
	[sflag:s26] =	ssyncadd.s32 $0xFFFFF000  }
0x5e: {  	[tilespmem:s16], [sflag:$0x2] =	stream.indirect.gather [hbm4b:s4+s14], $0x20, s30, s14, $0xb8;
	[tilespmem:$0xDF00] =	vst v63  }
0x5f: {  	_ =	swait.ge [sflag:s28], $0x1000  }
0x60: {  	[sflag:s28] =	ssyncset.done $0x0  }
.Ltmp0:
0x61: {  	s30 =	sadd.s32 $0x300, s19;
	[sflag:s28] =	ssyncadd.s32 $0xFFFFF000;
	(pc) =	sbr.rel @p0 .LBB2_2-.Ltmp0, $4  }
0x62: {  	[tilespmem:s18], [sflag:$0x3] =	stream.indirect.gather [hbm4b:s4+s14], $0x20, s30, s14, $0xb8;
	[tilespmem:$0xDF00] =	vst v63  }
0x63: {  	_ =	swait.ge [sflag:s29], $0x1000  }
0x64: {  	[sflag:s29] =	ssyncset.done $0x0  }
0x65: {  	s19 =	sadd.s32 $0x380, s19;
	[sflag:s29] =	ssyncadd.s32 $0xFFFFF000  }
0x66: {  	[tilespmem:s20], [sflag:$0x4] =	stream.indirect.gather [hbm4b:s4+s14], $0x20, s19, s14, $0xb8;
	[tilespmem:$0xDF00] =	vst v63  }
0x67: {  	_ =	swait.ge [sflag:s21], $0x1000  }
0x68: {  	[sflag:s21] =	ssyncset.done $0x0  }
0x69: {  	s17 =	simm.s32 $0x4E00;
	[sflag:s21] =	ssyncadd.s32 $0xFFFFF000  }
0x6a: {  	[spmem:s2] =	stream.indirect.scatter.add.f32 [tilespmem:s15], [sflag:$0x5], $0x20, s17, s14, $0xb8;
	[tilespmem:$0xDF00] =	vst v63  }
0x6b: {  	_ =	swait.ge [sflag:s22], $0x1000  }
0x6c: {  	[sflag:s22] =	ssyncset.done $0x0  }
0x6d: {  	[sflag:s22] =	ssyncadd.s32 $0xFFFFF000  }
0x6e: {  	[spmem:s2] =	stream.indirect.scatter.add.f32 [tilespmem:s16], [sflag:$0x6], $0x20, s31, s14, $0xb8;
	[tilespmem:$0xDF00] =	vst v63  }
0x6f: {  	_ =	swait.ge [sflag:s23], $0x1000  }
0x70: {  	[sflag:s23] =	ssyncset.done $0x0  }
0x71: {  	[sflag:s23] =	ssyncadd.s32 $0xFFFFF000  }
0x72: {  	[spmem:s2] =	stream.indirect.scatter.add.f32 [tilespmem:s18], [sflag:$0x7], $0x20, s1, s14, $0xb8;
	[tilespmem:$0xDF00] =	vst v63  }
0x73: {  	_ =	swait.ge [sflag:s24], $0x1000  }
0x74: {  	[sflag:s24] =	ssyncset.done $0x0  }
0x75: {  	[sflag:s24] =	ssyncadd.s32 $0xFFFFF000  }
0x76: {  	[spmem:s2] =	stream.indirect.scatter.add.f32 [tilespmem:s20], [sflag:$0x8], $0x20, s0, s14, $0xb8;
	[tilespmem:$0xDF00] =	vst v63  }
0x77: {  	_ =	swait.ge [sflag:s25], $0x1000  }
0x78: {  	[sflag:s25] =	ssyncset.done $0x0  }
0x79: {  	[sflag:s25] =	ssyncadd.s32 $0xFFFFF000  }
0x7a: {  	_ =	swait.ge [sflag:s26], $0x1000  }
0x7b: {  	[sflag:s26] =	ssyncset.done $0x0  }
0x7c: {  	[sflag:s26] =	ssyncadd.s32 $0xFFFFF000  }
0x7d: {  	_ =	swait.ge [sflag:s28], $0x1000  }
0x7e: {  	[sflag:s28] =	ssyncset.done $0x0  }
0x7f: {  	[sflag:s28] =	ssyncadd.s32 $0xFFFFF000  }
0x80: {  	_ =	swait.ge [sflag:s29], $0x1000  }
0x81: {  	s13 =	sadd.s32 $0x1, s13;
	[sflag:s29] =	ssyncset.done $0x0  }
0x82: {  	p0 =	sne.s32 s13, s10;
	[sflag:s29] =	ssyncadd.s32 $0xFFFFF000  }
.Ltmp1:
0x83: {  	[bflag:$0x0] =	sbarrier.arrive $0xFFFF;
	(pc) =	sbr.rel @p0 .LBB2_1-.Ltmp1, $4  }
0x84: {  	[hbm:s9], [sflag:s6] =	dma.local [spmem:s11], $0x9E0  }
0x85: {  	_ =	swait.ge [sflag:s12], $0x9E0  }
0x86: {  	[sflag:s12] =	ssyncset.done $0x0  }
0x87: {  	[sflag:s12] =	ssyncadd.s32 $0xFFFFF620  }
0x88: {  	_ =	sfence.sel $0x180000  }
0x89: {  	[bflag:$0x0] =	sbarrier.arrive $0xFFFF  }
0x8a: {  	_ =	strace $0x9000004D  }
0x8b: {  	s0 =	stileid.u32;
	[bflag:$0x2] =	sbarrier.arrive $0xFFFF  }
0x8c: {  	p0 =	sne.s32 s0, $0x0;
	s0 =	rddreg [dreg:$0x2]  }
0x8d: {  	s0 =	sadd.s32 @!p0 $0x100000, s0  }
0x8e: {  	[sflag:s0] =	ssyncadd.tile.s32 @!p0 $0x1;
	_ =	shalt  }
.Lfunc_end2:
_tile_overlayer_lowered:
.L_overlay_start_2:
0x8f: {  	(tag) =	ssettag $0x2  }
0x90: {  	s0 =	rddreg [dreg:$0x0];
	s2 =	stileid.u32  }
0x91: {  	s1 =	rddreg [dreg:$0x1];
	p0 =	sne.s32 s2, $0x0  }
0x92: {  	s3 =	rddreg [dreg:$0x2];
	[bflag:$0x3] =	sbarrier.arrive $0xFFFF;
	s2 =	simm.s32 @!p0 $0x1C09  }
0x93: {  	[timem:s3], [sflag:s2] =	dma.local @!p0 [hbm:s0], s1  }
0x94: {  	s0 =	simm.s32 @!p0 $0x9  }
0x95: {  	_ =	swait.ge @!p0 [sflag:s0], s1  }
0x96: {  	s1 =	ssub.s32 @!p0 $0x0, s1;
	[sflag:s0] =	ssyncset.done @!p0 $0x0  }
0x97: {  	[sflag:s0] =	ssyncadd.s32 @!p0 s1  }
0x98: {  	[bflag:$0x3] =	sbarrier.arrive $0xFFFF  }
0x99: {  	_ =	shalt  }

// kernel: kernel.19.cloned.1.call-start
scs
__scs_entry_jumppad:
0x0: {  	(pc) =	sbr.rel $0x88, $3  }
0x1: {  	(tag) =	ssettag $0x0;
	lr =	simm.s32 $0x1  }
0x2: {  	[smem:$0x3F94] =	sst lr;
	_ =	strace $0xD0000000  }
0x3: {  	_ = 	snop  }
0x4: {  	_ = 	snop  }
0x5: {  	_ = 	snop  }
0x6: {  	_ = 	snop  }
0x7: {  	_ = 	snop  }
__scs_overlays_trampoline_lowered:
0x8: {  	[smem:$0x3FA3] =	sst s0  }
0x9: {  	[smem:$0x3FA4] =	sst s1  }
0xa: {  	[smem:$0x3FA5] =	sst s2  }
0xb: {  	[smem:$0x3FA6] =	sst s3  }
0xc: {  	[smem:$0x3FA7] =	sst s4  }
0xd: {  	[smem:$0x3FA8] =	sst s5  }
0xe: {  	[smem:$0x3FA9] =	sst s6  }
0xf: {  	[smem:$0x3FAA] =	sst s7  }
0x10: {  	[smem:$0x3FAB] =	sst s8  }
0x11: {  	[smem:$0x3FAC] =	sst s9;
	s0 =	simm.s32 @!p0 $0x0  }
0x12: {  	s1 =	sld [smem:$0x3F92];
	s0 =	simm.s32 @p0 $0x1  }
0x13: {  	[smem:$0x3FAD] =	sst s0;
	s0 =	simm.s32 @!p1 $0x0  }
0x14: {  	s2 =	sld [smem:$0x3F91];
	s0 =	simm.s32 @p1 $0x1  }
0x15: {  	[smem:$0x3FAE] =	sst s0;
	s0 =	simm.s32 @!p2 $0x0  }
0x16: {  	s3 =	sld [smem:$0x3FDB];
	s0 =	simm.s32 @p2 $0x1  }
0x17: {  	s4 =	simm.s32 $0x1BF5;
	[smem:$0x3FB0] =	sst s0  }
0x18: {  	s0 =	sld [smem:$0x3F93];
	_ =	swait.ge [sflag:s4], $0x0  }
0x19: {  	s7 =	sld [smem:$0x3F94]  }
0x1a: {  	s8 =	sadd.s32 $0xFFFFE003, lr  }
0x1b: {  	s9 =	sadd.s32 $0xFFFFFEF7, lr;
	s5 =	simm.s32 $0xFFFFFFFF;
	p2 =	slt.u32 s8, $0xFFFFF086  }
0x1c: {  	p1 =	slt.u32 s9, $0xF7A;
	s5 =	simm.s32 @!p2 $0x0  }
0x1d: {  	s5 =	simm.s32 @p1 $0x1;
	p0 =	seq.s32 s7, s2  }
0x1e: {  	s7 =	smul.u32 @!p0 $0xF7A, s2;
	p2 =	seq.s32 @!p0 s5, $0x0  }
0x1f: {  	s9 =	smul.u32 $0xF7A, s1;
	s8 =	simm.s32 @!p0 $0x1BF5;
	p2 =	por !p2, p0  }
0x20: {  	[sflag:s8] =	ssyncset.s32 @!p0 $0xFFFFF086;
	s6 =	sadd.s32 @!p0 s3, s7;
	s7 =	simm.s32 @!p0 $0x108  }
0x21: {  	s3 =	sadd.s32 s3, s9;
	s6 =	sadd.s32 @!p0 $0x88, s6;
	s7 =	simm.s32 @p2 $0x1082  }
0x22: {  	[simem:s7], [sflag:s8] =	dma.local @!p0 [hbm:s6], $0xF7A  }
0x23: {  	s9 =	sor.u32 $0xD0000000, s2;
	s6 =	simm.s32 $0x108;
	_ =	swait.ge @!p0 [sflag:s8], $0x0  }
0x24: {  	s3 =	sadd.s32 $0x88, s3;
	s6 =	simm.s32 @!p1 $0x1082;
	[sflag:s4] =	ssyncset.s32 $0xFFFFF086  }
0x25: {  	[simem:s6], [sflag:s4] =	dma.local [hbm:s3], $0xF7A  }
0x26: {  	[smem:$0x3F94] =	sst s1;
	(tag) =	ssettag s2;
	_ =	strace s9  }
0x27: {  	s1 =	sld [smem:$0x3FA4]  }
0x28: {  	s2 =	sld [smem:$0x3FA5]  }
0x29: {  	s4 =	sld [smem:$0x3FA7]  }
0x2a: {  	p0 =	seq.s32 s5, $0x0;
	s5 =	sld [smem:$0x3FA8]  }
0x2b: {  	s6 =	sld [smem:$0x3FA9]  }
0x2c: {  	s7 =	sld [smem:$0x3FAA]  }
0x2d: {  	s3 =	simm.s32 $0x108;
	s8 =	sld [smem:$0x3FAB]  }
0x2e: {  	s3 =	simm.s32 @!p0 $0x1082;
	s9 =	sld [smem:$0x3FAC]  }
0x2f: {  	lr =	sadd.s32 s0, s3;
	s0 =	sld [smem:$0x3FA3]  }
0x30: {  	s3 =	sld [smem:$0x3FA6]  }
0x31: {  	[smem:$0x3FAF] =	sst s10  }
0x32: {  	s10 =	sld [smem:$0x3FAD];
	_ =	sdelay $0x3  }
0x33: {  	p0 =	seq.s32 s10, $0x1;
	s10 =	sld [smem:$0x3FAF];
	_ =	sdelay $0x3  }
0x34: {  	[smem:$0x3FAF] =	sst s10  }
0x35: {  	s10 =	sld [smem:$0x3FAE];
	_ =	sdelay $0x3  }
0x36: {  	p1 =	seq.s32 s10, $0x1;
	s10 =	sld [smem:$0x3FAF];
	_ =	sdelay $0x3  }
0x37: {  	[smem:$0x3FAF] =	sst s10  }
0x38: {  	s10 =	sld [smem:$0x3FB0]  }
0x39: {  	_ = 	snop;
	(pc) =	sbr.ind lr, $3  }
0x3a: {  	_ = 	snop  }
0x3b: {  	_ = 	snop  }
0x3c: {  	p2 =	seq.s32 s10, $0x1;
	s10 =	sld [smem:$0x3FAF]  }
0x3d: {  	_ =	shalt  }
0x3e: {  	_ =	shalt  }
0x3f: {  	_ =	shalt  }
0x40: {  	_ =	shalt  }
0x41: {  	_ =	shalt  }
0x42: {  	_ =	shalt  }
0x43: {  	_ =	shalt  }
0x44: {  	_ =	shalt  }
0x45: {  	_ =	shalt  }
0x46: {  	_ =	shalt  }
0x47: {  	_ =	shalt  }
0x48: {  	_ =	shalt  }
0x49: {  	_ =	shalt  }
0x4a: {  	_ =	shalt  }
0x4b: {  	_ =	shalt  }
0x4c: {  	_ =	shalt  }
0x4d: {  	_ =	shalt  }
0x4e: {  	_ =	shalt  }
0x4f: {  	_ =	shalt  }
0x50: {  	_ =	shalt  }
0x51: {  	_ =	shalt  }
0x52: {  	_ =	shalt  }
0x53: {  	_ =	shalt  }
0x54: {  	_ =	shalt  }
0x55: {  	_ =	shalt  }
0x56: {  	_ =	shalt  }
0x57: {  	_ =	shalt  }
0x58: {  	_ =	shalt  }
0x59: {  	_ =	shalt  }
0x5a: {  	_ =	shalt  }
0x5b: {  	_ =	shalt  }
0x5c: {  	_ =	shalt  }
0x5d: {  	_ =	shalt  }
0x5e: {  	_ =	shalt  }
0x5f: {  	_ =	shalt  }
0x60: {  	_ =	shalt  }
0x61: {  	_ =	shalt  }
0x62: {  	_ =	shalt  }
0x63: {  	_ =	shalt  }
0x64: {  	_ =	shalt  }
0x65: {  	_ =	shalt  }
0x66: {  	_ =	shalt  }
0x67: {  	_ =	shalt  }
0x68: {  	_ =	shalt  }
0x69: {  	_ =	shalt  }
0x6a: {  	_ =	shalt  }
0x6b: {  	_ =	shalt  }
0x6c: {  	_ =	shalt  }
0x6d: {  	_ =	shalt  }
0x6e: {  	_ =	shalt  }
0x6f: {  	_ =	shalt  }
0x70: {  	_ =	shalt  }
0x71: {  	_ =	shalt  }
0x72: {  	_ =	shalt  }
0x73: {  	_ =	shalt  }
0x74: {  	_ =	shalt  }
0x75: {  	_ =	shalt  }
0x76: {  	_ =	shalt  }
0x77: {  	_ =	shalt  }
0x78: {  	_ =	shalt  }
0x79: {  	_ =	shalt  }
0x7a: {  	_ =	shalt  }
0x7b: {  	_ =	shalt  }
0x7c: {  	_ =	shalt  }
0x7d: {  	_ =	shalt  }
0x7e: {  	_ =	shalt  }
0x7f: {  	_ =	shalt  }
0x80: {  	_ =	shalt  }
0x81: {  	_ =	shalt  }
0x82: {  	_ =	shalt  }
0x83: {  	_ =	shalt  }
0x84: {  	_ =	shalt  }
0x85: {  	_ =	shalt  }
0x86: {  	_ =	shalt  }
0x87: {  	_ =	shalt  }
.Lfunc_end0:
.L_simem_size_0:
called_computation.3_lowered:
.L_overlay_start_0:
0x88: {  	s2 =	sld [smem:$0x3FD9]  }
0x89: {  	s3 =	sld [smem:$0x3FFE];
	_ =	sdelay $0x1  }
0x8a: {  	s1 =	srdreg.scid  }
0x8b: {  	s0 =	sand.u32 $0x1, s1  }
0x8c: {  	s16 =	sshll.u32 s0, $0xA;
	s2 =	sadd.s32 s3, s2  }
0x8d: {  	s2 =	sadd.s32 s2, s16  }
0x8e: {  	[smem:$0x3FBB] =	sst s2  }
0x8f: {  	_ = 	snop  }
0x90: {  	(tm) =	ssettm $0x1  }
0x91: {  	s17 =	sld [smem:$0x3FFB];
	_ =	sdelay $0x3  }
0x92: {  	_ =	strace s17  }
0x93: {  	s2 =	sld [smem:$0x3FFC];
	_ =	sdelay $0x3  }
0x94: {  	_ =	strace s2  }
0x95: {  	s2 =	sld [smem:$0x3FFD];
	_ =	sdelay $0x3  }
0x96: {  	_ =	strace s2  }
0x97: {  	_ =	strace $0x8FFFFFFF  }
0x98: {  	s18 =	sld [smem:$0x3FDB];
	_ =	sdelay $0x1  }
0x99: {  	s19 =	simm.s32 $_scs_section_size  }
0x9a: {  	s4 =	simm.s32 $_size__tile_overlayer_lowered;
	s5 =	simm.s32 $_tile_overlayer_lowered  }
0x9b: {  	s22 =	simm.s32 $0x1BFF;
	s21 =	sshll.u32 s5, $0x1;
	s2 =	sadd.s32 s19, s18  }
0x9c: {  	s6 =	simm.s32 $0x0;
	s20 =	sshll.u32 s4, $0x1;
	s4 =	sadd.s32 s21, s2  }
0x9d: {  	[timem:s6], [sflag:s22] =	dma.local [hbm:s4], s20  }
0x9e: {  	_ =	swait.ge [sflag:s22], s20  }
0x9f: {  	s3 =	ssub.s32 $0x0, s20;
	[sflag:s22] =	ssyncset.done $0x0  }
0xa0: {  	[sflag:s22] =	ssyncadd.s32 s3;
	_ =	sdelay $0x1  }
0xa1: {  	s23 =	simm.s32 $0x1B8B  }
0xa2: {  	_ =	swait.ge [sflag:s23], $0x1  }
0xa3: {  	[sflag:s23] =	ssyncset.done $0x0  }
0xa4: {  	s25 =	simm.s32 $0x1B8E;
	s24 =	sld [smem:$0x3FFE];
	[sflag:s23] =	ssyncadd.s32 $0xFFFFFFFF  }
0xa5: {  	s26 =	simm.s32 $execute0_lowered;
	[smem:$0x3FD2] =	sst s25  }
0xa6: {  	s4 =	sshll.u32 s26, $0x1;
	_ =	strace $0x8000004F;
	[dreg:$0x1] =	wrdreg $0xFFFFFFFF  }
0xa7: {  	s28 =	simm.s32 $_size_execute0_lowered;
	s2 =	sadd.s32 s2, s4;
	[dreg:$0x0] =	wrdreg $0x0  }
0xa8: {  	s4 =	sshll.u32 s28, $0x1;
	[dreg:$0x2] =	wrdreg s2  }
0xa9: {  	[dreg:$0x3] =	wrdreg s4  }
0xaa: {  	[dreg:$0x4] =	wrdreg $0xC0  }
0xab: {  	_ =	task [dreg:s6], $0x5FFFF  }
0xac: {  	[dreg:$0x1] =	wrdreg $0xFFFFFFFF  }
0xad: {  	[dreg:$0x0] =	wrdreg $0x60  }
0xae: {  	[dreg:$0x2] =	wrdreg s24  }
0xaf: {  	[dreg:$0x3] =	wrdreg $0x70000  }
0xb0: {  	[dreg:$0x4] =	wrdreg $0x9  }
0xb1: {  	_ =	task.clear_ibuf [dreg:s6], $0x5FFFF;
	_ =	strace $0x9000004F  }
0xb2: {  	s29 =	simm.s32 $0x9;
	_ =	strace $0x80000051  }
0xb3: {  	_ =	swait.ge [sflag:s29], $0x1  }
0xb4: {  	[sflag:s29] =	ssyncadd.s32 $0xFFFFFFFF  }
0xb5: {  	_ =	strace $0x90000051  }
0xb6: {  	_ =	sfence  }
0xb7: {  	s30 =	sld [smem:$0x0];
	_ =	sdelay $0x2  }
0xb8: {  	s31 =	sshll.u32 s1, $0xD;
	s1 =	sshrl.u32 s1, $0x2  }
0xb9: {  	s3 =	sand.u32 $0x4000, s31;
	s1 =	sadd.s32 s1, s30  }
0xba: {  	s0 =	sor.u32 s3, s0;
	s1 =	sshll.u32 s1, $0x11  }
0xbb: {  	s0 =	sor.u32 s1, s0  }
0xbc: {  	s0 =	sadd.s32 $0x8F2B, s0  }
0xbd: {  	[sflag:s0] =	ssyncadd.remote.s32 $0x1  }
0xbe: {  	_ =	sfence.sel $0xFFFF  }
0xbf: {  	[dreg:$0x0] =	wrdreg $0xFFFFFFFF;
	(pc) =	sbr.abs _section_cstart, $3  }
0xc0: {  	[dreg:$0x1] =	wrdreg $0xFFFFFFFF  }
0xc1: {  	_ =	task.clear_ibuf [dreg:s6], $0x2FFFF;
	_ =	strace $0x9FFFFFFF  }
0xc2: {  	(tm) =	ssettm $0x7FFFFFFF  }
0xc3: {  	_ =	shalt  }
tec
execute0_lowered:
.L_overlay_start_1:
0x0: {  	(tag) =	ssettag $0x1  }
0x1: {  	s0 =	srdreg.scid;
	s5 =	rddreg [dreg:$0x0]  }
0x2: {  	s11 =	stileid.u32;
	s2 =	rddreg [dreg:$0x1];
	s3 =	simm.s32 $0x0  }
0x3: {  	s12 =	simm.s32 $0x9;
	s14 =	simm.s32 $0x80;
	s15 =	simm.s32 $0x5000  }
0x4: {  	s16 =	simm.s32 $0x5800;
	s18 =	simm.s32 $0x6000;
	s20 =	simm.s32 $0x6800  }
0x5: {  	s21 =	simm.s32 $0x1;
	s22 =	simm.s32 $0x2;
	s23 =	simm.s32 $0x3  }
0x6: {  	s24 =	simm.s32 $0x4;
	s25 =	simm.s32 $0x5;
	s28 =	simm.s32 $0x7  }
0x7: {  	s29 =	simm.s32 $0x8;
	s31 =	simm.s32 $0x4E80;
	s13 =	simm.s32 $0x0  }
0x8: {  	s0 =	sand.u32 $0x1, s0;
	s1 =	sshll.u32 s11, $0x1;
	s6 =	smul.u32 $0x2780, s11  }
0x9: {  	[smem:$0x7FF] =	sst s3;
	s4 =	sadd.s32 $0xC600, s5;
	s26 =	sshll.u32 s11, $0x6  }
0xa: {  	s1 =	sor.u32 s0, s1;
	s7 =	smul.u32 $0x27800, s0;
	_ =	strace $0x80000050  }
0xb: {  	s0 =	ssub.s32 $0x2, s0;
	s1 =	smul.u32 $0x500, s1;
	s8 =	sshrl.u32 s6, $0x3  }
0xc: {  	s9 =	sshrl.u32 s0, $0x1;
	s30 =	sadd.s32 s6, s2;
	s7 =	sadd.s32 s6, s7  }
0xd: {  	s8 =	sadd.s32 s8, s5;
	s0 =	ssub.s32 s0, s9;
	s6 =	sor.u32 $0x1C09, s26  }
0xe: {  	s11 =	sshrl.u32 s30, $0x3;
	s26 =	simm.s32 $0x6;
	s7 =	sshrl.u32 s7, $0x3  }
0xf: {  	s1 =	sadd.s32 s1, s5;
	s10 =	sadd.s32 s7, s5;
	s5 =	sadd.s32 $0x11600, s8  }
0x10: {  	s7 =	sadd.s32 $0x16A00, s1;
	s8 =	sadd.s32 $0x2600, s1;
	s1 =	simm.s32 $0x4F00  }
0x11: {  	s9 =	sadd.s32 $0x20A00, s10;
	s10 =	smax.u32 s0, $0x1;
	s0 =	simm.s32 $0x4F80  }
.LBB2_1:
0x12: {  	[spmem:s11], [sflag:s6] =	dma.local [hbm:s5], $0x4F0  }
0x13: {  	_ =	swait.ge [sflag:s12], $0x4F0  }
0x14: {  	[sflag:s12] =	ssyncset.done $0x0  }
0x15: {  	[sflag:s12] =	ssyncadd.s32 $0xFFFFFB10  }
0x16: {  	[tilespmem:s3], [sflag:$0x9] =	stream.linear.gather [hbm4b:s7+s3], $0x2800, $0x38;
	[tilespmem:$0x9780] =	vst v63  }
0x17: {  	_ =	swait.ge [sflag:s12], $0x2800  }
0x18: {  	[sflag:s12] =	ssyncset.done $0x0  }
0x19: {  	s17 =	simm.s32 $0x2800;
	[sflag:s12] =	ssyncadd.s32 $0xFFFFD800  }
0x1a: {  	[tilespmem:s17], [sflag:$0x9] =	stream.linear.gather [hbm4b:s8+s3], $0x2800, $0x38;
	[tilespmem:$0x9780] =	vst v63  }
0x1b: {  	_ =	swait.ge [sflag:s12], $0x2800  }
0x1c: {  	[sflag:s12] =	ssyncset.done $0x0  }
0x1d: {  	[sflag:s12] =	ssyncadd.s32 $0xFFFFD800  }
0x1e: {  	[bflag:$0x0] =	sbarrier.arrive $0xFFFF  }
0x1f: {  	[tilespmem:s15], [sflag:$0x1] =	stream.indirect.gather [hbm4b:s4+s14], $0x10, s3, s14, $0xb8;
	[tilespmem:$0x9780] =	vst v63  }
0x20: {  	_ = 	snop  }
0x21: {  	[tilespmem:s16], [sflag:$0x2] =	stream.indirect.gather [hbm4b:s4+s14], $0x10, s14, s14, $0xb8;
	[tilespmem:$0x9780] =	vst v63  }
0x22: {  	s30 =	simm.s32 $0x100  }
0x23: {  	[tilespmem:s18], [sflag:$0x3] =	stream.indirect.gather [hbm4b:s4+s14], $0x10, s30, s14, $0xb8;
	[tilespmem:$0x9780] =	vst v63  }
0x24: {  	s19 =	simm.s32 $0x180  }
0x25: {  	[tilespmem:s20], [sflag:$0x4] =	stream.indirect.gather [hbm4b:s4+s14], $0x10, s19, s14, $0xb8;
	[tilespmem:$0x9780] =	vst v63  }
0x26: {  	_ =	swait.ge [sflag:s21], $0x800  }
0x27: {  	[sflag:s21] =	ssyncset.done $0x0  }
0x28: {  	s30 =	simm.s32 $0x2800;
	[sflag:s21] =	ssyncadd.s32 $0xFFFFF800  }
0x29: {  	[spmem:s2] =	stream.indirect.scatter.add.f32 [tilespmem:s15], [sflag:$0x5], $0x10, s30, s14, $0xb8;
	[tilespmem:$0x9780] =	vst v63  }
0x2a: {  	_ =	swait.ge [sflag:s22], $0x800  }
0x2b: {  	[sflag:s22] =	ssyncset.done $0x0  }
0x2c: {  	s19 =	simm.s32 $0x2880;
	[sflag:s22] =	ssyncadd.s32 $0xFFFFF800  }
0x2d: {  	[spmem:s2] =	stream.indirect.scatter.add.f32 [tilespmem:s16], [sflag:$0x6], $0x10, s19, s14, $0xb8;
	[tilespmem:$0x9780] =	vst v63  }
0x2e: {  	_ =	swait.ge [sflag:s23], $0x800  }
0x2f: {  	[sflag:s23] =	ssyncset.done $0x0  }
0x30: {  	s30 =	simm.s32 $0x2900;
	[sflag:s23] =	ssyncadd.s32 $0xFFFFF800  }
0x31: {  	[spmem:s2] =	stream.indirect.scatter.add.f32 [tilespmem:s18], [sflag:$0x7], $0x10, s30, s14, $0xb8;
	[tilespmem:$0x9780] =	vst v63  }
0x32: {  	_ =	swait.ge [sflag:s24], $0x800  }
0x33: {  	[sflag:s24] =	ssyncset.done $0x0  }
0x34: {  	s19 =	simm.s32 $0x2980;
	[sflag:s24] =	ssyncadd.s32 $0xFFFFF800  }
0x35: {  	[spmem:s2] =	stream.indirect.scatter.add.f32 [tilespmem:s20], [sflag:$0x8], $0x10, s19, s14, $0xb8;
	[tilespmem:$0x9780] =	vst v63  }
0x36: {  	_ =	swait.ge [sflag:s25], $0x800  }
0x37: {  	[sflag:s25] =	ssyncset.done $0x0  }
0x38: {  	s30 =	simm.s32 $0x200;
	[sflag:s25] =	ssyncadd.s32 $0xFFFFF800  }
0x39: {  	[tilespmem:s15], [sflag:$0x1] =	stream.indirect.gather [hbm4b:s4+s14], $0x10, s30, s14, $0xb8;
	[tilespmem:$0x9780] =	vst v63  }
0x3a: {  	_ =	swait.ge [sflag:s26], $0x800  }
0x3b: {  	[sflag:s26] =	ssyncset.done $0x0  }
0x3c: {  	s19 =	simm.s32 $0x280;
	[sflag:s26] =	ssyncadd.s32 $0xFFFFF800  }
0x3d: {  	[tilespmem:s16], [sflag:$0x2] =	stream.indirect.gather [hbm4b:s4+s14], $0x10, s19, s14, $0xb8;
	[tilespmem:$0x9780] =	vst v63  }
0x3e: {  	_ =	swait.ge [sflag:s28], $0x800  }
0x3f: {  	[sflag:s28] =	ssyncset.done $0x0  }
0x40: {  	s30 =	simm.s32 $0x300;
	[sflag:s28] =	ssyncadd.s32 $0xFFFFF800  }
0x41: {  	[tilespmem:s18], [sflag:$0x3] =	stream.indirect.gather [hbm4b:s4+s14], $0x10, s30, s14, $0xb8;
	[tilespmem:$0x9780] =	vst v63  }
0x42: {  	_ =	swait.ge [sflag:s29], $0x800  }
0x43: {  	[sflag:s29] =	ssyncset.done $0x0  }
0x44: {  	s17 =	simm.s32 $0x800;
	s19 =	simm.s32 $0x380;
	[sflag:s29] =	ssyncadd.s32 $0xFFFFF800  }
.LBB2_2:
0x45: {  	[tilespmem:s20], [sflag:$0x4] =	stream.indirect.gather [hbm4b:s4+s14], $0x10, s19, s14, $0xb8;
	[tilespmem:$0x9780] =	vst v63  }
0x46: {  	s19 =	smov.u32 s17  }
0x47: {  	p0 =	sne.s32 s17, $0x9000;
	s17 =	sadd.s32 $0x800, s17;
	_ =	swait.ge [sflag:s21], $0x800  }
0x48: {  	s19 =	sshra.s32 s19, $0x2;
	[sflag:s21] =	ssyncset.done $0x0  }
0x49: {  	s30 =	sadd.s32 $0x2800, s19;
	[sflag:s21] =	ssyncadd.s32 $0xFFFFF800  }
0x4a: {  	[spmem:s2] =	stream.indirect.scatter.add.f32 [tilespmem:s15], [sflag:$0x5], $0x10, s30, s14, $0xb8;
	[tilespmem:$0x9780] =	vst v63  }
0x4b: {  	_ =	swait.ge [sflag:s22], $0x800  }
0x4c: {  	[sflag:s22] =	ssyncset.done $0x0  }
0x4d: {  	s30 =	sadd.s32 $0x2880, s19;
	[sflag:s22] =	ssyncadd.s32 $0xFFFFF800  }
0x4e: {  	[spmem:s2] =	stream.indirect.scatter.add.f32 [tilespmem:s16], [sflag:$0x6], $0x10, s30, s14, $0xb8;
	[tilespmem:$0x9780] =	vst v63  }
0x4f: {  	_ =	swait.ge [sflag:s23], $0x800  }
0x50: {  	[sflag:s23] =	ssyncset.done $0x0  }
0x51: {  	s30 =	sadd.s32 $0x2900, s19;
	[sflag:s23] =	ssyncadd.s32 $0xFFFFF800  }
0x52: {  	[spmem:s2] =	stream.indirect.scatter.add.f32 [tilespmem:s18], [sflag:$0x7], $0x10, s30, s14, $0xb8;
	[tilespmem:$0x9780] =	vst v63  }
0x53: {  	_ =	swait.ge [sflag:s24], $0x800  }
0x54: {  	[sflag:s24] =	ssyncset.done $0x0  }
0x55: {  	s30 =	sadd.s32 $0x2980, s19;
	[sflag:s24] =	ssyncadd.s32 $0xFFFFF800  }
0x56: {  	[spmem:s2] =	stream.indirect.scatter.add.f32 [tilespmem:s20], [sflag:$0x8], $0x10, s30, s14, $0xb8;
	[tilespmem:$0x9780] =	vst v63  }
0x57: {  	_ =	swait.ge [sflag:s25], $0x800  }
0x58: {  	[sflag:s25] =	ssyncset.done $0x0  }
0x59: {  	s30 =	sadd.s32 $0x200, s19;
	[sflag:s25] =	ssyncadd.s32 $0xFFFFF800  }
0x5a: {  	[tilespmem:s15], [sflag:$0x1] =	stream.indirect.gather [hbm4b:s4+s14], $0x10, s30, s14, $0xb8;
	[tilespmem:$0x9780] =	vst v63  }
0x5b: {  	_ =	swait.ge [sflag:s26], $0x800  }
0x5c: {  	[sflag:s26] =	ssyncset.done $0x0  }
0x5d: {  	s30 =	sadd.s32 $0x280, s19;
	[sflag:s26] =	ssyncadd.s32 $0xFFFFF800  }
0x5e: {  	[tilespmem:s16], [sflag:$0x2] =	stream.indirect.gather [hbm4b:s4+s14], $0x10, s30, s14, $0xb8;
	[tilespmem:$0x9780] =	vst v63  }
0x5f: {  	_ =	swait.ge [sflag:s28], $0x800  }
0x60: {  	[sflag:s28] =	ssyncset.done $0x0  }
.Ltmp0:
0x61: {  	s30 =	sadd.s32 $0x300, s19;
	[sflag:s28] =	ssyncadd.s32 $0xFFFFF800;
	(pc) =	sbr.rel @p0 .LBB2_2-.Ltmp0, $4  }
0x62: {  	[tilespmem:s18], [sflag:$0x3] =	stream.indirect.gather [hbm4b:s4+s14], $0x10, s30, s14, $0xb8;
	[tilespmem:$0x9780] =	vst v63  }
0x63: {  	_ =	swait.ge [sflag:s29], $0x800  }
0x64: {  	[sflag:s29] =	ssyncset.done $0x0  }
0x65: {  	s19 =	sadd.s32 $0x380, s19;
	[sflag:s29] =	ssyncadd.s32 $0xFFFFF800  }
0x66: {  	[tilespmem:s20], [sflag:$0x4] =	stream.indirect.gather [hbm4b:s4+s14], $0x10, s19, s14, $0xb8;
	[tilespmem:$0x9780] =	vst v63  }
0x67: {  	_ =	swait.ge [sflag:s21], $0x800  }
0x68: {  	[sflag:s21] =	ssyncset.done $0x0  }
0x69: {  	s17 =	simm.s32 $0x4E00;
	[sflag:s21] =	ssyncadd.s32 $0xFFFFF800  }
0x6a: {  	[spmem:s2] =	stream.indirect.scatter.add.f32 [tilespmem:s15], [sflag:$0x5], $0x10, s17, s14, $0xb8;
	[tilespmem:$0x9780] =	vst v63  }
0x6b: {  	_ =	swait.ge [sflag:s22], $0x800  }
0x6c: {  	[sflag:s22] =	ssyncset.done $0x0  }
0x6d: {  	[sflag:s22] =	ssyncadd.s32 $0xFFFFF800  }
0x6e: {  	[spmem:s2] =	stream.indirect.scatter.add.f32 [tilespmem:s16], [sflag:$0x6], $0x10, s31, s14, $0xb8;
	[tilespmem:$0x9780] =	vst v63  }
0x6f: {  	_ =	swait.ge [sflag:s23], $0x800  }
0x70: {  	[sflag:s23] =	ssyncset.done $0x0  }
0x71: {  	[sflag:s23] =	ssyncadd.s32 $0xFFFFF800  }
0x72: {  	[spmem:s2] =	stream.indirect.scatter.add.f32 [tilespmem:s18], [sflag:$0x7], $0x10, s1, s14, $0xb8;
	[tilespmem:$0x9780] =	vst v63  }
0x73: {  	_ =	swait.ge [sflag:s24], $0x800  }
0x74: {  	[sflag:s24] =	ssyncset.done $0x0  }
0x75: {  	[sflag:s24] =	ssyncadd.s32 $0xFFFFF800  }
0x76: {  	[spmem:s2] =	stream.indirect.scatter.add.f32 [tilespmem:s20], [sflag:$0x8], $0x10, s0, s14, $0xb8;
	[tilespmem:$0x9780] =	vst v63  }
0x77: {  	_ =	swait.ge [sflag:s25], $0x800  }
0x78: {  	[sflag:s25] =	ssyncset.done $0x0  }
0x79: {  	[sflag:s25] =	ssyncadd.s32 $0xFFFFF800  }
0x7a: {  	_ =	swait.ge [sflag:s26], $0x800  }
0x7b: {  	[sflag:s26] =	ssyncset.done $0x0  }
0x7c: {  	[sflag:s26] =	ssyncadd.s32 $0xFFFFF800  }
0x7d: {  	_ =	swait.ge [sflag:s28], $0x800  }
0x7e: {  	[sflag:s28] =	ssyncset.done $0x0  }
0x7f: {  	[sflag:s28] =	ssyncadd.s32 $0xFFFFF800  }
0x80: {  	_ =	swait.ge [sflag:s29], $0x800  }
0x81: {  	s13 =	sadd.s32 $0x1, s13;
	[sflag:s29] =	ssyncset.done $0x0  }
0x82: {  	p0 =	sne.s32 s13, s10;
	[sflag:s29] =	ssyncadd.s32 $0xFFFFF800  }
.Ltmp1:
0x83: {  	[bflag:$0x0] =	sbarrier.arrive $0xFFFF;
	(pc) =	sbr.rel @p0 .LBB2_1-.Ltmp1, $4  }
0x84: {  	[hbm:s9], [sflag:s6] =	dma.local [spmem:s11], $0x4F0  }
0x85: {  	_ =	swait.ge [sflag:s12], $0x4F0  }
0x86: {  	[sflag:s12] =	ssyncset.done $0x0  }
0x87: {  	[sflag:s12] =	ssyncadd.s32 $0xFFFFFB10  }
0x88: {  	_ =	sfence.sel $0x180000  }
0x89: {  	[bflag:$0x0] =	sbarrier.arrive $0xFFFF  }
0x8a: {  	_ =	strace $0x90000050  }
0x8b: {  	s0 =	stileid.u32;
	[bflag:$0x2] =	sbarrier.arrive $0xFFFF  }
0x8c: {  	p0 =	sne.s32 s0, $0x0;
	s0 =	rddreg [dreg:$0x2]  }
0x8d: {  	s0 =	sadd.s32 @!p0 $0x100000, s0  }
0x8e: {  	[sflag:s0] =	ssyncadd.tile.s32 @!p0 $0x1;
	_ =	shalt  }
.Lfunc_end2:
_tile_overlayer_lowered:
.L_overlay_start_2:
0x8f: {  	(tag) =	ssettag $0x2  }
0x90: {  	s0 =	rddreg [dreg:$0x0];
	s2 =	stileid.u32  }
0x91: {  	s1 =	rddreg [dreg:$0x1];
	p0 =	sne.s32 s2, $0x0  }
0x92: {  	s3 =	rddreg [dreg:$0x2];
	[bflag:$0x3] =	sbarrier.arrive $0xFFFF;
	s2 =	simm.s32 @!p0 $0x1C09  }
0x93: {  	[timem:s3], [sflag:s2] =	dma.local @!p0 [hbm:s0], s1  }
0x94: {  	s0 =	simm.s32 @!p0 $0x9  }
0x95: {  	_ =	swait.ge @!p0 [sflag:s0], s1  }
0x96: {  	s1 =	ssub.s32 @!p0 $0x0, s1;
	[sflag:s0] =	ssyncset.done @!p0 $0x0  }
0x97: {  	[sflag:s0] =	ssyncadd.s32 @!p0 s1  }
0x98: {  	[bflag:$0x3] =	sbarrier.arrive $0xFFFF  }
0x99: {  	_ =	shalt  }

</sc_bundles>
